<compile_context>
chip_gen: v7x
topology: tpu7x:2x2x1
jax: 0.10.2.dev20260603
libtpu: 0.0.44.dev20260713+nightly
codegen_flags: <defaults>
</compile_context>

<pallas_src>
import functools

import jax
import jax.numpy as jnp
from jax import lax
from jax.experimental import pallas as pl
from jax.experimental.pallas import tpu as pltpu
from jax.experimental.pallas import tpu_sc as plsc

_N = 10000
_E = 320000
_D = 128
_H = 16
_C = 300

_NC = 2
_NS = 16
_NW = _NC * _NS
_CHUNK = 128
_TOTCH = _E // _CHUNK
_BASECH = _TOTCH // _NW
_EXTRA = _TOTCH - _BASECH * _NW
_MAXCH = _BASECH + 1
_NPAD = _NW * 320
_RPT = _NPAD // _NS
_NB = 12
_DLAG = 4


def _seg_body(with_deg, xl_hbm, src_hbm, dst_hbm, ones_hbm, zdeg_hbm,
              zrows_hbm, *refs):
    if with_deg:
        (s_out, deg_out, s_sh, deg_sh, src_v, dst_v, rows_v, ones_v,
         tmp_rows, tmp_deg, gsem, ssem, dsem) = refs
    else:
        (s_out, s_sh, src_v, dst_v, rows_v, tmp_rows, gsem, ssem, dsem) = refs
    c = lax.axis_index("c")
    s = lax.axis_index("s")
    wid = c * _NS + s
    nch = jnp.where(wid < _EXTRA, _BASECH + 1, _BASECH)
    base = wid * _BASECH + jnp.minimum(wid, _EXTRA)

    pltpu.sync_copy(zrows_hbm, tmp_rows)
    pltpu.sync_copy(tmp_rows, s_sh.at[pl.ds(s * _RPT, _RPT)])
    if with_deg:
        pltpu.sync_copy(zdeg_hbm, tmp_deg)
        pltpu.sync_copy(tmp_deg, deg_sh.at[pl.ds(s * _RPT, _RPT)])
        pltpu.sync_copy(ones_hbm, ones_v)

    pltpu.sync_copy(src_hbm.at[pl.ds(base, _BASECH)],
                    src_v.at[pl.ds(0, _BASECH)])
    pltpu.sync_copy(dst_hbm.at[pl.ds(base, _BASECH)],
                    dst_v.at[pl.ds(0, _BASECH)])

    @pl.when(wid < _EXTRA)
    def _stage_extra():
        pltpu.sync_copy(src_hbm.at[pl.ds(base + _BASECH, 1)],
                        src_v.at[pl.ds(_BASECH, 1)])
        pltpu.sync_copy(dst_hbm.at[pl.ds(base + _BASECH, 1)],
                        dst_v.at[pl.ds(_BASECH, 1)])

    plsc.subcore_barrier()

    for p in range(_NB - 1):
        pltpu.async_copy(xl_hbm.at[src_v.at[p]], rows_v.at[p], gsem.at[p])

    def body(j, carry):
        b = lax.rem(j, _NB)
        ahead = j + (_NB - 1)
        fb = lax.rem(ahead, _NB)

        @pl.when(ahead < nch)
        def _fire_ahead():
            @pl.when(j >= 1)
            def _drain_scatter():
                pltpu.make_async_copy(
                    rows_v.at[fb], s_sh.at[dst_v.at[j]], ssem.at[fb]).wait()
            pltpu.async_copy(xl_hbm.at[src_v.at[ahead]], rows_v.at[fb],
                             gsem.at[fb])

        @pl.when(j < nch)
        def _consume():
            pltpu.make_async_copy(xl_hbm.at[src_v.at[j]], rows_v.at[b],
                                  gsem.at[b]).wait()
            pltpu.async_copy(rows_v.at[b], s_sh.at[dst_v.at[j]], ssem.at[b],
                             add=True)
            if with_deg:
                @pl.when(j >= _DLAG)
                def _drain_deg():
                    pltpu.make_async_copy(ones_v, deg_sh.at[dst_v.at[j]],
                                          dsem).wait()
                pltpu.async_copy(ones_v, deg_sh.at[dst_v.at[j]], dsem,
                                 add=True)
        return carry

    lax.fori_loop(0, _MAXCH, body, 0)
    for b in range(_NB):
        pltpu.make_async_copy(rows_v.at[b], s_sh.at[dst_v.at[0]],
                              ssem.at[b]).wait()
    if with_deg:
        for _ in range(_DLAG):
            pltpu.make_async_copy(ones_v, deg_sh.at[dst_v.at[0]],
                                  dsem).wait()
    plsc.subcore_barrier()

    pltpu.sync_copy(s_sh.at[pl.ds(s * _RPT, _RPT)], tmp_rows)
    pltpu.sync_copy(tmp_rows, s_out.at[c, pl.ds(s * _RPT, _RPT)])
    if with_deg:
        pltpu.sync_copy(deg_sh.at[pl.ds(s * _RPT, _RPT)], tmp_deg)
        pltpu.sync_copy(tmp_deg, deg_out.at[c, pl.ds(s * _RPT, _RPT)])


def _make_seg_kernel(with_deg):
    mesh = plsc.VectorSubcoreMesh(core_axis_name="c", subcore_axis_name="s")
    if with_deg:
        out_type = (jax.ShapeDtypeStruct((_NC, _NPAD, _H), jnp.float32),
                    jax.ShapeDtypeStruct((_NC, _NPAD), jnp.float32))
    else:
        out_type = jax.ShapeDtypeStruct((_NC, _NPAD, _H), jnp.float32)
    scratch = [pltpu.VMEM_SHARED((_NPAD, _H), jnp.float32)]
    if with_deg:
        scratch.append(pltpu.VMEM_SHARED((_NPAD,), jnp.float32))
    scratch += [
        pltpu.VMEM((_MAXCH, _CHUNK), jnp.int32),
        pltpu.VMEM((_MAXCH, _CHUNK), jnp.int32),
        pltpu.VMEM((_NB, _CHUNK, _H), jnp.float32),
    ]
    if with_deg:
        scratch.append(pltpu.VMEM((_CHUNK,), jnp.float32))
    scratch.append(pltpu.VMEM((_RPT, _H), jnp.float32))
    if with_deg:
        scratch.append(pltpu.VMEM((_RPT,), jnp.float32))
    scratch += [pltpu.SemaphoreType.DMA((_NB,)),
                pltpu.SemaphoreType.DMA((_NB,)),
                pltpu.SemaphoreType.DMA]
    return pl.kernel(functools.partial(_seg_body, with_deg),
                     out_type=out_type, mesh=mesh, scratch_types=scratch,
                     compiler_params=pltpu.CompilerParams(
                         use_tc_tiling_on_sc=False))


_seg_with_deg = _make_seg_kernel(True)
_seg_no_deg = _make_seg_kernel(False)



def _proj_body(x_ref, wl_ref, wr_ref, xl_ref, xr_ref):
    x = x_ref[...]
    xl_ref[...] = jnp.dot(x, wl_ref[...], preferred_element_type=jnp.float32)
    xr_ref[...] = jnp.dot(x, wr_ref[...], preferred_element_type=jnp.float32)


def _layer1_body(s1_ref, deg_ref, xr_ref, b_ref, h_ref, dinv_ref):
    deg = deg_ref[0] + deg_ref[1]
    dinv = 1.0 / jnp.maximum(deg, 1.0)
    s1 = s1_ref[0] + s1_ref[1]
    h_ref[...] = jnp.maximum(s1 * dinv + b_ref[...] + xr_ref[...], 0.0)
    dinv_ref[...] = dinv


def _layer2_body(s2_ref, dinv_ref, h_ref, wcat_ref, b_ref, o_ref):
    agg = (s2_ref[0, :_N] + s2_ref[1, :_N]) * dinv_ref[...]
    cat_t = jnp.concatenate([agg, h_ref[...]], axis=1).T
    z = (jnp.dot(wcat_ref[...], cat_t, preferred_element_type=jnp.float32)
         + b_ref[...])
    m = jnp.max(z, axis=0, keepdims=True)
    lse = jnp.log(jnp.sum(jnp.exp(z - m), axis=0, keepdims=True)) + m
    o_ref[...] = z - lse


_BN = 2000


def kernel(x, edge_index, W_l1, b_l1, W_r1, W_l2, b_l2, W_r2):
    f32 = jnp.float32
    src2d = edge_index[0].reshape(_TOTCH, _CHUNK)
    dst2d = edge_index[1].reshape(_TOTCH, _CHUNK)

    xl, xr = pl.pallas_call(
        _proj_body,
        grid=(_N // _BN,),
        in_specs=[pl.BlockSpec((_BN, _D), lambda i: (i, 0)),
                  pl.BlockSpec((_D, _H), lambda i: (0, 0)),
                  pl.BlockSpec((_D, _H), lambda i: (0, 0))],
        out_specs=[pl.BlockSpec((_BN, _H), lambda i: (i, 0)),
                   pl.BlockSpec((_BN, _H), lambda i: (i, 0))],
        out_shape=[jax.ShapeDtypeStruct((_N, _H), f32),
                   jax.ShapeDtypeStruct((_N, _H), f32)],
    )(x, W_l1, W_r1)

    ones_c = jnp.ones((_CHUNK,), f32)
    zdeg_c = jnp.zeros((_RPT,), f32)
    zrows_c = jnp.zeros((_RPT, _H), f32)

    s1p, degp = _seg_with_deg(xl, src2d, dst2d, ones_c, zdeg_c, zrows_c)
    degp = degp[:, :_N, None]

    h, dinv = pl.pallas_call(
        _layer1_body,
        grid=(_N // _BN,),
        in_specs=[pl.BlockSpec((2, _BN, _H), lambda i: (0, i, 0)),
                  pl.BlockSpec((2, _BN, 1), lambda i: (0, i, 0)),
                  pl.BlockSpec((_BN, _H), lambda i: (i, 0)),
                  pl.BlockSpec((1, _H), lambda i: (0, 0))],
        out_specs=[pl.BlockSpec((_BN, _H), lambda i: (i, 0)),
                   pl.BlockSpec((_BN, 1), lambda i: (i, 0))],
        out_shape=[jax.ShapeDtypeStruct((_N, _H), f32),
                   jax.ShapeDtypeStruct((_N, 1), f32)],
    )(s1p, degp, xr, b_l1.reshape(1, _H))

    s2p = _seg_no_deg(h, src2d, dst2d, ones_c, zdeg_c, zrows_c)

    w_cat_t = jnp.concatenate([W_l2, W_r2], axis=0).T
    out_t = pl.pallas_call(
        _layer2_body,
        out_shape=jax.ShapeDtypeStruct((_C, _N), f32),
    )(s2p, dinv, h, w_cat_t, b_l2.reshape(_C, 1))
    return out_t.T

# --- scband reference (transcript-rebuilt; emitter-appended) ---
"""Pipeline reference for scband-gnn-69535520522427 (READ-ONLY COPY).

The authoritative reference and input builder live on the scoring server;
editing this copy changes nothing except your own understanding.
"""

import jax, jax.numpy as jnp
import numpy as np

N = 10000   # n_nodes
E = 320000  # n_edges
D = 128     # in feature dim
H = 16      # hidden_channels
C = 300     # out_channels


def setup_inputs(seed: int = 0) -> dict:
    key = jax.random.key(seed)
    ks = jax.random.split(key, 8)
    x = jax.random.normal(ks[0], (N, D), dtype=jnp.float32)
    edge_index = jax.random.randint(ks[1], (2, E), 0, N, dtype=jnp.int32)
    # SAGEConv layer 1 (lazy (-1,-1) -> in=D, out=H): lin_l (with bias) applied to
    # aggregated neighbors, lin_r (no bias) applied to root features.
    W_l1 = jax.random.normal(ks[2], (D, H), dtype=jnp.float32) * (1.0 / np.sqrt(D))
    b_l1 = jnp.zeros((H,), dtype=jnp.float32)
    W_r1 = jax.random.normal(ks[3], (D, H), dtype=jnp.float32) * (1.0 / np.sqrt(D))
    # SAGEConv output layer (in=H, out=C)
    W_l2 = jax.random.normal(ks[4], (H, C), dtype=jnp.float32) * (1.0 / np.sqrt(H))
    b_l2 = jnp.zeros((C,), dtype=jnp.float32)
    W_r2 = jax.random.normal(ks[5], (H, C), dtype=jnp.float32) * (1.0 / np.sqrt(H))
    return {
        "x": x,
        "edge_index": edge_index,
        "W_l1": W_l1,
        "b_l1": b_l1,
        "W_r1": W_r1,
        "W_l2": W_l2,
        "b_l2": b_l2,
        "W_r2": W_r2,
    }


def _sage_conv(x_in, src, dst, W_l, b_l, W_r):
    # message: x_j = x[src]; aggregate: mean over incoming edges at dst
    msgs = jnp.take(x_in, src, axis=0)                      # gather [E, d]
    summed = jax.ops.segment_sum(msgs, dst, num_segments=N)  # scatter-add
    deg = jax.ops.segment_sum(jnp.ones((src.shape[0],), jnp.float32), dst,
                              num_segments=N)
    agg = summed / jnp.clip(deg, 1.0, None)[:, None]
    # out = lin_l(agg) + lin_r(x)
    return agg @ W_l + b_l + x_in @ W_r


def reference(x, edge_index, W_l1, b_l1, W_r1, W_l2, b_l2, W_r2):
    src = edge_index[0]
    dst = edge_index[1]
    h = _sage_conv(x, src, dst, W_l1, b_l1, W_r1)
    h = jax.nn.relu(h)
    # F.dropout treated as identity (deterministic eval-mode reference)
    out = _sage_conv(h, src, dst, W_l2, b_l2, W_r2)
    return jax.nn.log_softmax(out, axis=1)

if __name__ == "__main__":
    import jax
    _d = setup_inputs()
    print(jax.jit(kernel)(*tuple(_d.values())))

</pallas_src>

<mosaic_0001>
#map = affine_map<(d0, d1) -> (0, 0)>
#map1 = affine_map<(d0, d1) -> (0)>
#map2 = affine_map<(d0, d1) -> (0, 0, 0)>
module attributes {stable_mosaic.version = 14 : i64} {
  func.func @_seg_body(%arg0: i32, %arg1: i32, %arg2: memref<10000x16xf32, #tpu.memory_space<hbm>>, %arg3: memref<2500x128xi32, #tpu.memory_space<hbm>>, %arg4: memref<2500x128xi32, #tpu.memory_space<hbm>>, %arg5: memref<128xf32, #tpu.memory_space<hbm>>, %arg6: memref<640xf32, #tpu.memory_space<hbm>>, %arg7: memref<640x16xf32, #tpu.memory_space<hbm>>, %arg8: memref<2x10240x16xf32, #tpu.memory_space<hbm>>, %arg9: memref<10240x16xf32, #tpu.memory_space<vmem_shared>>, %arg10: memref<79x128xi32, #tpu.memory_space<vmem>>, %arg11: memref<79x128xi32, #tpu.memory_space<vmem>>, %arg12: memref<12x128x16xf32, #tpu.memory_space<vmem>>, %arg13: memref<640x16xf32, #tpu.memory_space<vmem>>, %arg14: memref<12x!tpu.dma_semaphore, #tpu.memory_space<semaphore_mem>>, %arg15: memref<12x!tpu.dma_semaphore, #tpu.memory_space<semaphore_mem>>, %arg16: memref<!tpu.dma_semaphore, #tpu.memory_space<semaphore_mem>>) attributes {dimension_semantics = [#tpu.dimension_semantics<core_parallel>, #tpu.dimension_semantics<subcore_parallel>], iteration_bounds = array<i64: 2, 16>, scalar_prefetch = 0 : i64, scratch_operands = 8 : i64, tpu.core_type = #tpu.core_type<sc_vector_subcore>, window_params = [{transform_indices = #map}, {transform_indices = #map}, {transform_indices = #map}, {transform_indices = #map1}, {transform_indices = #map1}, {transform_indices = #map}, {transform_indices = #map2}]} {
    %mul3A = arith.constant 16 : i32
    %mul3A_0 = arith.muli %arg0, %mul3A : i32
    %add3A = arith.addi %mul3A_0, %arg1 : i32
    %lt3A = arith.constant 4 : i32
    %lt3A_1 = arith.cmpi slt, %add3A, %lt3A : i32
    %jit3A = arith.constant 79 : i32
    %jit3A_2 = arith.constant 78 : i32
    %select_n3A = arith.select %lt3A_1, %jit3A, %jit3A_2 : i32
    %mul3A_3 = arith.constant 78 : i32
    %mul3A_4 = arith.muli %add3A, %mul3A_3 : i32
    %min3A = arith.constant 4 : i32
    %min3A_5 = arith.minsi %add3A, %min3A : i32
    %add3A_6 = arith.addi %mul3A_4, %min3A_5 : i32
    "tpu.region"() ({
      %run_scoped3A = tpu.sem_alloc : memref<!tpu.dma_semaphore, #tpu.memory_space<semaphore_mem>>
      tpu.enqueue_dma source(%arg7 : memref<640x16xf32, #tpu.memory_space<hbm>>) target(%arg13 : memref<640x16xf32, #tpu.memory_space<vmem>>) target_semaphore(%run_scoped3A : memref<!tpu.dma_semaphore, #tpu.memory_space<semaphore_mem>>)
      tpu.wait_dma2 semaphore(%run_scoped3A : memref<!tpu.dma_semaphore, #tpu.memory_space<semaphore_mem>>) src(%arg7 : memref<640x16xf32, #tpu.memory_space<hbm>>) dst(%arg13 : memref<640x16xf32, #tpu.memory_space<vmem>>)
      tpu.yield
    }) : () -> ()
    %mul3A_7 = arith.constant 640 : i32
    %mul3A_8 = arith.muli %arg1, %mul3A_7 : i32
    "tpu.region"() ({
      %run_scoped3A = tpu.sem_alloc : memref<!tpu.dma_semaphore, #tpu.memory_space<semaphore_mem>>
      %dma_start3A_365 = arith.constant 0 : i32
      %dma_start3A_366 = tpu.memref_slice %arg9[%mul3A_8, %dma_start3A_365] : memref<10240x16xf32, #tpu.memory_space<vmem_shared>> -> memref<640x16xf32, #tpu.memory_space<vmem_shared>>
      %dma_start3A_367 = arith.constant 0 : i32
      %dma_start3A_368 = tpu.memref_slice %arg9[%mul3A_8, %dma_start3A_367] : memref<10240x16xf32, #tpu.memory_space<vmem_shared>> -> memref<640x16xf32, #tpu.memory_space<vmem_shared>>
      tpu.enqueue_dma source(%arg13 : memref<640x16xf32, #tpu.memory_space<vmem>>) target(%dma_start3A_368 : memref<640x16xf32, #tpu.memory_space<vmem_shared>>) target_semaphore(%run_scoped3A : memref<!tpu.dma_semaphore, #tpu.memory_space<semaphore_mem>>)
      %dma_wait3A_369 = arith.constant 0 : i32
      %dma_wait3A_370 = tpu.memref_slice %arg9[%mul3A_8, %dma_wait3A_369] : memref<10240x16xf32, #tpu.memory_space<vmem_shared>> -> memref<640x16xf32, #tpu.memory_space<vmem_shared>>
      %dma_wait3A_371 = arith.constant 0 : i32
      %dma_wait3A_372 = tpu.memref_slice %arg9[%mul3A_8, %dma_wait3A_371] : memref<10240x16xf32, #tpu.memory_space<vmem_shared>> -> memref<640x16xf32, #tpu.memory_space<vmem_shared>>
      tpu.wait_dma2 semaphore(%run_scoped3A : memref<!tpu.dma_semaphore, #tpu.memory_space<semaphore_mem>>) src(%arg13 : memref<640x16xf32, #tpu.memory_space<vmem>>) dst(%dma_wait3A_372 : memref<640x16xf32, #tpu.memory_space<vmem_shared>>)
      tpu.yield
    }) : () -> ()
    "tpu.region"() ({
      %run_scoped3A = tpu.sem_alloc : memref<!tpu.dma_semaphore, #tpu.memory_space<semaphore_mem>>
      %dma_start3A_365 = arith.constant 0 : i32
      %dma_start3A_366 = arith.constant 0 : i32
      %dma_start3A_367 = tpu.memref_slice %arg10[%dma_start3A_365, %dma_start3A_366] : memref<79x128xi32, #tpu.memory_space<vmem>> -> memref<78x128xi32, #tpu.memory_space<vmem>>
      %dma_start3A_368 = arith.constant 0 : i32
      %dma_start3A_369 = tpu.memref_slice %arg3[%add3A_6, %dma_start3A_368] : memref<2500x128xi32, #tpu.memory_space<hbm>> -> memref<78x128xi32, #tpu.memory_space<hbm>>
      %dma_start3A_370 = arith.constant 0 : i32
      %dma_start3A_371 = arith.constant 0 : i32
      %dma_start3A_372 = tpu.memref_slice %arg10[%dma_start3A_370, %dma_start3A_371] : memref<79x128xi32, #tpu.memory_space<vmem>> -> memref<78x128xi32, #tpu.memory_space<vmem>>
      %dma_start3A_373 = arith.constant 0 : i32
      %dma_start3A_374 = tpu.memref_slice %arg3[%add3A_6, %dma_start3A_373] : memref<2500x128xi32, #tpu.memory_space<hbm>> -> memref<78x128xi32, #tpu.memory_space<hbm>>
      tpu.enqueue_dma source(%dma_start3A_374 : memref<78x128xi32, #tpu.memory_space<hbm>>) target(%dma_start3A_372 : memref<78x128xi32, #tpu.memory_space<vmem>>) target_semaphore(%run_scoped3A : memref<!tpu.dma_semaphore, #tpu.memory_space<semaphore_mem>>)
      %dma_wait3A_375 = arith.constant 0 : i32
      %dma_wait3A_376 = arith.constant 0 : i32
      %dma_wait3A_377 = tpu.memref_slice %arg10[%dma_wait3A_375, %dma_wait3A_376] : memref<79x128xi32, #tpu.memory_space<vmem>> -> memref<78x128xi32, #tpu.memory_space<vmem>>
      %dma_wait3A_378 = arith.constant 0 : i32
      %dma_wait3A_379 = tpu.memref_slice %arg3[%add3A_6, %dma_wait3A_378] : memref<2500x128xi32, #tpu.memory_space<hbm>> -> memref<78x128xi32, #tpu.memory_space<hbm>>
      %dma_wait3A_380 = arith.constant 0 : i32
      %dma_wait3A_381 = arith.constant 0 : i32
      %dma_wait3A_382 = tpu.memref_slice %arg10[%dma_wait3A_380, %dma_wait3A_381] : memref<79x128xi32, #tpu.memory_space<vmem>> -> memref<78x128xi32, #tpu.memory_space<vmem>>
      %dma_wait3A_383 = arith.constant 0 : i32
      %dma_wait3A_384 = tpu.memref_slice %arg3[%add3A_6, %dma_wait3A_383] : memref<2500x128xi32, #tpu.memory_space<hbm>> -> memref<78x128xi32, #tpu.memory_space<hbm>>
      tpu.wait_dma2 semaphore(%run_scoped3A : memref<!tpu.dma_semaphore, #tpu.memory_space<semaphore_mem>>) src(%dma_wait3A_384 : memref<78x128xi32, #tpu.memory_space<hbm>>) dst(%dma_wait3A_382 : memref<78x128xi32, #tpu.memory_space<vmem>>)
      tpu.yield
    }) : () -> ()
    "tpu.region"() ({
      %run_scoped3A = tpu.sem_alloc : memref<!tpu.dma_semaphore, #tpu.memory_space<semaphore_mem>>
      %dma_start3A_365 = arith.constant 0 : i32
      %dma_start3A_366 = arith.constant 0 : i32
      %dma_start3A_367 = tpu.memref_slice %arg11[%dma_start3A_365, %dma_start3A_366] : memref<79x128xi32, #tpu.memory_space<vmem>> -> memref<78x128xi32, #tpu.memory_space<vmem>>
      %dma_start3A_368 = arith.constant 0 : i32
      %dma_start3A_369 = tpu.memref_slice %arg4[%add3A_6, %dma_start3A_368] : memref<2500x128xi32, #tpu.memory_space<hbm>> -> memref<78x128xi32, #tpu.memory_space<hbm>>
      %dma_start3A_370 = arith.constant 0 : i32
      %dma_start3A_371 = arith.constant 0 : i32
      %dma_start3A_372 = tpu.memref_slice %arg11[%dma_start3A_370, %dma_start3A_371] : memref<79x128xi32, #tpu.memory_space<vmem>> -> memref<78x128xi32, #tpu.memory_space<vmem>>
      %dma_start3A_373 = arith.constant 0 : i32
      %dma_start3A_374 = tpu.memref_slice %arg4[%add3A_6, %dma_start3A_373] : memref<2500x128xi32, #tpu.memory_space<hbm>> -> memref<78x128xi32, #tpu.memory_space<hbm>>
      tpu.enqueue_dma source(%dma_start3A_374 : memref<78x128xi32, #tpu.memory_space<hbm>>) target(%dma_start3A_372 : memref<78x128xi32, #tpu.memory_space<vmem>>) target_semaphore(%run_scoped3A : memref<!tpu.dma_semaphore, #tpu.memory_space<semaphore_mem>>)
      %dma_wait3A_375 = arith.constant 0 : i32
      %dma_wait3A_376 = arith.constant 0 : i32
      %dma_wait3A_377 = tpu.memref_slice %arg11[%dma_wait3A_375, %dma_wait3A_376] : memref<79x128xi32, #tpu.memory_space<vmem>> -> memref<78x128xi32, #tpu.memory_space<vmem>>
      %dma_wait3A_378 = arith.constant 0 : i32
      %dma_wait3A_379 = tpu.memref_slice %arg4[%add3A_6, %dma_wait3A_378] : memref<2500x128xi32, #tpu.memory_space<hbm>> -> memref<78x128xi32, #tpu.memory_space<hbm>>
      %dma_wait3A_380 = arith.constant 0 : i32
      %dma_wait3A_381 = arith.constant 0 : i32
      %dma_wait3A_382 = tpu.memref_slice %arg11[%dma_wait3A_380, %dma_wait3A_381] : memref<79x128xi32, #tpu.memory_space<vmem>> -> memref<78x128xi32, #tpu.memory_space<vmem>>
      %dma_wait3A_383 = arith.constant 0 : i32
      %dma_wait3A_384 = tpu.memref_slice %arg4[%add3A_6, %dma_wait3A_383] : memref<2500x128xi32, #tpu.memory_space<hbm>> -> memref<78x128xi32, #tpu.memory_space<hbm>>
      tpu.wait_dma2 semaphore(%run_scoped3A : memref<!tpu.dma_semaphore, #tpu.memory_space<semaphore_mem>>) src(%dma_wait3A_384 : memref<78x128xi32, #tpu.memory_space<hbm>>) dst(%dma_wait3A_382 : memref<78x128xi32, #tpu.memory_space<vmem>>)
      tpu.yield
    }) : () -> ()
    %lt3A_9 = arith.constant 4 : i32
    %lt3A_10 = arith.cmpi slt, %add3A, %lt3A_9 : i32
    %convert_element_type3A = arith.extui %lt3A_10 : i1 to i32
    %cond3A = arith.constant 0 : i32
    %cond3A_11 = arith.cmpi ne, %convert_element_type3A, %cond3A : i32
    scf.if %cond3A_11 {
      %add3A_365 = arith.constant 78 : i32
      %add3A_366 = arith.addi %add3A_6, %add3A_365 : i32
      "tpu.region"() ({
        %run_scoped3A = tpu.sem_alloc : memref<!tpu.dma_semaphore, #tpu.memory_space<semaphore_mem>>
        %dma_start3A_369 = arith.constant 78 : i32
        %dma_start3A_370 = arith.constant 0 : i32
        %dma_start3A_371 = tpu.memref_slice %arg10[%dma_start3A_369, %dma_start3A_370] : memref<79x128xi32, #tpu.memory_space<vmem>> -> memref<1x128xi32, #tpu.memory_space<vmem>>
        %dma_start3A_372 = arith.constant 0 : i32
        %dma_start3A_373 = tpu.memref_slice %arg3[%add3A_366, %dma_start3A_372] : memref<2500x128xi32, #tpu.memory_space<hbm>> -> memref<1x128xi32, #tpu.memory_space<hbm>>
        %dma_start3A_374 = arith.constant 78 : i32
        %dma_start3A_375 = arith.constant 0 : i32
        %dma_start3A_376 = tpu.memref_slice %arg10[%dma_start3A_374, %dma_start3A_375] : memref<79x128xi32, #tpu.memory_space<vmem>> -> memref<1x128xi32, #tpu.memory_space<vmem>>
        %dma_start3A_377 = arith.constant 0 : i32
        %dma_start3A_378 = tpu.memref_slice %arg3[%add3A_366, %dma_start3A_377] : memref<2500x128xi32, #tpu.memory_space<hbm>> -> memref<1x128xi32, #tpu.memory_space<hbm>>
        tpu.enqueue_dma source(%dma_start3A_378 : memref<1x128xi32, #tpu.memory_space<hbm>>) target(%dma_start3A_376 : memref<1x128xi32, #tpu.memory_space<vmem>>) target_semaphore(%run_scoped3A : memref<!tpu.dma_semaphore, #tpu.memory_space<semaphore_mem>>)
        %dma_wait3A_379 = arith.constant 78 : i32
        %dma_wait3A_380 = arith.constant 0 : i32
        %dma_wait3A_381 = tpu.memref_slice %arg10[%dma_wait3A_379, %dma_wait3A_380] : memref<79x128xi32, #tpu.memory_space<vmem>> -> memref<1x128xi32, #tpu.memory_space<vmem>>
        %dma_wait3A_382 = arith.constant 0 : i32
        %dma_wait3A_383 = tpu.memref_slice %arg3[%add3A_366, %dma_wait3A_382] : memref<2500x128xi32, #tpu.memory_space<hbm>> -> memref<1x128xi32, #tpu.memory_space<hbm>>
        %dma_wait3A_384 = arith.constant 78 : i32
        %dma_wait3A_385 = arith.constant 0 : i32
        %dma_wait3A_386 = tpu.memref_slice %arg10[%dma_wait3A_384, %dma_wait3A_385] : memref<79x128xi32, #tpu.memory_space<vmem>> -> memref<1x128xi32, #tpu.memory_space<vmem>>
        %dma_wait3A_387 = arith.constant 0 : i32
        %dma_wait3A_388 = tpu.memref_slice %arg3[%add3A_366, %dma_wait3A_387] : memref<2500x128xi32, #tpu.memory_space<hbm>> -> memref<1x128xi32, #tpu.memory_space<hbm>>
        tpu.wait_dma2 semaphore(%run_scoped3A : memref<!tpu.dma_semaphore, #tpu.memory_space<semaphore_mem>>) src(%dma_wait3A_388 : memref<1x128xi32, #tpu.memory_space<hbm>>) dst(%dma_wait3A_386 : memref<1x128xi32, #tpu.memory_space<vmem>>)
        tpu.yield
      }) : () -> ()
      %add3A_367 = arith.constant 78 : i32
      %add3A_368 = arith.addi %add3A_6, %add3A_367 : i32
      "tpu.region"() ({
        %run_scoped3A = tpu.sem_alloc : memref<!tpu.dma_semaphore, #tpu.memory_space<semaphore_mem>>
        %dma_start3A_369 = arith.constant 78 : i32
        %dma_start3A_370 = arith.constant 0 : i32
        %dma_start3A_371 = tpu.memref_slice %arg11[%dma_start3A_369, %dma_start3A_370] : memref<79x128xi32, #tpu.memory_space<vmem>> -> memref<1x128xi32, #tpu.memory_space<vmem>>
        %dma_start3A_372 = arith.constant 0 : i32
        %dma_start3A_373 = tpu.memref_slice %arg4[%add3A_368, %dma_start3A_372] : memref<2500x128xi32, #tpu.memory_space<hbm>> -> memref<1x128xi32, #tpu.memory_space<hbm>>
        %dma_start3A_374 = arith.constant 78 : i32
        %dma_start3A_375 = arith.constant 0 : i32
        %dma_start3A_376 = tpu.memref_slice %arg11[%dma_start3A_374, %dma_start3A_375] : memref<79x128xi32, #tpu.memory_space<vmem>> -> memref<1x128xi32, #tpu.memory_space<vmem>>
        %dma_start3A_377 = arith.constant 0 : i32
        %dma_start3A_378 = tpu.memref_slice %arg4[%add3A_368, %dma_start3A_377] : memref<2500x128xi32, #tpu.memory_space<hbm>> -> memref<1x128xi32, #tpu.memory_space<hbm>>
        tpu.enqueue_dma source(%dma_start3A_378 : memref<1x128xi32, #tpu.memory_space<hbm>>) target(%dma_start3A_376 : memref<1x128xi32, #tpu.memory_space<vmem>>) target_semaphore(%run_scoped3A : memref<!tpu.dma_semaphore, #tpu.memory_space<semaphore_mem>>)
        %dma_wait3A_379 = arith.constant 78 : i32
        %dma_wait3A_380 = arith.constant 0 : i32
        %dma_wait3A_381 = tpu.memref_slice %arg11[%dma_wait3A_379, %dma_wait3A_380] : memref<79x128xi32, #tpu.memory_space<vmem>> -> memref<1x128xi32, #tpu.memory_space<vmem>>
        %dma_wait3A_382 = arith.constant 0 : i32
        %dma_wait3A_383 = tpu.memref_slice %arg4[%add3A_368, %dma_wait3A_382] : memref<2500x128xi32, #tpu.memory_space<hbm>> -> memref<1x128xi32, #tpu.memory_space<hbm>>
        %dma_wait3A_384 = arith.constant 78 : i32
        %dma_wait3A_385 = arith.constant 0 : i32
        %dma_wait3A_386 = tpu.memref_slice %arg11[%dma_wait3A_384, %dma_wait3A_385] : memref<79x128xi32, #tpu.memory_space<vmem>> -> memref<1x128xi32, #tpu.memory_space<vmem>>
        %dma_wait3A_387 = arith.constant 0 : i32
        %dma_wait3A_388 = tpu.memref_slice %arg4[%add3A_368, %dma_wait3A_387] : memref<2500x128xi32, #tpu.memory_space<hbm>> -> memref<1x128xi32, #tpu.memory_space<hbm>>
        tpu.wait_dma2 semaphore(%run_scoped3A : memref<!tpu.dma_semaphore, #tpu.memory_space<semaphore_mem>>) src(%dma_wait3A_388 : memref<1x128xi32, #tpu.memory_space<hbm>>) dst(%dma_wait3A_386 : memref<1x128xi32, #tpu.memory_space<vmem>>)
        tpu.yield
      }) : () -> ()
    } else {
    }
    %barrier3A = arith.constant 0 : index
    tpu.barrier barrier_id(%barrier3A)
    %dma_start3A = arith.constant 0 : i32
    %dma_start3A_12 = arith.constant 0 : i32
    %dma_start3A_13 = arith.constant 0 : i32
    %dma_start3A_14 = arith.constant 0 : i32
    %dma_start3A_15 = arith.constant 0 : i32
    %dma_start3A_16 = tpu.memref_slice %arg12[%dma_start3A_12, %dma_start3A_14, %dma_start3A_15] : memref<12x128x16xf32, #tpu.memory_space<vmem>> -> memref<1x128x16xf32, #tpu.memory_space<vmem>>
    %dma_start3A_17 = tpu.memref_squeeze %dma_start3A_16 : memref<1x128x16xf32, #tpu.memory_space<vmem>> -> memref<128x16xf32, #tpu.memory_space<vmem>>
    %dma_start3A_18 = arith.constant 0 : i32
    %dma_start3A_19 = tpu.memref_slice %arg10[%dma_start3A, %dma_start3A_18] : memref<79x128xi32, #tpu.memory_space<vmem>> -> memref<1x128xi32, #tpu.memory_space<vmem>>
    %dma_start3A_20 = tpu.memref_squeeze %dma_start3A_19 : memref<1x128xi32, #tpu.memory_space<vmem>> -> memref<128xi32, #tpu.memory_space<vmem>>
    %dma_start3A_21 = arith.constant 0 : i32
    %dma_start3A_22 = arith.constant 0 : i32
    %dma_start3A_23 = tpu.memref_slice %arg2[%dma_start3A_21, %dma_start3A_22] : memref<10000x16xf32, #tpu.memory_space<hbm>> -> memref<10000x16xf32, #tpu.memory_space<hbm>>
    %dma_start3A_24 = tpu.memref_slice %arg14[%dma_start3A_13] : memref<12x!tpu.dma_semaphore, #tpu.memory_space<semaphore_mem>> -> memref<1x!tpu.dma_semaphore, #tpu.memory_space<semaphore_mem>>
    %dma_start3A_25 = tpu.memref_squeeze %dma_start3A_24 : memref<1x!tpu.dma_semaphore, #tpu.memory_space<semaphore_mem>> -> memref<!tpu.dma_semaphore, #tpu.memory_space<semaphore_mem>>
    tpu.enqueue_indirect_dma source(%dma_start3A_23 : memref<10000x16xf32, #tpu.memory_space<hbm>>) target(%dma_start3A_17 : memref<128x16xf32, #tpu.memory_space<vmem>>) offsets(%dma_start3A_20 : memref<128xi32, #tpu.memory_space<vmem>>) semaphore(%dma_start3A_25 : memref<!tpu.dma_semaphore, #tpu.memory_space<semaphore_mem>>)
    %dma_start3A_26 = arith.constant 1 : i32
    %dma_start3A_27 = arith.constant 1 : i32
    %dma_start3A_28 = arith.constant 1 : i32
    %dma_start3A_29 = arith.constant 0 : i32
    %dma_start3A_30 = arith.constant 0 : i32
    %dma_start3A_31 = tpu.memref_slice %arg12[%dma_start3A_27, %dma_start3A_29, %dma_start3A_30] : memref<12x128x16xf32, #tpu.memory_space<vmem>> -> memref<1x128x16xf32, #tpu.memory_space<vmem>>
    %dma_start3A_32 = tpu.memref_squeeze %dma_start3A_31 : memref<1x128x16xf32, #tpu.memory_space<vmem>> -> memref<128x16xf32, #tpu.memory_space<vmem>>
    %dma_start3A_33 = arith.constant 0 : i32
    %dma_start3A_34 = tpu.memref_slice %arg10[%dma_start3A_26, %dma_start3A_33] : memref<79x128xi32, #tpu.memory_space<vmem>> -> memref<1x128xi32, #tpu.memory_space<vmem>>
    %dma_start3A_35 = tpu.memref_squeeze %dma_start3A_34 : memref<1x128xi32, #tpu.memory_space<vmem>> -> memref<128xi32, #tpu.memory_space<vmem>>
    %dma_start3A_36 = arith.constant 0 : i32
    %dma_start3A_37 = arith.constant 0 : i32
    %dma_start3A_38 = tpu.memref_slice %arg2[%dma_start3A_36, %dma_start3A_37] : memref<10000x16xf32, #tpu.memory_space<hbm>> -> memref<10000x16xf32, #tpu.memory_space<hbm>>
    %dma_start3A_39 = tpu.memref_slice %arg14[%dma_start3A_28] : memref<12x!tpu.dma_semaphore, #tpu.memory_space<semaphore_mem>> -> memref<1x!tpu.dma_semaphore, #tpu.memory_space<semaphore_mem>>
    %dma_start3A_40 = tpu.memref_squeeze %dma_start3A_39 : memref<1x!tpu.dma_semaphore, #tpu.memory_space<semaphore_mem>> -> memref<!tpu.dma_semaphore, #tpu.memory_space<semaphore_mem>>
    tpu.enqueue_indirect_dma source(%dma_start3A_38 : memref<10000x16xf32, #tpu.memory_space<hbm>>) target(%dma_start3A_32 : memref<128x16xf32, #tpu.memory_space<vmem>>) offsets(%dma_start3A_35 : memref<128xi32, #tpu.memory_space<vmem>>) semaphore(%dma_start3A_40 : memref<!tpu.dma_semaphore, #tpu.memory_space<semaphore_mem>>)
    %dma_start3A_41 = arith.constant 2 : i32
    %dma_start3A_42 = arith.constant 2 : i32
    %dma_start3A_43 = arith.constant 2 : i32
    %dma_start3A_44 = arith.constant 0 : i32
    %dma_start3A_45 = arith.constant 0 : i32
    %dma_start3A_46 = tpu.memref_slice %arg12[%dma_start3A_42, %dma_start3A_44, %dma_start3A_45] : memref<12x128x16xf32, #tpu.memory_space<vmem>> -> memref<1x128x16xf32, #tpu.memory_space<vmem>>
    %dma_start3A_47 = tpu.memref_squeeze %dma_start3A_46 : memref<1x128x16xf32, #tpu.memory_space<vmem>> -> memref<128x16xf32, #tpu.memory_space<vmem>>
    %dma_start3A_48 = arith.constant 0 : i32
    %dma_start3A_49 = tpu.memref_slice %arg10[%dma_start3A_41, %dma_start3A_48] : memref<79x128xi32, #tpu.memory_space<vmem>> -> memref<1x128xi32, #tpu.memory_space<vmem>>
    %dma_start3A_50 = tpu.memref_squeeze %dma_start3A_49 : memref<1x128xi32, #tpu.memory_space<vmem>> -> memref<128xi32, #tpu.memory_space<vmem>>
    %dma_start3A_51 = arith.constant 0 : i32
    %dma_start3A_52 = arith.constant 0 : i32
    %dma_start3A_53 = tpu.memref_slice %arg2[%dma_start3A_51, %dma_start3A_52] : memref<10000x16xf32, #tpu.memory_space<hbm>> -> memref<10000x16xf32, #tpu.memory_space<hbm>>
    %dma_start3A_54 = tpu.memref_slice %arg14[%dma_start3A_43] : memref<12x!tpu.dma_semaphore, #tpu.memory_space<semaphore_mem>> -> memref<1x!tpu.dma_semaphore, #tpu.memory_space<semaphore_mem>>
    %dma_start3A_55 = tpu.memref_squeeze %dma_start3A_54 : memref<1x!tpu.dma_semaphore, #tpu.memory_space<semaphore_mem>> -> memref<!tpu.dma_semaphore, #tpu.memory_space<semaphore_mem>>
    tpu.enqueue_indirect_dma source(%dma_start3A_53 : memref<10000x16xf32, #tpu.memory_space<hbm>>) target(%dma_start3A_47 : memref<128x16xf32, #tpu.memory_space<vmem>>) offsets(%dma_start3A_50 : memref<128xi32, #tpu.memory_space<vmem>>) semaphore(%dma_start3A_55 : memref<!tpu.dma_semaphore, #tpu.memory_space<semaphore_mem>>)
    %dma_start3A_56 = arith.constant 3 : i32
    %dma_start3A_57 = arith.constant 3 : i32
    %dma_start3A_58 = arith.constant 3 : i32
    %dma_start3A_59 = arith.constant 0 : i32
    %dma_start3A_60 = arith.constant 0 : i32
    %dma_start3A_61 = tpu.memref_slice %arg12[%dma_start3A_57, %dma_start3A_59, %dma_start3A_60] : memref<12x128x16xf32, #tpu.memory_space<vmem>> -> memref<1x128x16xf32, #tpu.memory_space<vmem>>
    %dma_start3A_62 = tpu.memref_squeeze %dma_start3A_61 : memref<1x128x16xf32, #tpu.memory_space<vmem>> -> memref<128x16xf32, #tpu.memory_space<vmem>>
    %dma_start3A_63 = arith.constant 0 : i32
    %dma_start3A_64 = tpu.memref_slice %arg10[%dma_start3A_56, %dma_start3A_63] : memref<79x128xi32, #tpu.memory_space<vmem>> -> memref<1x128xi32, #tpu.memory_space<vmem>>
    %dma_start3A_65 = tpu.memref_squeeze %dma_start3A_64 : memref<1x128xi32, #tpu.memory_space<vmem>> -> memref<128xi32, #tpu.memory_space<vmem>>
    %dma_start3A_66 = arith.constant 0 : i32
    %dma_start3A_67 = arith.constant 0 : i32
    %dma_start3A_68 = tpu.memref_slice %arg2[%dma_start3A_66, %dma_start3A_67] : memref<10000x16xf32, #tpu.memory_space<hbm>> -> memref<10000x16xf32, #tpu.memory_space<hbm>>
    %dma_start3A_69 = tpu.memref_slice %arg14[%dma_start3A_58] : memref<12x!tpu.dma_semaphore, #tpu.memory_space<semaphore_mem>> -> memref<1x!tpu.dma_semaphore, #tpu.memory_space<semaphore_mem>>
    %dma_start3A_70 = tpu.memref_squeeze %dma_start3A_69 : memref<1x!tpu.dma_semaphore, #tpu.memory_space<semaphore_mem>> -> memref<!tpu.dma_semaphore, #tpu.memory_space<semaphore_mem>>
    tpu.enqueue_indirect_dma source(%dma_start3A_68 : memref<10000x16xf32, #tpu.memory_space<hbm>>) target(%dma_start3A_62 : memref<128x16xf32, #tpu.memory_space<vmem>>) offsets(%dma_start3A_65 : memref<128xi32, #tpu.memory_space<vmem>>) semaphore(%dma_start3A_70 : memref<!tpu.dma_semaphore, #tpu.memory_space<semaphore_mem>>)
    %dma_start3A_71 = arith.constant 4 : i32
    %dma_start3A_72 = arith.constant 4 : i32
    %dma_start3A_73 = arith.constant 4 : i32
    %dma_start3A_74 = arith.constant 0 : i32
    %dma_start3A_75 = arith.constant 0 : i32
    %dma_start3A_76 = tpu.memref_slice %arg12[%dma_start3A_72, %dma_start3A_74, %dma_start3A_75] : memref<12x128x16xf32, #tpu.memory_space<vmem>> -> memref<1x128x16xf32, #tpu.memory_space<vmem>>
    %dma_start3A_77 = tpu.memref_squeeze %dma_start3A_76 : memref<1x128x16xf32, #tpu.memory_space<vmem>> -> memref<128x16xf32, #tpu.memory_space<vmem>>
    %dma_start3A_78 = arith.constant 0 : i32
    %dma_start3A_79 = tpu.memref_slice %arg10[%dma_start3A_71, %dma_start3A_78] : memref<79x128xi32, #tpu.memory_space<vmem>> -> memref<1x128xi32, #tpu.memory_space<vmem>>
    %dma_start3A_80 = tpu.memref_squeeze %dma_start3A_79 : memref<1x128xi32, #tpu.memory_space<vmem>> -> memref<128xi32, #tpu.memory_space<vmem>>
    %dma_start3A_81 = arith.constant 0 : i32
    %dma_start3A_82 = arith.constant 0 : i32
    %dma_start3A_83 = tpu.memref_slice %arg2[%dma_start3A_81, %dma_start3A_82] : memref<10000x16xf32, #tpu.memory_space<hbm>> -> memref<10000x16xf32, #tpu.memory_space<hbm>>
    %dma_start3A_84 = tpu.memref_slice %arg14[%dma_start3A_73] : memref<12x!tpu.dma_semaphore, #tpu.memory_space<semaphore_mem>> -> memref<1x!tpu.dma_semaphore, #tpu.memory_space<semaphore_mem>>
    %dma_start3A_85 = tpu.memref_squeeze %dma_start3A_84 : memref<1x!tpu.dma_semaphore, #tpu.memory_space<semaphore_mem>> -> memref<!tpu.dma_semaphore, #tpu.memory_space<semaphore_mem>>
    tpu.enqueue_indirect_dma source(%dma_start3A_83 : memref<10000x16xf32, #tpu.memory_space<hbm>>) target(%dma_start3A_77 : memref<128x16xf32, #tpu.memory_space<vmem>>) offsets(%dma_start3A_80 : memref<128xi32, #tpu.memory_space<vmem>>) semaphore(%dma_start3A_85 : memref<!tpu.dma_semaphore, #tpu.memory_space<semaphore_mem>>)
    %dma_start3A_86 = arith.constant 5 : i32
    %dma_start3A_87 = arith.constant 5 : i32
    %dma_start3A_88 = arith.constant 5 : i32
    %dma_start3A_89 = arith.constant 0 : i32
    %dma_start3A_90 = arith.constant 0 : i32
    %dma_start3A_91 = tpu.memref_slice %arg12[%dma_start3A_87, %dma_start3A_89, %dma_start3A_90] : memref<12x128x16xf32, #tpu.memory_space<vmem>> -> memref<1x128x16xf32, #tpu.memory_space<vmem>>
    %dma_start3A_92 = tpu.memref_squeeze %dma_start3A_91 : memref<1x128x16xf32, #tpu.memory_space<vmem>> -> memref<128x16xf32, #tpu.memory_space<vmem>>
    %dma_start3A_93 = arith.constant 0 : i32
    %dma_start3A_94 = tpu.memref_slice %arg10[%dma_start3A_86, %dma_start3A_93] : memref<79x128xi32, #tpu.memory_space<vmem>> -> memref<1x128xi32, #tpu.memory_space<vmem>>
    %dma_start3A_95 = tpu.memref_squeeze %dma_start3A_94 : memref<1x128xi32, #tpu.memory_space<vmem>> -> memref<128xi32, #tpu.memory_space<vmem>>
    %dma_start3A_96 = arith.constant 0 : i32
    %dma_start3A_97 = arith.constant 0 : i32
    %dma_start3A_98 = tpu.memref_slice %arg2[%dma_start3A_96, %dma_start3A_97] : memref<10000x16xf32, #tpu.memory_space<hbm>> -> memref<10000x16xf32, #tpu.memory_space<hbm>>
    %dma_start3A_99 = tpu.memref_slice %arg14[%dma_start3A_88] : memref<12x!tpu.dma_semaphore, #tpu.memory_space<semaphore_mem>> -> memref<1x!tpu.dma_semaphore, #tpu.memory_space<semaphore_mem>>
    %dma_start3A_100 = tpu.memref_squeeze %dma_start3A_99 : memref<1x!tpu.dma_semaphore, #tpu.memory_space<semaphore_mem>> -> memref<!tpu.dma_semaphore, #tpu.memory_space<semaphore_mem>>
    tpu.enqueue_indirect_dma source(%dma_start3A_98 : memref<10000x16xf32, #tpu.memory_space<hbm>>) target(%dma_start3A_92 : memref<128x16xf32, #tpu.memory_space<vmem>>) offsets(%dma_start3A_95 : memref<128xi32, #tpu.memory_space<vmem>>) semaphore(%dma_start3A_100 : memref<!tpu.dma_semaphore, #tpu.memory_space<semaphore_mem>>)
    %dma_start3A_101 = arith.constant 6 : i32
    %dma_start3A_102 = arith.constant 6 : i32
    %dma_start3A_103 = arith.constant 6 : i32
    %dma_start3A_104 = arith.constant 0 : i32
    %dma_start3A_105 = arith.constant 0 : i32
    %dma_start3A_106 = tpu.memref_slice %arg12[%dma_start3A_102, %dma_start3A_104, %dma_start3A_105] : memref<12x128x16xf32, #tpu.memory_space<vmem>> -> memref<1x128x16xf32, #tpu.memory_space<vmem>>
    %dma_start3A_107 = tpu.memref_squeeze %dma_start3A_106 : memref<1x128x16xf32, #tpu.memory_space<vmem>> -> memref<128x16xf32, #tpu.memory_space<vmem>>
    %dma_start3A_108 = arith.constant 0 : i32
    %dma_start3A_109 = tpu.memref_slice %arg10[%dma_start3A_101, %dma_start3A_108] : memref<79x128xi32, #tpu.memory_space<vmem>> -> memref<1x128xi32, #tpu.memory_space<vmem>>
    %dma_start3A_110 = tpu.memref_squeeze %dma_start3A_109 : memref<1x128xi32, #tpu.memory_space<vmem>> -> memref<128xi32, #tpu.memory_space<vmem>>
    %dma_start3A_111 = arith.constant 0 : i32
    %dma_start3A_112 = arith.constant 0 : i32
    %dma_start3A_113 = tpu.memref_slice %arg2[%dma_start3A_111, %dma_start3A_112] : memref<10000x16xf32, #tpu.memory_space<hbm>> -> memref<10000x16xf32, #tpu.memory_space<hbm>>
    %dma_start3A_114 = tpu.memref_slice %arg14[%dma_start3A_103] : memref<12x!tpu.dma_semaphore, #tpu.memory_space<semaphore_mem>> -> memref<1x!tpu.dma_semaphore, #tpu.memory_space<semaphore_mem>>
    %dma_start3A_115 = tpu.memref_squeeze %dma_start3A_114 : memref<1x!tpu.dma_semaphore, #tpu.memory_space<semaphore_mem>> -> memref<!tpu.dma_semaphore, #tpu.memory_space<semaphore_mem>>
    tpu.enqueue_indirect_dma source(%dma_start3A_113 : memref<10000x16xf32, #tpu.memory_space<hbm>>) target(%dma_start3A_107 : memref<128x16xf32, #tpu.memory_space<vmem>>) offsets(%dma_start3A_110 : memref<128xi32, #tpu.memory_space<vmem>>) semaphore(%dma_start3A_115 : memref<!tpu.dma_semaphore, #tpu.memory_space<semaphore_mem>>)
    %dma_start3A_116 = arith.constant 7 : i32
    %dma_start3A_117 = arith.constant 7 : i32
    %dma_start3A_118 = arith.constant 7 : i32
    %dma_start3A_119 = arith.constant 0 : i32
    %dma_start3A_120 = arith.constant 0 : i32
    %dma_start3A_121 = tpu.memref_slice %arg12[%dma_start3A_117, %dma_start3A_119, %dma_start3A_120] : memref<12x128x16xf32, #tpu.memory_space<vmem>> -> memref<1x128x16xf32, #tpu.memory_space<vmem>>
    %dma_start3A_122 = tpu.memref_squeeze %dma_start3A_121 : memref<1x128x16xf32, #tpu.memory_space<vmem>> -> memref<128x16xf32, #tpu.memory_space<vmem>>
    %dma_start3A_123 = arith.constant 0 : i32
    %dma_start3A_124 = tpu.memref_slice %arg10[%dma_start3A_116, %dma_start3A_123] : memref<79x128xi32, #tpu.memory_space<vmem>> -> memref<1x128xi32, #tpu.memory_space<vmem>>
    %dma_start3A_125 = tpu.memref_squeeze %dma_start3A_124 : memref<1x128xi32, #tpu.memory_space<vmem>> -> memref<128xi32, #tpu.memory_space<vmem>>
    %dma_start3A_126 = arith.constant 0 : i32
    %dma_start3A_127 = arith.constant 0 : i32
    %dma_start3A_128 = tpu.memref_slice %arg2[%dma_start3A_126, %dma_start3A_127] : memref<10000x16xf32, #tpu.memory_space<hbm>> -> memref<10000x16xf32, #tpu.memory_space<hbm>>
    %dma_start3A_129 = tpu.memref_slice %arg14[%dma_start3A_118] : memref<12x!tpu.dma_semaphore, #tpu.memory_space<semaphore_mem>> -> memref<1x!tpu.dma_semaphore, #tpu.memory_space<semaphore_mem>>
    %dma_start3A_130 = tpu.memref_squeeze %dma_start3A_129 : memref<1x!tpu.dma_semaphore, #tpu.memory_space<semaphore_mem>> -> memref<!tpu.dma_semaphore, #tpu.memory_space<semaphore_mem>>
    tpu.enqueue_indirect_dma source(%dma_start3A_128 : memref<10000x16xf32, #tpu.memory_space<hbm>>) target(%dma_start3A_122 : memref<128x16xf32, #tpu.memory_space<vmem>>) offsets(%dma_start3A_125 : memref<128xi32, #tpu.memory_space<vmem>>) semaphore(%dma_start3A_130 : memref<!tpu.dma_semaphore, #tpu.memory_space<semaphore_mem>>)
    %dma_start3A_131 = arith.constant 8 : i32
    %dma_start3A_132 = arith.constant 8 : i32
    %dma_start3A_133 = arith.constant 8 : i32
    %dma_start3A_134 = arith.constant 0 : i32
    %dma_start3A_135 = arith.constant 0 : i32
    %dma_start3A_136 = tpu.memref_slice %arg12[%dma_start3A_132, %dma_start3A_134, %dma_start3A_135] : memref<12x128x16xf32, #tpu.memory_space<vmem>> -> memref<1x128x16xf32, #tpu.memory_space<vmem>>
    %dma_start3A_137 = tpu.memref_squeeze %dma_start3A_136 : memref<1x128x16xf32, #tpu.memory_space<vmem>> -> memref<128x16xf32, #tpu.memory_space<vmem>>
    %dma_start3A_138 = arith.constant 0 : i32
    %dma_start3A_139 = tpu.memref_slice %arg10[%dma_start3A_131, %dma_start3A_138] : memref<79x128xi32, #tpu.memory_space<vmem>> -> memref<1x128xi32, #tpu.memory_space<vmem>>
    %dma_start3A_140 = tpu.memref_squeeze %dma_start3A_139 : memref<1x128xi32, #tpu.memory_space<vmem>> -> memref<128xi32, #tpu.memory_space<vmem>>
    %dma_start3A_141 = arith.constant 0 : i32
    %dma_start3A_142 = arith.constant 0 : i32
    %dma_start3A_143 = tpu.memref_slice %arg2[%dma_start3A_141, %dma_start3A_142] : memref<10000x16xf32, #tpu.memory_space<hbm>> -> memref<10000x16xf32, #tpu.memory_space<hbm>>
    %dma_start3A_144 = tpu.memref_slice %arg14[%dma_start3A_133] : memref<12x!tpu.dma_semaphore, #tpu.memory_space<semaphore_mem>> -> memref<1x!tpu.dma_semaphore, #tpu.memory_space<semaphore_mem>>
    %dma_start3A_145 = tpu.memref_squeeze %dma_start3A_144 : memref<1x!tpu.dma_semaphore, #tpu.memory_space<semaphore_mem>> -> memref<!tpu.dma_semaphore, #tpu.memory_space<semaphore_mem>>
    tpu.enqueue_indirect_dma source(%dma_start3A_143 : memref<10000x16xf32, #tpu.memory_space<hbm>>) target(%dma_start3A_137 : memref<128x16xf32, #tpu.memory_space<vmem>>) offsets(%dma_start3A_140 : memref<128xi32, #tpu.memory_space<vmem>>) semaphore(%dma_start3A_145 : memref<!tpu.dma_semaphore, #tpu.memory_space<semaphore_mem>>)
    %dma_start3A_146 = arith.constant 9 : i32
    %dma_start3A_147 = arith.constant 9 : i32
    %dma_start3A_148 = arith.constant 9 : i32
    %dma_start3A_149 = arith.constant 0 : i32
    %dma_start3A_150 = arith.constant 0 : i32
    %dma_start3A_151 = tpu.memref_slice %arg12[%dma_start3A_147, %dma_start3A_149, %dma_start3A_150] : memref<12x128x16xf32, #tpu.memory_space<vmem>> -> memref<1x128x16xf32, #tpu.memory_space<vmem>>
    %dma_start3A_152 = tpu.memref_squeeze %dma_start3A_151 : memref<1x128x16xf32, #tpu.memory_space<vmem>> -> memref<128x16xf32, #tpu.memory_space<vmem>>
    %dma_start3A_153 = arith.constant 0 : i32
    %dma_start3A_154 = tpu.memref_slice %arg10[%dma_start3A_146, %dma_start3A_153] : memref<79x128xi32, #tpu.memory_space<vmem>> -> memref<1x128xi32, #tpu.memory_space<vmem>>
    %dma_start3A_155 = tpu.memref_squeeze %dma_start3A_154 : memref<1x128xi32, #tpu.memory_space<vmem>> -> memref<128xi32, #tpu.memory_space<vmem>>
    %dma_start3A_156 = arith.constant 0 : i32
    %dma_start3A_157 = arith.constant 0 : i32
    %dma_start3A_158 = tpu.memref_slice %arg2[%dma_start3A_156, %dma_start3A_157] : memref<10000x16xf32, #tpu.memory_space<hbm>> -> memref<10000x16xf32, #tpu.memory_space<hbm>>
    %dma_start3A_159 = tpu.memref_slice %arg14[%dma_start3A_148] : memref<12x!tpu.dma_semaphore, #tpu.memory_space<semaphore_mem>> -> memref<1x!tpu.dma_semaphore, #tpu.memory_space<semaphore_mem>>
    %dma_start3A_160 = tpu.memref_squeeze %dma_start3A_159 : memref<1x!tpu.dma_semaphore, #tpu.memory_space<semaphore_mem>> -> memref<!tpu.dma_semaphore, #tpu.memory_space<semaphore_mem>>
    tpu.enqueue_indirect_dma source(%dma_start3A_158 : memref<10000x16xf32, #tpu.memory_space<hbm>>) target(%dma_start3A_152 : memref<128x16xf32, #tpu.memory_space<vmem>>) offsets(%dma_start3A_155 : memref<128xi32, #tpu.memory_space<vmem>>) semaphore(%dma_start3A_160 : memref<!tpu.dma_semaphore, #tpu.memory_space<semaphore_mem>>)
    %dma_start3A_161 = arith.constant 10 : i32
    %dma_start3A_162 = arith.constant 10 : i32
    %dma_start3A_163 = arith.constant 10 : i32
    %dma_start3A_164 = arith.constant 0 : i32
    %dma_start3A_165 = arith.constant 0 : i32
    %dma_start3A_166 = tpu.memref_slice %arg12[%dma_start3A_162, %dma_start3A_164, %dma_start3A_165] : memref<12x128x16xf32, #tpu.memory_space<vmem>> -> memref<1x128x16xf32, #tpu.memory_space<vmem>>
    %dma_start3A_167 = tpu.memref_squeeze %dma_start3A_166 : memref<1x128x16xf32, #tpu.memory_space<vmem>> -> memref<128x16xf32, #tpu.memory_space<vmem>>
    %dma_start3A_168 = arith.constant 0 : i32
    %dma_start3A_169 = tpu.memref_slice %arg10[%dma_start3A_161, %dma_start3A_168] : memref<79x128xi32, #tpu.memory_space<vmem>> -> memref<1x128xi32, #tpu.memory_space<vmem>>
    %dma_start3A_170 = tpu.memref_squeeze %dma_start3A_169 : memref<1x128xi32, #tpu.memory_space<vmem>> -> memref<128xi32, #tpu.memory_space<vmem>>
    %dma_start3A_171 = arith.constant 0 : i32
    %dma_start3A_172 = arith.constant 0 : i32
    %dma_start3A_173 = tpu.memref_slice %arg2[%dma_start3A_171, %dma_start3A_172] : memref<10000x16xf32, #tpu.memory_space<hbm>> -> memref<10000x16xf32, #tpu.memory_space<hbm>>
    %dma_start3A_174 = tpu.memref_slice %arg14[%dma_start3A_163] : memref<12x!tpu.dma_semaphore, #tpu.memory_space<semaphore_mem>> -> memref<1x!tpu.dma_semaphore, #tpu.memory_space<semaphore_mem>>
    %dma_start3A_175 = tpu.memref_squeeze %dma_start3A_174 : memref<1x!tpu.dma_semaphore, #tpu.memory_space<semaphore_mem>> -> memref<!tpu.dma_semaphore, #tpu.memory_space<semaphore_mem>>
    tpu.enqueue_indirect_dma source(%dma_start3A_173 : memref<10000x16xf32, #tpu.memory_space<hbm>>) target(%dma_start3A_167 : memref<128x16xf32, #tpu.memory_space<vmem>>) offsets(%dma_start3A_170 : memref<128xi32, #tpu.memory_space<vmem>>) semaphore(%dma_start3A_175 : memref<!tpu.dma_semaphore, #tpu.memory_space<semaphore_mem>>)
    %scan3A = arith.constant 0 : i32
    %scan3A_176 = arith.constant 0 : i32
    %scan3A_177 = arith.constant 79 : i32
    %scan3A_178 = arith.addi %scan3A_176, %scan3A_177 : i32
    %scan3A_179 = arith.constant 1 : i32
    scf.for %scan3A_365 = %scan3A_176 to %scan3A_178 step %scan3A_179  : i32 {
      %rem3A = arith.constant 12 : i32
      %rem3A_366 = arith.remsi %scan3A_365, %rem3A : i32
      %add3A_367 = arith.constant 11 : i32
      %add3A_368 = arith.addi %scan3A_365, %add3A_367 : i32
      %rem3A_369 = arith.constant 12 : i32
      %rem3A_370 = arith.remsi %add3A_368, %rem3A_369 : i32
      %lt3A_371 = arith.cmpi slt, %add3A_368, %select_n3A : i32
      %convert_element_type3A_372 = arith.extui %lt3A_371 : i1 to i32
      %cond3A_373 = arith.constant 0 : i32
      %cond3A_374 = arith.cmpi ne, %convert_element_type3A_372, %cond3A_373 : i32
      scf.if %cond3A_374 {
        %ge3A = arith.constant 1 : i32
        %ge3A_379 = arith.cmpi sge, %scan3A_365, %ge3A : i32
        %convert_element_type3A_380 = arith.extui %ge3A_379 : i1 to i32
        %cond3A_381 = arith.constant 0 : i32
        %cond3A_382 = arith.cmpi ne, %convert_element_type3A_380, %cond3A_381 : i32
        scf.if %cond3A_382 {
          %dma_wait3A_395 = arith.constant 0 : i32
          %dma_wait3A_396 = arith.constant 0 : i32
          %dma_wait3A_397 = tpu.memref_slice %arg12[%rem3A_370, %dma_wait3A_395, %dma_wait3A_396] : memref<12x128x16xf32, #tpu.memory_space<vmem>> -> memref<1x128x16xf32, #tpu.memory_space<vmem>>
          %dma_wait3A_398 = tpu.memref_squeeze %dma_wait3A_397 : memref<1x128x16xf32, #tpu.memory_space<vmem>> -> memref<128x16xf32, #tpu.memory_space<vmem>>
          %dma_wait3A_399 = arith.constant 0 : i32
          %dma_wait3A_400 = tpu.memref_slice %arg11[%scan3A_365, %dma_wait3A_399] : memref<79x128xi32, #tpu.memory_space<vmem>> -> memref<1x128xi32, #tpu.memory_space<vmem>>
          %dma_wait3A_401 = tpu.memref_squeeze %dma_wait3A_400 : memref<1x128xi32, #tpu.memory_space<vmem>> -> memref<128xi32, #tpu.memory_space<vmem>>
          %dma_wait3A_402 = arith.constant 0 : i32
          %dma_wait3A_403 = arith.constant 0 : i32
          %dma_wait3A_404 = tpu.memref_slice %arg9[%dma_wait3A_402, %dma_wait3A_403] : memref<10240x16xf32, #tpu.memory_space<vmem_shared>> -> memref<10240x16xf32, #tpu.memory_space<vmem_shared>>
          %dma_wait3A_405 = tpu.memref_slice %arg15[%rem3A_370] : memref<12x!tpu.dma_semaphore, #tpu.memory_space<semaphore_mem>> -> memref<1x!tpu.dma_semaphore, #tpu.memory_space<semaphore_mem>>
          %dma_wait3A_406 = tpu.memref_squeeze %dma_wait3A_405 : memref<1x!tpu.dma_semaphore, #tpu.memory_space<semaphore_mem>> -> memref<!tpu.dma_semaphore, #tpu.memory_space<semaphore_mem>>
          tpu.wait_indirect_dma semaphore(%dma_wait3A_406 : memref<!tpu.dma_semaphore, #tpu.memory_space<semaphore_mem>>) src(%dma_wait3A_398 : memref<128x16xf32, #tpu.memory_space<vmem>>) dst(%dma_wait3A_404 : memref<10240x16xf32, #tpu.memory_space<vmem_shared>>)
        } else {
        }
        %dma_start3A_383 = arith.constant 0 : i32
        %dma_start3A_384 = arith.constant 0 : i32
        %dma_start3A_385 = tpu.memref_slice %arg12[%rem3A_370, %dma_start3A_383, %dma_start3A_384] : memref<12x128x16xf32, #tpu.memory_space<vmem>> -> memref<1x128x16xf32, #tpu.memory_space<vmem>>
        %dma_start3A_386 = tpu.memref_squeeze %dma_start3A_385 : memref<1x128x16xf32, #tpu.memory_space<vmem>> -> memref<128x16xf32, #tpu.memory_space<vmem>>
        %dma_start3A_387 = arith.constant 0 : i32
        %dma_start3A_388 = tpu.memref_slice %arg10[%add3A_368, %dma_start3A_387] : memref<79x128xi32, #tpu.memory_space<vmem>> -> memref<1x128xi32, #tpu.memory_space<vmem>>
        %dma_start3A_389 = tpu.memref_squeeze %dma_start3A_388 : memref<1x128xi32, #tpu.memory_space<vmem>> -> memref<128xi32, #tpu.memory_space<vmem>>
        %dma_start3A_390 = arith.constant 0 : i32
        %dma_start3A_391 = arith.constant 0 : i32
        %dma_start3A_392 = tpu.memref_slice %arg2[%dma_start3A_390, %dma_start3A_391] : memref<10000x16xf32, #tpu.memory_space<hbm>> -> memref<10000x16xf32, #tpu.memory_space<hbm>>
        %dma_start3A_393 = tpu.memref_slice %arg14[%rem3A_370] : memref<12x!tpu.dma_semaphore, #tpu.memory_space<semaphore_mem>> -> memref<1x!tpu.dma_semaphore, #tpu.memory_space<semaphore_mem>>
        %dma_start3A_394 = tpu.memref_squeeze %dma_start3A_393 : memref<1x!tpu.dma_semaphore, #tpu.memory_space<semaphore_mem>> -> memref<!tpu.dma_semaphore, #tpu.memory_space<semaphore_mem>>
        tpu.enqueue_indirect_dma source(%dma_start3A_392 : memref<10000x16xf32, #tpu.memory_space<hbm>>) target(%dma_start3A_386 : memref<128x16xf32, #tpu.memory_space<vmem>>) offsets(%dma_start3A_389 : memref<128xi32, #tpu.memory_space<vmem>>) semaphore(%dma_start3A_394 : memref<!tpu.dma_semaphore, #tpu.memory_space<semaphore_mem>>)
      } else {
      }
      %lt3A_375 = arith.cmpi slt, %scan3A_365, %select_n3A : i32
      %convert_element_type3A_376 = arith.extui %lt3A_375 : i1 to i32
      %cond3A_377 = arith.constant 0 : i32
      %cond3A_378 = arith.cmpi ne, %convert_element_type3A_376, %cond3A_377 : i32
      scf.if %cond3A_378 {
        %dma_wait3A_379 = arith.constant 0 : i32
        %dma_wait3A_380 = arith.constant 0 : i32
        %dma_wait3A_381 = tpu.memref_slice %arg12[%rem3A_366, %dma_wait3A_379, %dma_wait3A_380] : memref<12x128x16xf32, #tpu.memory_space<vmem>> -> memref<1x128x16xf32, #tpu.memory_space<vmem>>
        %dma_wait3A_382 = tpu.memref_squeeze %dma_wait3A_381 : memref<1x128x16xf32, #tpu.memory_space<vmem>> -> memref<128x16xf32, #tpu.memory_space<vmem>>
        %dma_wait3A_383 = arith.constant 0 : i32
        %dma_wait3A_384 = tpu.memref_slice %arg10[%scan3A_365, %dma_wait3A_383] : memref<79x128xi32, #tpu.memory_space<vmem>> -> memref<1x128xi32, #tpu.memory_space<vmem>>
        %dma_wait3A_385 = tpu.memref_squeeze %dma_wait3A_384 : memref<1x128xi32, #tpu.memory_space<vmem>> -> memref<128xi32, #tpu.memory_space<vmem>>
        %dma_wait3A_386 = arith.constant 0 : i32
        %dma_wait3A_387 = arith.constant 0 : i32
        %dma_wait3A_388 = tpu.memref_slice %arg2[%dma_wait3A_386, %dma_wait3A_387] : memref<10000x16xf32, #tpu.memory_space<hbm>> -> memref<10000x16xf32, #tpu.memory_space<hbm>>
        %dma_wait3A_389 = tpu.memref_slice %arg14[%rem3A_366] : memref<12x!tpu.dma_semaphore, #tpu.memory_space<semaphore_mem>> -> memref<1x!tpu.dma_semaphore, #tpu.memory_space<semaphore_mem>>
        %dma_wait3A_390 = tpu.memref_squeeze %dma_wait3A_389 : memref<1x!tpu.dma_semaphore, #tpu.memory_space<semaphore_mem>> -> memref<!tpu.dma_semaphore, #tpu.memory_space<semaphore_mem>>
        tpu.wait_indirect_dma semaphore(%dma_wait3A_390 : memref<!tpu.dma_semaphore, #tpu.memory_space<semaphore_mem>>) src(%dma_wait3A_388 : memref<10000x16xf32, #tpu.memory_space<hbm>>) dst(%dma_wait3A_382 : memref<128x16xf32, #tpu.memory_space<vmem>>)
        %dma_start3A_391 = arith.constant 0 : i32
        %dma_start3A_392 = arith.constant 0 : i32
        %dma_start3A_393 = tpu.memref_slice %arg12[%rem3A_366, %dma_start3A_391, %dma_start3A_392] : memref<12x128x16xf32, #tpu.memory_space<vmem>> -> memref<1x128x16xf32, #tpu.memory_space<vmem>>
        %dma_start3A_394 = tpu.memref_squeeze %dma_start3A_393 : memref<1x128x16xf32, #tpu.memory_space<vmem>> -> memref<128x16xf32, #tpu.memory_space<vmem>>
        %dma_start3A_395 = arith.constant 0 : i32
        %dma_start3A_396 = tpu.memref_slice %arg11[%scan3A_365, %dma_start3A_395] : memref<79x128xi32, #tpu.memory_space<vmem>> -> memref<1x128xi32, #tpu.memory_space<vmem>>
        %dma_start3A_397 = tpu.memref_squeeze %dma_start3A_396 : memref<1x128xi32, #tpu.memory_space<vmem>> -> memref<128xi32, #tpu.memory_space<vmem>>
        %dma_start3A_398 = arith.constant 0 : i32
        %dma_start3A_399 = arith.constant 0 : i32
        %dma_start3A_400 = tpu.memref_slice %arg9[%dma_start3A_398, %dma_start3A_399] : memref<10240x16xf32, #tpu.memory_space<vmem_shared>> -> memref<10240x16xf32, #tpu.memory_space<vmem_shared>>
        %dma_start3A_401 = tpu.memref_slice %arg15[%rem3A_366] : memref<12x!tpu.dma_semaphore, #tpu.memory_space<semaphore_mem>> -> memref<1x!tpu.dma_semaphore, #tpu.memory_space<semaphore_mem>>
        %dma_start3A_402 = tpu.memref_squeeze %dma_start3A_401 : memref<1x!tpu.dma_semaphore, #tpu.memory_space<semaphore_mem>> -> memref<!tpu.dma_semaphore, #tpu.memory_space<semaphore_mem>>
        tpu.enqueue_indirect_dma source(%dma_start3A_394 : memref<128x16xf32, #tpu.memory_space<vmem>>) target(%dma_start3A_400 : memref<10240x16xf32, #tpu.memory_space<vmem_shared>>) offsets(%dma_start3A_397 : memref<128xi32, #tpu.memory_space<vmem>>) semaphore(%dma_start3A_402 : memref<!tpu.dma_semaphore, #tpu.memory_space<semaphore_mem>>) {add = true}
      } else {
      }
    }
    %scan3A_180 = arith.constant 79 : i32
    %dma_wait3A = arith.constant 0 : i32
    %dma_wait3A_181 = arith.constant 0 : i32
    %dma_wait3A_182 = arith.constant 0 : i32
    %dma_wait3A_183 = arith.constant 0 : i32
    %dma_wait3A_184 = arith.constant 0 : i32
    %dma_wait3A_185 = tpu.memref_slice %arg12[%dma_wait3A, %dma_wait3A_183, %dma_wait3A_184] : memref<12x128x16xf32, #tpu.memory_space<vmem>> -> memref<1x128x16xf32, #tpu.memory_space<vmem>>
    %dma_wait3A_186 = tpu.memref_squeeze %dma_wait3A_185 : memref<1x128x16xf32, #tpu.memory_space<vmem>> -> memref<128x16xf32, #tpu.memory_space<vmem>>
    %dma_wait3A_187 = arith.constant 0 : i32
    %dma_wait3A_188 = tpu.memref_slice %arg11[%dma_wait3A_181, %dma_wait3A_187] : memref<79x128xi32, #tpu.memory_space<vmem>> -> memref<1x128xi32, #tpu.memory_space<vmem>>
    %dma_wait3A_189 = tpu.memref_squeeze %dma_wait3A_188 : memref<1x128xi32, #tpu.memory_space<vmem>> -> memref<128xi32, #tpu.memory_space<vmem>>
    %dma_wait3A_190 = arith.constant 0 : i32
    %dma_wait3A_191 = arith.constant 0 : i32
    %dma_wait3A_192 = tpu.memref_slice %arg9[%dma_wait3A_190, %dma_wait3A_191] : memref<10240x16xf32, #tpu.memory_space<vmem_shared>> -> memref<10240x16xf32, #tpu.memory_space<vmem_shared>>
    %dma_wait3A_193 = tpu.memref_slice %arg15[%dma_wait3A_182] : memref<12x!tpu.dma_semaphore, #tpu.memory_space<semaphore_mem>> -> memref<1x!tpu.dma_semaphore, #tpu.memory_space<semaphore_mem>>
    %dma_wait3A_194 = tpu.memref_squeeze %dma_wait3A_193 : memref<1x!tpu.dma_semaphore, #tpu.memory_space<semaphore_mem>> -> memref<!tpu.dma_semaphore, #tpu.memory_space<semaphore_mem>>
    tpu.wait_indirect_dma semaphore(%dma_wait3A_194 : memref<!tpu.dma_semaphore, #tpu.memory_space<semaphore_mem>>) src(%dma_wait3A_186 : memref<128x16xf32, #tpu.memory_space<vmem>>) dst(%dma_wait3A_192 : memref<10240x16xf32, #tpu.memory_space<vmem_shared>>)
    %dma_wait3A_195 = arith.constant 1 : i32
    %dma_wait3A_196 = arith.constant 0 : i32
    %dma_wait3A_197 = arith.constant 1 : i32
    %dma_wait3A_198 = arith.constant 0 : i32
    %dma_wait3A_199 = arith.constant 0 : i32
    %dma_wait3A_200 = tpu.memref_slice %arg12[%dma_wait3A_195, %dma_wait3A_198, %dma_wait3A_199] : memref<12x128x16xf32, #tpu.memory_space<vmem>> -> memref<1x128x16xf32, #tpu.memory_space<vmem>>
    %dma_wait3A_201 = tpu.memref_squeeze %dma_wait3A_200 : memref<1x128x16xf32, #tpu.memory_space<vmem>> -> memref<128x16xf32, #tpu.memory_space<vmem>>
    %dma_wait3A_202 = arith.constant 0 : i32
    %dma_wait3A_203 = tpu.memref_slice %arg11[%dma_wait3A_196, %dma_wait3A_202] : memref<79x128xi32, #tpu.memory_space<vmem>> -> memref<1x128xi32, #tpu.memory_space<vmem>>
    %dma_wait3A_204 = tpu.memref_squeeze %dma_wait3A_203 : memref<1x128xi32, #tpu.memory_space<vmem>> -> memref<128xi32, #tpu.memory_space<vmem>>
    %dma_wait3A_205 = arith.constant 0 : i32
    %dma_wait3A_206 = arith.constant 0 : i32
    %dma_wait3A_207 = tpu.memref_slice %arg9[%dma_wait3A_205, %dma_wait3A_206] : memref<10240x16xf32, #tpu.memory_space<vmem_shared>> -> memref<10240x16xf32, #tpu.memory_space<vmem_shared>>
    %dma_wait3A_208 = tpu.memref_slice %arg15[%dma_wait3A_197] : memref<12x!tpu.dma_semaphore, #tpu.memory_space<semaphore_mem>> -> memref<1x!tpu.dma_semaphore, #tpu.memory_space<semaphore_mem>>
    %dma_wait3A_209 = tpu.memref_squeeze %dma_wait3A_208 : memref<1x!tpu.dma_semaphore, #tpu.memory_space<semaphore_mem>> -> memref<!tpu.dma_semaphore, #tpu.memory_space<semaphore_mem>>
    tpu.wait_indirect_dma semaphore(%dma_wait3A_209 : memref<!tpu.dma_semaphore, #tpu.memory_space<semaphore_mem>>) src(%dma_wait3A_201 : memref<128x16xf32, #tpu.memory_space<vmem>>) dst(%dma_wait3A_207 : memref<10240x16xf32, #tpu.memory_space<vmem_shared>>)
    %dma_wait3A_210 = arith.constant 2 : i32
    %dma_wait3A_211 = arith.constant 0 : i32
    %dma_wait3A_212 = arith.constant 2 : i32
    %dma_wait3A_213 = arith.constant 0 : i32
    %dma_wait3A_214 = arith.constant 0 : i32
    %dma_wait3A_215 = tpu.memref_slice %arg12[%dma_wait3A_210, %dma_wait3A_213, %dma_wait3A_214] : memref<12x128x16xf32, #tpu.memory_space<vmem>> -> memref<1x128x16xf32, #tpu.memory_space<vmem>>
    %dma_wait3A_216 = tpu.memref_squeeze %dma_wait3A_215 : memref<1x128x16xf32, #tpu.memory_space<vmem>> -> memref<128x16xf32, #tpu.memory_space<vmem>>
    %dma_wait3A_217 = arith.constant 0 : i32
    %dma_wait3A_218 = tpu.memref_slice %arg11[%dma_wait3A_211, %dma_wait3A_217] : memref<79x128xi32, #tpu.memory_space<vmem>> -> memref<1x128xi32, #tpu.memory_space<vmem>>
    %dma_wait3A_219 = tpu.memref_squeeze %dma_wait3A_218 : memref<1x128xi32, #tpu.memory_space<vmem>> -> memref<128xi32, #tpu.memory_space<vmem>>
    %dma_wait3A_220 = arith.constant 0 : i32
    %dma_wait3A_221 = arith.constant 0 : i32
    %dma_wait3A_222 = tpu.memref_slice %arg9[%dma_wait3A_220, %dma_wait3A_221] : memref<10240x16xf32, #tpu.memory_space<vmem_shared>> -> memref<10240x16xf32, #tpu.memory_space<vmem_shared>>
    %dma_wait3A_223 = tpu.memref_slice %arg15[%dma_wait3A_212] : memref<12x!tpu.dma_semaphore, #tpu.memory_space<semaphore_mem>> -> memref<1x!tpu.dma_semaphore, #tpu.memory_space<semaphore_mem>>
    %dma_wait3A_224 = tpu.memref_squeeze %dma_wait3A_223 : memref<1x!tpu.dma_semaphore, #tpu.memory_space<semaphore_mem>> -> memref<!tpu.dma_semaphore, #tpu.memory_space<semaphore_mem>>
    tpu.wait_indirect_dma semaphore(%dma_wait3A_224 : memref<!tpu.dma_semaphore, #tpu.memory_space<semaphore_mem>>) src(%dma_wait3A_216 : memref<128x16xf32, #tpu.memory_space<vmem>>) dst(%dma_wait3A_222 : memref<10240x16xf32, #tpu.memory_space<vmem_shared>>)
    %dma_wait3A_225 = arith.constant 3 : i32
    %dma_wait3A_226 = arith.constant 0 : i32
    %dma_wait3A_227 = arith.constant 3 : i32
    %dma_wait3A_228 = arith.constant 0 : i32
    %dma_wait3A_229 = arith.constant 0 : i32
    %dma_wait3A_230 = tpu.memref_slice %arg12[%dma_wait3A_225, %dma_wait3A_228, %dma_wait3A_229] : memref<12x128x16xf32, #tpu.memory_space<vmem>> -> memref<1x128x16xf32, #tpu.memory_space<vmem>>
    %dma_wait3A_231 = tpu.memref_squeeze %dma_wait3A_230 : memref<1x128x16xf32, #tpu.memory_space<vmem>> -> memref<128x16xf32, #tpu.memory_space<vmem>>
    %dma_wait3A_232 = arith.constant 0 : i32
    %dma_wait3A_233 = tpu.memref_slice %arg11[%dma_wait3A_226, %dma_wait3A_232] : memref<79x128xi32, #tpu.memory_space<vmem>> -> memref<1x128xi32, #tpu.memory_space<vmem>>
    %dma_wait3A_234 = tpu.memref_squeeze %dma_wait3A_233 : memref<1x128xi32, #tpu.memory_space<vmem>> -> memref<128xi32, #tpu.memory_space<vmem>>
    %dma_wait3A_235 = arith.constant 0 : i32
    %dma_wait3A_236 = arith.constant 0 : i32
    %dma_wait3A_237 = tpu.memref_slice %arg9[%dma_wait3A_235, %dma_wait3A_236] : memref<10240x16xf32, #tpu.memory_space<vmem_shared>> -> memref<10240x16xf32, #tpu.memory_space<vmem_shared>>
    %dma_wait3A_238 = tpu.memref_slice %arg15[%dma_wait3A_227] : memref<12x!tpu.dma_semaphore, #tpu.memory_space<semaphore_mem>> -> memref<1x!tpu.dma_semaphore, #tpu.memory_space<semaphore_mem>>
    %dma_wait3A_239 = tpu.memref_squeeze %dma_wait3A_238 : memref<1x!tpu.dma_semaphore, #tpu.memory_space<semaphore_mem>> -> memref<!tpu.dma_semaphore, #tpu.memory_space<semaphore_mem>>
    tpu.wait_indirect_dma semaphore(%dma_wait3A_239 : memref<!tpu.dma_semaphore, #tpu.memory_space<semaphore_mem>>) src(%dma_wait3A_231 : memref<128x16xf32, #tpu.memory_space<vmem>>) dst(%dma_wait3A_237 : memref<10240x16xf32, #tpu.memory_space<vmem_shared>>)
    %dma_wait3A_240 = arith.constant 4 : i32
    %dma_wait3A_241 = arith.constant 0 : i32
    %dma_wait3A_242 = arith.constant 4 : i32
    %dma_wait3A_243 = arith.constant 0 : i32
    %dma_wait3A_244 = arith.constant 0 : i32
    %dma_wait3A_245 = tpu.memref_slice %arg12[%dma_wait3A_240, %dma_wait3A_243, %dma_wait3A_244] : memref<12x128x16xf32, #tpu.memory_space<vmem>> -> memref<1x128x16xf32, #tpu.memory_space<vmem>>
    %dma_wait3A_246 = tpu.memref_squeeze %dma_wait3A_245 : memref<1x128x16xf32, #tpu.memory_space<vmem>> -> memref<128x16xf32, #tpu.memory_space<vmem>>
    %dma_wait3A_247 = arith.constant 0 : i32
    %dma_wait3A_248 = tpu.memref_slice %arg11[%dma_wait3A_241, %dma_wait3A_247] : memref<79x128xi32, #tpu.memory_space<vmem>> -> memref<1x128xi32, #tpu.memory_space<vmem>>
    %dma_wait3A_249 = tpu.memref_squeeze %dma_wait3A_248 : memref<1x128xi32, #tpu.memory_space<vmem>> -> memref<128xi32, #tpu.memory_space<vmem>>
    %dma_wait3A_250 = arith.constant 0 : i32
    %dma_wait3A_251 = arith.constant 0 : i32
    %dma_wait3A_252 = tpu.memref_slice %arg9[%dma_wait3A_250, %dma_wait3A_251] : memref<10240x16xf32, #tpu.memory_space<vmem_shared>> -> memref<10240x16xf32, #tpu.memory_space<vmem_shared>>
    %dma_wait3A_253 = tpu.memref_slice %arg15[%dma_wait3A_242] : memref<12x!tpu.dma_semaphore, #tpu.memory_space<semaphore_mem>> -> memref<1x!tpu.dma_semaphore, #tpu.memory_space<semaphore_mem>>
    %dma_wait3A_254 = tpu.memref_squeeze %dma_wait3A_253 : memref<1x!tpu.dma_semaphore, #tpu.memory_space<semaphore_mem>> -> memref<!tpu.dma_semaphore, #tpu.memory_space<semaphore_mem>>
    tpu.wait_indirect_dma semaphore(%dma_wait3A_254 : memref<!tpu.dma_semaphore, #tpu.memory_space<semaphore_mem>>) src(%dma_wait3A_246 : memref<128x16xf32, #tpu.memory_space<vmem>>) dst(%dma_wait3A_252 : memref<10240x16xf32, #tpu.memory_space<vmem_shared>>)
    %dma_wait3A_255 = arith.constant 5 : i32
    %dma_wait3A_256 = arith.constant 0 : i32
    %dma_wait3A_257 = arith.constant 5 : i32
    %dma_wait3A_258 = arith.constant 0 : i32
    %dma_wait3A_259 = arith.constant 0 : i32
    %dma_wait3A_260 = tpu.memref_slice %arg12[%dma_wait3A_255, %dma_wait3A_258, %dma_wait3A_259] : memref<12x128x16xf32, #tpu.memory_space<vmem>> -> memref<1x128x16xf32, #tpu.memory_space<vmem>>
    %dma_wait3A_261 = tpu.memref_squeeze %dma_wait3A_260 : memref<1x128x16xf32, #tpu.memory_space<vmem>> -> memref<128x16xf32, #tpu.memory_space<vmem>>
    %dma_wait3A_262 = arith.constant 0 : i32
    %dma_wait3A_263 = tpu.memref_slice %arg11[%dma_wait3A_256, %dma_wait3A_262] : memref<79x128xi32, #tpu.memory_space<vmem>> -> memref<1x128xi32, #tpu.memory_space<vmem>>
    %dma_wait3A_264 = tpu.memref_squeeze %dma_wait3A_263 : memref<1x128xi32, #tpu.memory_space<vmem>> -> memref<128xi32, #tpu.memory_space<vmem>>
    %dma_wait3A_265 = arith.constant 0 : i32
    %dma_wait3A_266 = arith.constant 0 : i32
    %dma_wait3A_267 = tpu.memref_slice %arg9[%dma_wait3A_265, %dma_wait3A_266] : memref<10240x16xf32, #tpu.memory_space<vmem_shared>> -> memref<10240x16xf32, #tpu.memory_space<vmem_shared>>
    %dma_wait3A_268 = tpu.memref_slice %arg15[%dma_wait3A_257] : memref<12x!tpu.dma_semaphore, #tpu.memory_space<semaphore_mem>> -> memref<1x!tpu.dma_semaphore, #tpu.memory_space<semaphore_mem>>
    %dma_wait3A_269 = tpu.memref_squeeze %dma_wait3A_268 : memref<1x!tpu.dma_semaphore, #tpu.memory_space<semaphore_mem>> -> memref<!tpu.dma_semaphore, #tpu.memory_space<semaphore_mem>>
    tpu.wait_indirect_dma semaphore(%dma_wait3A_269 : memref<!tpu.dma_semaphore, #tpu.memory_space<semaphore_mem>>) src(%dma_wait3A_261 : memref<128x16xf32, #tpu.memory_space<vmem>>) dst(%dma_wait3A_267 : memref<10240x16xf32, #tpu.memory_space<vmem_shared>>)
    %dma_wait3A_270 = arith.constant 6 : i32
    %dma_wait3A_271 = arith.constant 0 : i32
    %dma_wait3A_272 = arith.constant 6 : i32
    %dma_wait3A_273 = arith.constant 0 : i32
    %dma_wait3A_274 = arith.constant 0 : i32
    %dma_wait3A_275 = tpu.memref_slice %arg12[%dma_wait3A_270, %dma_wait3A_273, %dma_wait3A_274] : memref<12x128x16xf32, #tpu.memory_space<vmem>> -> memref<1x128x16xf32, #tpu.memory_space<vmem>>
    %dma_wait3A_276 = tpu.memref_squeeze %dma_wait3A_275 : memref<1x128x16xf32, #tpu.memory_space<vmem>> -> memref<128x16xf32, #tpu.memory_space<vmem>>
    %dma_wait3A_277 = arith.constant 0 : i32
    %dma_wait3A_278 = tpu.memref_slice %arg11[%dma_wait3A_271, %dma_wait3A_277] : memref<79x128xi32, #tpu.memory_space<vmem>> -> memref<1x128xi32, #tpu.memory_space<vmem>>
    %dma_wait3A_279 = tpu.memref_squeeze %dma_wait3A_278 : memref<1x128xi32, #tpu.memory_space<vmem>> -> memref<128xi32, #tpu.memory_space<vmem>>
    %dma_wait3A_280 = arith.constant 0 : i32
    %dma_wait3A_281 = arith.constant 0 : i32
    %dma_wait3A_282 = tpu.memref_slice %arg9[%dma_wait3A_280, %dma_wait3A_281] : memref<10240x16xf32, #tpu.memory_space<vmem_shared>> -> memref<10240x16xf32, #tpu.memory_space<vmem_shared>>
    %dma_wait3A_283 = tpu.memref_slice %arg15[%dma_wait3A_272] : memref<12x!tpu.dma_semaphore, #tpu.memory_space<semaphore_mem>> -> memref<1x!tpu.dma_semaphore, #tpu.memory_space<semaphore_mem>>
    %dma_wait3A_284 = tpu.memref_squeeze %dma_wait3A_283 : memref<1x!tpu.dma_semaphore, #tpu.memory_space<semaphore_mem>> -> memref<!tpu.dma_semaphore, #tpu.memory_space<semaphore_mem>>
    tpu.wait_indirect_dma semaphore(%dma_wait3A_284 : memref<!tpu.dma_semaphore, #tpu.memory_space<semaphore_mem>>) src(%dma_wait3A_276 : memref<128x16xf32, #tpu.memory_space<vmem>>) dst(%dma_wait3A_282 : memref<10240x16xf32, #tpu.memory_space<vmem_shared>>)
    %dma_wait3A_285 = arith.constant 7 : i32
    %dma_wait3A_286 = arith.constant 0 : i32
    %dma_wait3A_287 = arith.constant 7 : i32
    %dma_wait3A_288 = arith.constant 0 : i32
    %dma_wait3A_289 = arith.constant 0 : i32
    %dma_wait3A_290 = tpu.memref_slice %arg12[%dma_wait3A_285, %dma_wait3A_288, %dma_wait3A_289] : memref<12x128x16xf32, #tpu.memory_space<vmem>> -> memref<1x128x16xf32, #tpu.memory_space<vmem>>
    %dma_wait3A_291 = tpu.memref_squeeze %dma_wait3A_290 : memref<1x128x16xf32, #tpu.memory_space<vmem>> -> memref<128x16xf32, #tpu.memory_space<vmem>>
    %dma_wait3A_292 = arith.constant 0 : i32
    %dma_wait3A_293 = tpu.memref_slice %arg11[%dma_wait3A_286, %dma_wait3A_292] : memref<79x128xi32, #tpu.memory_space<vmem>> -> memref<1x128xi32, #tpu.memory_space<vmem>>
    %dma_wait3A_294 = tpu.memref_squeeze %dma_wait3A_293 : memref<1x128xi32, #tpu.memory_space<vmem>> -> memref<128xi32, #tpu.memory_space<vmem>>
    %dma_wait3A_295 = arith.constant 0 : i32
    %dma_wait3A_296 = arith.constant 0 : i32
    %dma_wait3A_297 = tpu.memref_slice %arg9[%dma_wait3A_295, %dma_wait3A_296] : memref<10240x16xf32, #tpu.memory_space<vmem_shared>> -> memref<10240x16xf32, #tpu.memory_space<vmem_shared>>
    %dma_wait3A_298 = tpu.memref_slice %arg15[%dma_wait3A_287] : memref<12x!tpu.dma_semaphore, #tpu.memory_space<semaphore_mem>> -> memref<1x!tpu.dma_semaphore, #tpu.memory_space<semaphore_mem>>
    %dma_wait3A_299 = tpu.memref_squeeze %dma_wait3A_298 : memref<1x!tpu.dma_semaphore, #tpu.memory_space<semaphore_mem>> -> memref<!tpu.dma_semaphore, #tpu.memory_space<semaphore_mem>>
    tpu.wait_indirect_dma semaphore(%dma_wait3A_299 : memref<!tpu.dma_semaphore, #tpu.memory_space<semaphore_mem>>) src(%dma_wait3A_291 : memref<128x16xf32, #tpu.memory_space<vmem>>) dst(%dma_wait3A_297 : memref<10240x16xf32, #tpu.memory_space<vmem_shared>>)
    %dma_wait3A_300 = arith.constant 8 : i32
    %dma_wait3A_301 = arith.constant 0 : i32
    %dma_wait3A_302 = arith.constant 8 : i32
    %dma_wait3A_303 = arith.constant 0 : i32
    %dma_wait3A_304 = arith.constant 0 : i32
    %dma_wait3A_305 = tpu.memref_slice %arg12[%dma_wait3A_300, %dma_wait3A_303, %dma_wait3A_304] : memref<12x128x16xf32, #tpu.memory_space<vmem>> -> memref<1x128x16xf32, #tpu.memory_space<vmem>>
    %dma_wait3A_306 = tpu.memref_squeeze %dma_wait3A_305 : memref<1x128x16xf32, #tpu.memory_space<vmem>> -> memref<128x16xf32, #tpu.memory_space<vmem>>
    %dma_wait3A_307 = arith.constant 0 : i32
    %dma_wait3A_308 = tpu.memref_slice %arg11[%dma_wait3A_301, %dma_wait3A_307] : memref<79x128xi32, #tpu.memory_space<vmem>> -> memref<1x128xi32, #tpu.memory_space<vmem>>
    %dma_wait3A_309 = tpu.memref_squeeze %dma_wait3A_308 : memref<1x128xi32, #tpu.memory_space<vmem>> -> memref<128xi32, #tpu.memory_space<vmem>>
    %dma_wait3A_310 = arith.constant 0 : i32
    %dma_wait3A_311 = arith.constant 0 : i32
    %dma_wait3A_312 = tpu.memref_slice %arg9[%dma_wait3A_310, %dma_wait3A_311] : memref<10240x16xf32, #tpu.memory_space<vmem_shared>> -> memref<10240x16xf32, #tpu.memory_space<vmem_shared>>
    %dma_wait3A_313 = tpu.memref_slice %arg15[%dma_wait3A_302] : memref<12x!tpu.dma_semaphore, #tpu.memory_space<semaphore_mem>> -> memref<1x!tpu.dma_semaphore, #tpu.memory_space<semaphore_mem>>
    %dma_wait3A_314 = tpu.memref_squeeze %dma_wait3A_313 : memref<1x!tpu.dma_semaphore, #tpu.memory_space<semaphore_mem>> -> memref<!tpu.dma_semaphore, #tpu.memory_space<semaphore_mem>>
    tpu.wait_indirect_dma semaphore(%dma_wait3A_314 : memref<!tpu.dma_semaphore, #tpu.memory_space<semaphore_mem>>) src(%dma_wait3A_306 : memref<128x16xf32, #tpu.memory_space<vmem>>) dst(%dma_wait3A_312 : memref<10240x16xf32, #tpu.memory_space<vmem_shared>>)
    %dma_wait3A_315 = arith.constant 9 : i32
    %dma_wait3A_316 = arith.constant 0 : i32
    %dma_wait3A_317 = arith.constant 9 : i32
    %dma_wait3A_318 = arith.constant 0 : i32
    %dma_wait3A_319 = arith.constant 0 : i32
    %dma_wait3A_320 = tpu.memref_slice %arg12[%dma_wait3A_315, %dma_wait3A_318, %dma_wait3A_319] : memref<12x128x16xf32, #tpu.memory_space<vmem>> -> memref<1x128x16xf32, #tpu.memory_space<vmem>>
    %dma_wait3A_321 = tpu.memref_squeeze %dma_wait3A_320 : memref<1x128x16xf32, #tpu.memory_space<vmem>> -> memref<128x16xf32, #tpu.memory_space<vmem>>
    %dma_wait3A_322 = arith.constant 0 : i32
    %dma_wait3A_323 = tpu.memref_slice %arg11[%dma_wait3A_316, %dma_wait3A_322] : memref<79x128xi32, #tpu.memory_space<vmem>> -> memref<1x128xi32, #tpu.memory_space<vmem>>
    %dma_wait3A_324 = tpu.memref_squeeze %dma_wait3A_323 : memref<1x128xi32, #tpu.memory_space<vmem>> -> memref<128xi32, #tpu.memory_space<vmem>>
    %dma_wait3A_325 = arith.constant 0 : i32
    %dma_wait3A_326 = arith.constant 0 : i32
    %dma_wait3A_327 = tpu.memref_slice %arg9[%dma_wait3A_325, %dma_wait3A_326] : memref<10240x16xf32, #tpu.memory_space<vmem_shared>> -> memref<10240x16xf32, #tpu.memory_space<vmem_shared>>
    %dma_wait3A_328 = tpu.memref_slice %arg15[%dma_wait3A_317] : memref<12x!tpu.dma_semaphore, #tpu.memory_space<semaphore_mem>> -> memref<1x!tpu.dma_semaphore, #tpu.memory_space<semaphore_mem>>
    %dma_wait3A_329 = tpu.memref_squeeze %dma_wait3A_328 : memref<1x!tpu.dma_semaphore, #tpu.memory_space<semaphore_mem>> -> memref<!tpu.dma_semaphore, #tpu.memory_space<semaphore_mem>>
    tpu.wait_indirect_dma semaphore(%dma_wait3A_329 : memref<!tpu.dma_semaphore, #tpu.memory_space<semaphore_mem>>) src(%dma_wait3A_321 : memref<128x16xf32, #tpu.memory_space<vmem>>) dst(%dma_wait3A_327 : memref<10240x16xf32, #tpu.memory_space<vmem_shared>>)
    %dma_wait3A_330 = arith.constant 10 : i32
    %dma_wait3A_331 = arith.constant 0 : i32
    %dma_wait3A_332 = arith.constant 10 : i32
    %dma_wait3A_333 = arith.constant 0 : i32
    %dma_wait3A_334 = arith.constant 0 : i32
    %dma_wait3A_335 = tpu.memref_slice %arg12[%dma_wait3A_330, %dma_wait3A_333, %dma_wait3A_334] : memref<12x128x16xf32, #tpu.memory_space<vmem>> -> memref<1x128x16xf32, #tpu.memory_space<vmem>>
    %dma_wait3A_336 = tpu.memref_squeeze %dma_wait3A_335 : memref<1x128x16xf32, #tpu.memory_space<vmem>> -> memref<128x16xf32, #tpu.memory_space<vmem>>
    %dma_wait3A_337 = arith.constant 0 : i32
    %dma_wait3A_338 = tpu.memref_slice %arg11[%dma_wait3A_331, %dma_wait3A_337] : memref<79x128xi32, #tpu.memory_space<vmem>> -> memref<1x128xi32, #tpu.memory_space<vmem>>
    %dma_wait3A_339 = tpu.memref_squeeze %dma_wait3A_338 : memref<1x128xi32, #tpu.memory_space<vmem>> -> memref<128xi32, #tpu.memory_space<vmem>>
    %dma_wait3A_340 = arith.constant 0 : i32
    %dma_wait3A_341 = arith.constant 0 : i32
    %dma_wait3A_342 = tpu.memref_slice %arg9[%dma_wait3A_340, %dma_wait3A_341] : memref<10240x16xf32, #tpu.memory_space<vmem_shared>> -> memref<10240x16xf32, #tpu.memory_space<vmem_shared>>
    %dma_wait3A_343 = tpu.memref_slice %arg15[%dma_wait3A_332] : memref<12x!tpu.dma_semaphore, #tpu.memory_space<semaphore_mem>> -> memref<1x!tpu.dma_semaphore, #tpu.memory_space<semaphore_mem>>
    %dma_wait3A_344 = tpu.memref_squeeze %dma_wait3A_343 : memref<1x!tpu.dma_semaphore, #tpu.memory_space<semaphore_mem>> -> memref<!tpu.dma_semaphore, #tpu.memory_space<semaphore_mem>>
    tpu.wait_indirect_dma semaphore(%dma_wait3A_344 : memref<!tpu.dma_semaphore, #tpu.memory_space<semaphore_mem>>) src(%dma_wait3A_336 : memref<128x16xf32, #tpu.memory_space<vmem>>) dst(%dma_wait3A_342 : memref<10240x16xf32, #tpu.memory_space<vmem_shared>>)
    %dma_wait3A_345 = arith.constant 11 : i32
    %dma_wait3A_346 = arith.constant 0 : i32
    %dma_wait3A_347 = arith.constant 11 : i32
    %dma_wait3A_348 = arith.constant 0 : i32
    %dma_wait3A_349 = arith.constant 0 : i32
    %dma_wait3A_350 = tpu.memref_slice %arg12[%dma_wait3A_345, %dma_wait3A_348, %dma_wait3A_349] : memref<12x128x16xf32, #tpu.memory_space<vmem>> -> memref<1x128x16xf32, #tpu.memory_space<vmem>>
    %dma_wait3A_351 = tpu.memref_squeeze %dma_wait3A_350 : memref<1x128x16xf32, #tpu.memory_space<vmem>> -> memref<128x16xf32, #tpu.memory_space<vmem>>
    %dma_wait3A_352 = arith.constant 0 : i32
    %dma_wait3A_353 = tpu.memref_slice %arg11[%dma_wait3A_346, %dma_wait3A_352] : memref<79x128xi32, #tpu.memory_space<vmem>> -> memref<1x128xi32, #tpu.memory_space<vmem>>
    %dma_wait3A_354 = tpu.memref_squeeze %dma_wait3A_353 : memref<1x128xi32, #tpu.memory_space<vmem>> -> memref<128xi32, #tpu.memory_space<vmem>>
    %dma_wait3A_355 = arith.constant 0 : i32
    %dma_wait3A_356 = arith.constant 0 : i32
    %dma_wait3A_357 = tpu.memref_slice %arg9[%dma_wait3A_355, %dma_wait3A_356] : memref<10240x16xf32, #tpu.memory_space<vmem_shared>> -> memref<10240x16xf32, #tpu.memory_space<vmem_shared>>
    %dma_wait3A_358 = tpu.memref_slice %arg15[%dma_wait3A_347] : memref<12x!tpu.dma_semaphore, #tpu.memory_space<semaphore_mem>> -> memref<1x!tpu.dma_semaphore, #tpu.memory_space<semaphore_mem>>
    %dma_wait3A_359 = tpu.memref_squeeze %dma_wait3A_358 : memref<1x!tpu.dma_semaphore, #tpu.memory_space<semaphore_mem>> -> memref<!tpu.dma_semaphore, #tpu.memory_space<semaphore_mem>>
    tpu.wait_indirect_dma semaphore(%dma_wait3A_359 : memref<!tpu.dma_semaphore, #tpu.memory_space<semaphore_mem>>) src(%dma_wait3A_351 : memref<128x16xf32, #tpu.memory_space<vmem>>) dst(%dma_wait3A_357 : memref<10240x16xf32, #tpu.memory_space<vmem_shared>>)
    %barrier3A_360 = arith.constant 0 : index
    tpu.barrier barrier_id(%barrier3A_360)
    %mul3A_361 = arith.constant 640 : i32
    %mul3A_362 = arith.muli %arg1, %mul3A_361 : i32
    "tpu.region"() ({
      %run_scoped3A = tpu.sem_alloc : memref<!tpu.dma_semaphore, #tpu.memory_space<semaphore_mem>>
      %dma_start3A_365 = arith.constant 0 : i32
      %dma_start3A_366 = tpu.memref_slice %arg9[%mul3A_362, %dma_start3A_365] : memref<10240x16xf32, #tpu.memory_space<vmem_shared>> -> memref<640x16xf32, #tpu.memory_space<vmem_shared>>
      %dma_start3A_367 = arith.constant 0 : i32
      %dma_start3A_368 = tpu.memref_slice %arg9[%mul3A_362, %dma_start3A_367] : memref<10240x16xf32, #tpu.memory_space<vmem_shared>> -> memref<640x16xf32, #tpu.memory_space<vmem_shared>>
      tpu.enqueue_dma source(%dma_start3A_368 : memref<640x16xf32, #tpu.memory_space<vmem_shared>>) target(%arg13 : memref<640x16xf32, #tpu.memory_space<vmem>>) target_semaphore(%run_scoped3A : memref<!tpu.dma_semaphore, #tpu.memory_space<semaphore_mem>>)
      %dma_wait3A_369 = arith.constant 0 : i32
      %dma_wait3A_370 = tpu.memref_slice %arg9[%mul3A_362, %dma_wait3A_369] : memref<10240x16xf32, #tpu.memory_space<vmem_shared>> -> memref<640x16xf32, #tpu.memory_space<vmem_shared>>
      %dma_wait3A_371 = arith.constant 0 : i32
      %dma_wait3A_372 = tpu.memref_slice %arg9[%mul3A_362, %dma_wait3A_371] : memref<10240x16xf32, #tpu.memory_space<vmem_shared>> -> memref<640x16xf32, #tpu.memory_space<vmem_shared>>
      tpu.wait_dma2 semaphore(%run_scoped3A : memref<!tpu.dma_semaphore, #tpu.memory_space<semaphore_mem>>) src(%dma_wait3A_372 : memref<640x16xf32, #tpu.memory_space<vmem_shared>>) dst(%arg13 : memref<640x16xf32, #tpu.memory_space<vmem>>)
      tpu.yield
    }) : () -> ()
    %mul3A_363 = arith.constant 640 : i32
    %mul3A_364 = arith.muli %arg1, %mul3A_363 : i32
    "tpu.region"() ({
      %run_scoped3A = tpu.sem_alloc : memref<!tpu.dma_semaphore, #tpu.memory_space<semaphore_mem>>
      %dma_start3A_365 = arith.constant 0 : i32
      %dma_start3A_366 = tpu.memref_slice %arg8[%arg0, %mul3A_364, %dma_start3A_365] : memref<2x10240x16xf32, #tpu.memory_space<hbm>> -> memref<1x640x16xf32, #tpu.memory_space<hbm>>
      %dma_start3A_367 = tpu.memref_squeeze %dma_start3A_366 : memref<1x640x16xf32, #tpu.memory_space<hbm>> -> memref<640x16xf32, #tpu.memory_space<hbm>>
      %dma_start3A_368 = arith.constant 0 : i32
      %dma_start3A_369 = tpu.memref_slice %arg8[%arg0, %mul3A_364, %dma_start3A_368] : memref<2x10240x16xf32, #tpu.memory_space<hbm>> -> memref<1x640x16xf32, #tpu.memory_space<hbm>>
      %dma_start3A_370 = tpu.memref_squeeze %dma_start3A_369 : memref<1x640x16xf32, #tpu.memory_space<hbm>> -> memref<640x16xf32, #tpu.memory_space<hbm>>
      tpu.enqueue_dma source(%arg13 : memref<640x16xf32, #tpu.memory_space<vmem>>) target(%dma_start3A_370 : memref<640x16xf32, #tpu.memory_space<hbm>>) target_semaphore(%run_scoped3A : memref<!tpu.dma_semaphore, #tpu.memory_space<semaphore_mem>>)
      %dma_wait3A_371 = arith.constant 0 : i32
      %dma_wait3A_372 = tpu.memref_slice %arg8[%arg0, %mul3A_364, %dma_wait3A_371] : memref<2x10240x16xf32, #tpu.memory_space<hbm>> -> memref<1x640x16xf32, #tpu.memory_space<hbm>>
      %dma_wait3A_373 = tpu.memref_squeeze %dma_wait3A_372 : memref<1x640x16xf32, #tpu.memory_space<hbm>> -> memref<640x16xf32, #tpu.memory_space<hbm>>
      %dma_wait3A_374 = arith.constant 0 : i32
      %dma_wait3A_375 = tpu.memref_slice %arg8[%arg0, %mul3A_364, %dma_wait3A_374] : memref<2x10240x16xf32, #tpu.memory_space<hbm>> -> memref<1x640x16xf32, #tpu.memory_space<hbm>>
      %dma_wait3A_376 = tpu.memref_squeeze %dma_wait3A_375 : memref<1x640x16xf32, #tpu.memory_space<hbm>> -> memref<640x16xf32, #tpu.memory_space<hbm>>
      tpu.wait_dma2 semaphore(%run_scoped3A : memref<!tpu.dma_semaphore, #tpu.memory_space<semaphore_mem>>) src(%arg13 : memref<640x16xf32, #tpu.memory_space<vmem>>) dst(%dma_wait3A_376 : memref<640x16xf32, #tpu.memory_space<hbm>>)
      tpu.yield
    }) : () -> ()
    return
  }
}

#map = affine_map<(d0, d1) -> (0, 0)>
#map1 = affine_map<(d0, d1) -> (0)>
#map2 = affine_map<(d0, d1) -> (0, 0, 0)>
module attributes {stable_mosaic.version = 14 : i64} {
  func.func @_seg_body(%arg0: i32, %arg1: i32, %arg2: memref<10000x16xf32, #tpu.memory_space<hbm>>, %arg3: memref<2500x128xi32, #tpu.memory_space<hbm>>, %arg4: memref<2500x128xi32, #tpu.memory_space<hbm>>, %arg5: memref<128xf32, #tpu.memory_space<hbm>>, %arg6: memref<640xf32, #tpu.memory_space<hbm>>, %arg7: memref<640x16xf32, #tpu.memory_space<hbm>>, %arg8: memref<2x10240x16xf32, #tpu.memory_space<hbm>>, %arg9: memref<2x10240xf32, #tpu.memory_space<hbm>>, %arg10: memref<10240x16xf32, #tpu.memory_space<vmem_shared>>, %arg11: memref<10240xf32, #tpu.memory_space<vmem_shared>>, %arg12: memref<79x128xi32, #tpu.memory_space<vmem>>, %arg13: memref<79x128xi32, #tpu.memory_space<vmem>>, %arg14: memref<12x128x16xf32, #tpu.memory_space<vmem>>, %arg15: memref<128xf32, #tpu.memory_space<vmem>>, %arg16: memref<640x16xf32, #tpu.memory_space<vmem>>, %arg17: memref<640xf32, #tpu.memory_space<vmem>>, %arg18: memref<12x!tpu.dma_semaphore, #tpu.memory_space<semaphore_mem>>, %arg19: memref<12x!tpu.dma_semaphore, #tpu.memory_space<semaphore_mem>>, %arg20: memref<!tpu.dma_semaphore, #tpu.memory_space<semaphore_mem>>) attributes {dimension_semantics = [#tpu.dimension_semantics<core_parallel>, #tpu.dimension_semantics<subcore_parallel>], iteration_bounds = array<i64: 2, 16>, scalar_prefetch = 0 : i64, scratch_operands = 11 : i64, tpu.core_type = #tpu.core_type<sc_vector_subcore>, window_params = [{transform_indices = #map}, {transform_indices = #map}, {transform_indices = #map}, {transform_indices = #map1}, {transform_indices = #map1}, {transform_indices = #map}, {transform_indices = #map2}, {transform_indices = #map}]} {
    %mul3A = arith.constant 16 : i32
    %mul3A_0 = arith.muli %arg0, %mul3A : i32
    %add3A = arith.addi %mul3A_0, %arg1 : i32
    %lt3A = arith.constant 4 : i32
    %lt3A_1 = arith.cmpi slt, %add3A, %lt3A : i32
    %jit3A = arith.constant 79 : i32
    %jit3A_2 = arith.constant 78 : i32
    %select_n3A = arith.select %lt3A_1, %jit3A, %jit3A_2 : i32
    %mul3A_3 = arith.constant 78 : i32
    %mul3A_4 = arith.muli %add3A, %mul3A_3 : i32
    %min3A = arith.constant 4 : i32
    %min3A_5 = arith.minsi %add3A, %min3A : i32
    %add3A_6 = arith.addi %mul3A_4, %min3A_5 : i32
    "tpu.region"() ({
      %run_scoped3A = tpu.sem_alloc : memref<!tpu.dma_semaphore, #tpu.memory_space<semaphore_mem>>
      tpu.enqueue_dma source(%arg7 : memref<640x16xf32, #tpu.memory_space<hbm>>) target(%arg16 : memref<640x16xf32, #tpu.memory_space<vmem>>) target_semaphore(%run_scoped3A : memref<!tpu.dma_semaphore, #tpu.memory_space<semaphore_mem>>)
      tpu.wait_dma2 semaphore(%run_scoped3A : memref<!tpu.dma_semaphore, #tpu.memory_space<semaphore_mem>>) src(%arg7 : memref<640x16xf32, #tpu.memory_space<hbm>>) dst(%arg16 : memref<640x16xf32, #tpu.memory_space<vmem>>)
      tpu.yield
    }) : () -> ()
    %mul3A_7 = arith.constant 640 : i32
    %mul3A_8 = arith.muli %arg1, %mul3A_7 : i32
    "tpu.region"() ({
      %run_scoped3A = tpu.sem_alloc : memref<!tpu.dma_semaphore, #tpu.memory_space<semaphore_mem>>
      %dma_start3A_395 = arith.constant 0 : i32
      %dma_start3A_396 = tpu.memref_slice %arg10[%mul3A_8, %dma_start3A_395] : memref<10240x16xf32, #tpu.memory_space<vmem_shared>> -> memref<640x16xf32, #tpu.memory_space<vmem_shared>>
      %dma_start3A_397 = arith.constant 0 : i32
      %dma_start3A_398 = tpu.memref_slice %arg10[%mul3A_8, %dma_start3A_397] : memref<10240x16xf32, #tpu.memory_space<vmem_shared>> -> memref<640x16xf32, #tpu.memory_space<vmem_shared>>
      tpu.enqueue_dma source(%arg16 : memref<640x16xf32, #tpu.memory_space<vmem>>) target(%dma_start3A_398 : memref<640x16xf32, #tpu.memory_space<vmem_shared>>) target_semaphore(%run_scoped3A : memref<!tpu.dma_semaphore, #tpu.memory_space<semaphore_mem>>)
      %dma_wait3A_399 = arith.constant 0 : i32
      %dma_wait3A_400 = tpu.memref_slice %arg10[%mul3A_8, %dma_wait3A_399] : memref<10240x16xf32, #tpu.memory_space<vmem_shared>> -> memref<640x16xf32, #tpu.memory_space<vmem_shared>>
      %dma_wait3A_401 = arith.constant 0 : i32
      %dma_wait3A_402 = tpu.memref_slice %arg10[%mul3A_8, %dma_wait3A_401] : memref<10240x16xf32, #tpu.memory_space<vmem_shared>> -> memref<640x16xf32, #tpu.memory_space<vmem_shared>>
      tpu.wait_dma2 semaphore(%run_scoped3A : memref<!tpu.dma_semaphore, #tpu.memory_space<semaphore_mem>>) src(%arg16 : memref<640x16xf32, #tpu.memory_space<vmem>>) dst(%dma_wait3A_402 : memref<640x16xf32, #tpu.memory_space<vmem_shared>>)
      tpu.yield
    }) : () -> ()
    "tpu.region"() ({
      %run_scoped3A = tpu.sem_alloc : memref<!tpu.dma_semaphore, #tpu.memory_space<semaphore_mem>>
      tpu.enqueue_dma source(%arg6 : memref<640xf32, #tpu.memory_space<hbm>>) target(%arg17 : memref<640xf32, #tpu.memory_space<vmem>>) target_semaphore(%run_scoped3A : memref<!tpu.dma_semaphore, #tpu.memory_space<semaphore_mem>>)
      tpu.wait_dma2 semaphore(%run_scoped3A : memref<!tpu.dma_semaphore, #tpu.memory_space<semaphore_mem>>) src(%arg6 : memref<640xf32, #tpu.memory_space<hbm>>) dst(%arg17 : memref<640xf32, #tpu.memory_space<vmem>>)
      tpu.yield
    }) : () -> ()
    %mul3A_9 = arith.constant 640 : i32
    %mul3A_10 = arith.muli %arg1, %mul3A_9 : i32
    "tpu.region"() ({
      %run_scoped3A = tpu.sem_alloc : memref<!tpu.dma_semaphore, #tpu.memory_space<semaphore_mem>>
      %dma_start3A_395 = tpu.memref_slice %arg11[%mul3A_10] : memref<10240xf32, #tpu.memory_space<vmem_shared>> -> memref<640xf32, #tpu.memory_space<vmem_shared>>
      %dma_start3A_396 = tpu.memref_slice %arg11[%mul3A_10] : memref<10240xf32, #tpu.memory_space<vmem_shared>> -> memref<640xf32, #tpu.memory_space<vmem_shared>>
      tpu.enqueue_dma source(%arg17 : memref<640xf32, #tpu.memory_space<vmem>>) target(%dma_start3A_396 : memref<640xf32, #tpu.memory_space<vmem_shared>>) target_semaphore(%run_scoped3A : memref<!tpu.dma_semaphore, #tpu.memory_space<semaphore_mem>>)
      %dma_wait3A_397 = tpu.memref_slice %arg11[%mul3A_10] : memref<10240xf32, #tpu.memory_space<vmem_shared>> -> memref<640xf32, #tpu.memory_space<vmem_shared>>
      %dma_wait3A_398 = tpu.memref_slice %arg11[%mul3A_10] : memref<10240xf32, #tpu.memory_space<vmem_shared>> -> memref<640xf32, #tpu.memory_space<vmem_shared>>
      tpu.wait_dma2 semaphore(%run_scoped3A : memref<!tpu.dma_semaphore, #tpu.memory_space<semaphore_mem>>) src(%arg17 : memref<640xf32, #tpu.memory_space<vmem>>) dst(%dma_wait3A_398 : memref<640xf32, #tpu.memory_space<vmem_shared>>)
      tpu.yield
    }) : () -> ()
    "tpu.region"() ({
      %run_scoped3A = tpu.sem_alloc : memref<!tpu.dma_semaphore, #tpu.memory_space<semaphore_mem>>
      tpu.enqueue_dma source(%arg5 : memref<128xf32, #tpu.memory_space<hbm>>) target(%arg15 : memref<128xf32, #tpu.memory_space<vmem>>) target_semaphore(%run_scoped3A : memref<!tpu.dma_semaphore, #tpu.memory_space<semaphore_mem>>)
      tpu.wait_dma2 semaphore(%run_scoped3A : memref<!tpu.dma_semaphore, #tpu.memory_space<semaphore_mem>>) src(%arg5 : memref<128xf32, #tpu.memory_space<hbm>>) dst(%arg15 : memref<128xf32, #tpu.memory_space<vmem>>)
      tpu.yield
    }) : () -> ()
    "tpu.region"() ({
      %run_scoped3A = tpu.sem_alloc : memref<!tpu.dma_semaphore, #tpu.memory_space<semaphore_mem>>
      %dma_start3A_395 = arith.constant 0 : i32
      %dma_start3A_396 = arith.constant 0 : i32
      %dma_start3A_397 = tpu.memref_slice %arg12[%dma_start3A_395, %dma_start3A_396] : memref<79x128xi32, #tpu.memory_space<vmem>> -> memref<78x128xi32, #tpu.memory_space<vmem>>
      %dma_start3A_398 = arith.constant 0 : i32
      %dma_start3A_399 = tpu.memref_slice %arg3[%add3A_6, %dma_start3A_398] : memref<2500x128xi32, #tpu.memory_space<hbm>> -> memref<78x128xi32, #tpu.memory_space<hbm>>
      %dma_start3A_400 = arith.constant 0 : i32
      %dma_start3A_401 = arith.constant 0 : i32
      %dma_start3A_402 = tpu.memref_slice %arg12[%dma_start3A_400, %dma_start3A_401] : memref<79x128xi32, #tpu.memory_space<vmem>> -> memref<78x128xi32, #tpu.memory_space<vmem>>
      %dma_start3A_403 = arith.constant 0 : i32
      %dma_start3A_404 = tpu.memref_slice %arg3[%add3A_6, %dma_start3A_403] : memref<2500x128xi32, #tpu.memory_space<hbm>> -> memref<78x128xi32, #tpu.memory_space<hbm>>
      tpu.enqueue_dma source(%dma_start3A_404 : memref<78x128xi32, #tpu.memory_space<hbm>>) target(%dma_start3A_402 : memref<78x128xi32, #tpu.memory_space<vmem>>) target_semaphore(%run_scoped3A : memref<!tpu.dma_semaphore, #tpu.memory_space<semaphore_mem>>)
      %dma_wait3A_405 = arith.constant 0 : i32
      %dma_wait3A_406 = arith.constant 0 : i32
      %dma_wait3A_407 = tpu.memref_slice %arg12[%dma_wait3A_405, %dma_wait3A_406] : memref<79x128xi32, #tpu.memory_space<vmem>> -> memref<78x128xi32, #tpu.memory_space<vmem>>
      %dma_wait3A_408 = arith.constant 0 : i32
      %dma_wait3A_409 = tpu.memref_slice %arg3[%add3A_6, %dma_wait3A_408] : memref<2500x128xi32, #tpu.memory_space<hbm>> -> memref<78x128xi32, #tpu.memory_space<hbm>>
      %dma_wait3A_410 = arith.constant 0 : i32
      %dma_wait3A_411 = arith.constant 0 : i32
      %dma_wait3A_412 = tpu.memref_slice %arg12[%dma_wait3A_410, %dma_wait3A_411] : memref<79x128xi32, #tpu.memory_space<vmem>> -> memref<78x128xi32, #tpu.memory_space<vmem>>
      %dma_wait3A_413 = arith.constant 0 : i32
      %dma_wait3A_414 = tpu.memref_slice %arg3[%add3A_6, %dma_wait3A_413] : memref<2500x128xi32, #tpu.memory_space<hbm>> -> memref<78x128xi32, #tpu.memory_space<hbm>>
      tpu.wait_dma2 semaphore(%run_scoped3A : memref<!tpu.dma_semaphore, #tpu.memory_space<semaphore_mem>>) src(%dma_wait3A_414 : memref<78x128xi32, #tpu.memory_space<hbm>>) dst(%dma_wait3A_412 : memref<78x128xi32, #tpu.memory_space<vmem>>)
      tpu.yield
    }) : () -> ()
    "tpu.region"() ({
      %run_scoped3A = tpu.sem_alloc : memref<!tpu.dma_semaphore, #tpu.memory_space<semaphore_mem>>
      %dma_start3A_395 = arith.constant 0 : i32
      %dma_start3A_396 = arith.constant 0 : i32
      %dma_start3A_397 = tpu.memref_slice %arg13[%dma_start3A_395, %dma_start3A_396] : memref<79x128xi32, #tpu.memory_space<vmem>> -> memref<78x128xi32, #tpu.memory_space<vmem>>
      %dma_start3A_398 = arith.constant 0 : i32
      %dma_start3A_399 = tpu.memref_slice %arg4[%add3A_6, %dma_start3A_398] : memref<2500x128xi32, #tpu.memory_space<hbm>> -> memref<78x128xi32, #tpu.memory_space<hbm>>
      %dma_start3A_400 = arith.constant 0 : i32
      %dma_start3A_401 = arith.constant 0 : i32
      %dma_start3A_402 = tpu.memref_slice %arg13[%dma_start3A_400, %dma_start3A_401] : memref<79x128xi32, #tpu.memory_space<vmem>> -> memref<78x128xi32, #tpu.memory_space<vmem>>
      %dma_start3A_403 = arith.constant 0 : i32
      %dma_start3A_404 = tpu.memref_slice %arg4[%add3A_6, %dma_start3A_403] : memref<2500x128xi32, #tpu.memory_space<hbm>> -> memref<78x128xi32, #tpu.memory_space<hbm>>
      tpu.enqueue_dma source(%dma_start3A_404 : memref<78x128xi32, #tpu.memory_space<hbm>>) target(%dma_start3A_402 : memref<78x128xi32, #tpu.memory_space<vmem>>) target_semaphore(%run_scoped3A : memref<!tpu.dma_semaphore, #tpu.memory_space<semaphore_mem>>)
      %dma_wait3A_405 = arith.constant 0 : i32
      %dma_wait3A_406 = arith.constant 0 : i32
      %dma_wait3A_407 = tpu.memref_slice %arg13[%dma_wait3A_405, %dma_wait3A_406] : memref<79x128xi32, #tpu.memory_space<vmem>> -> memref<78x128xi32, #tpu.memory_space<vmem>>
      %dma_wait3A_408 = arith.constant 0 : i32
      %dma_wait3A_409 = tpu.memref_slice %arg4[%add3A_6, %dma_wait3A_408] : memref<2500x128xi32, #tpu.memory_space<hbm>> -> memref<78x128xi32, #tpu.memory_space<hbm>>
      %dma_wait3A_410 = arith.constant 0 : i32
      %dma_wait3A_411 = arith.constant 0 : i32
      %dma_wait3A_412 = tpu.memref_slice %arg13[%dma_wait3A_410, %dma_wait3A_411] : memref<79x128xi32, #tpu.memory_space<vmem>> -> memref<78x128xi32, #tpu.memory_space<vmem>>
      %dma_wait3A_413 = arith.constant 0 : i32
      %dma_wait3A_414 = tpu.memref_slice %arg4[%add3A_6, %dma_wait3A_413] : memref<2500x128xi32, #tpu.memory_space<hbm>> -> memref<78x128xi32, #tpu.memory_space<hbm>>
      tpu.wait_dma2 semaphore(%run_scoped3A : memref<!tpu.dma_semaphore, #tpu.memory_space<semaphore_mem>>) src(%dma_wait3A_414 : memref<78x128xi32, #tpu.memory_space<hbm>>) dst(%dma_wait3A_412 : memref<78x128xi32, #tpu.memory_space<vmem>>)
      tpu.yield
    }) : () -> ()
    %lt3A_11 = arith.constant 4 : i32
    %lt3A_12 = arith.cmpi slt, %add3A, %lt3A_11 : i32
    %convert_element_type3A = arith.extui %lt3A_12 : i1 to i32
    %cond3A = arith.constant 0 : i32
    %cond3A_13 = arith.cmpi ne, %convert_element_type3A, %cond3A : i32
    scf.if %cond3A_13 {
      %add3A_395 = arith.constant 78 : i32
      %add3A_396 = arith.addi %add3A_6, %add3A_395 : i32
      "tpu.region"() ({
        %run_scoped3A = tpu.sem_alloc : memref<!tpu.dma_semaphore, #tpu.memory_space<semaphore_mem>>
        %dma_start3A_399 = arith.constant 78 : i32
        %dma_start3A_400 = arith.constant 0 : i32
        %dma_start3A_401 = tpu.memref_slice %arg12[%dma_start3A_399, %dma_start3A_400] : memref<79x128xi32, #tpu.memory_space<vmem>> -> memref<1x128xi32, #tpu.memory_space<vmem>>
        %dma_start3A_402 = arith.constant 0 : i32
        %dma_start3A_403 = tpu.memref_slice %arg3[%add3A_396, %dma_start3A_402] : memref<2500x128xi32, #tpu.memory_space<hbm>> -> memref<1x128xi32, #tpu.memory_space<hbm>>
        %dma_start3A_404 = arith.constant 78 : i32
        %dma_start3A_405 = arith.constant 0 : i32
        %dma_start3A_406 = tpu.memref_slice %arg12[%dma_start3A_404, %dma_start3A_405] : memref<79x128xi32, #tpu.memory_space<vmem>> -> memref<1x128xi32, #tpu.memory_space<vmem>>
        %dma_start3A_407 = arith.constant 0 : i32
        %dma_start3A_408 = tpu.memref_slice %arg3[%add3A_396, %dma_start3A_407] : memref<2500x128xi32, #tpu.memory_space<hbm>> -> memref<1x128xi32, #tpu.memory_space<hbm>>
        tpu.enqueue_dma source(%dma_start3A_408 : memref<1x128xi32, #tpu.memory_space<hbm>>) target(%dma_start3A_406 : memref<1x128xi32, #tpu.memory_space<vmem>>) target_semaphore(%run_scoped3A : memref<!tpu.dma_semaphore, #tpu.memory_space<semaphore_mem>>)
        %dma_wait3A_409 = arith.constant 78 : i32
        %dma_wait3A_410 = arith.constant 0 : i32
        %dma_wait3A_411 = tpu.memref_slice %arg12[%dma_wait3A_409, %dma_wait3A_410] : memref<79x128xi32, #tpu.memory_space<vmem>> -> memref<1x128xi32, #tpu.memory_space<vmem>>
        %dma_wait3A_412 = arith.constant 0 : i32
        %dma_wait3A_413 = tpu.memref_slice %arg3[%add3A_396, %dma_wait3A_412] : memref<2500x128xi32, #tpu.memory_space<hbm>> -> memref<1x128xi32, #tpu.memory_space<hbm>>
        %dma_wait3A_414 = arith.constant 78 : i32
        %dma_wait3A_415 = arith.constant 0 : i32
        %dma_wait3A_416 = tpu.memref_slice %arg12[%dma_wait3A_414, %dma_wait3A_415] : memref<79x128xi32, #tpu.memory_space<vmem>> -> memref<1x128xi32, #tpu.memory_space<vmem>>
        %dma_wait3A_417 = arith.constant 0 : i32
        %dma_wait3A_418 = tpu.memref_slice %arg3[%add3A_396, %dma_wait3A_417] : memref<2500x128xi32, #tpu.memory_space<hbm>> -> memref<1x128xi32, #tpu.memory_space<hbm>>
        tpu.wait_dma2 semaphore(%run_scoped3A : memref<!tpu.dma_semaphore, #tpu.memory_space<semaphore_mem>>) src(%dma_wait3A_418 : memref<1x128xi32, #tpu.memory_space<hbm>>) dst(%dma_wait3A_416 : memref<1x128xi32, #tpu.memory_space<vmem>>)
        tpu.yield
      }) : () -> ()
      %add3A_397 = arith.constant 78 : i32
      %add3A_398 = arith.addi %add3A_6, %add3A_397 : i32
      "tpu.region"() ({
        %run_scoped3A = tpu.sem_alloc : memref<!tpu.dma_semaphore, #tpu.memory_space<semaphore_mem>>
        %dma_start3A_399 = arith.constant 78 : i32
        %dma_start3A_400 = arith.constant 0 : i32
        %dma_start3A_401 = tpu.memref_slice %arg13[%dma_start3A_399, %dma_start3A_400] : memref<79x128xi32, #tpu.memory_space<vmem>> -> memref<1x128xi32, #tpu.memory_space<vmem>>
        %dma_start3A_402 = arith.constant 0 : i32
        %dma_start3A_403 = tpu.memref_slice %arg4[%add3A_398, %dma_start3A_402] : memref<2500x128xi32, #tpu.memory_space<hbm>> -> memref<1x128xi32, #tpu.memory_space<hbm>>
        %dma_start3A_404 = arith.constant 78 : i32
        %dma_start3A_405 = arith.constant 0 : i32
        %dma_start3A_406 = tpu.memref_slice %arg13[%dma_start3A_404, %dma_start3A_405] : memref<79x128xi32, #tpu.memory_space<vmem>> -> memref<1x128xi32, #tpu.memory_space<vmem>>
        %dma_start3A_407 = arith.constant 0 : i32
        %dma_start3A_408 = tpu.memref_slice %arg4[%add3A_398, %dma_start3A_407] : memref<2500x128xi32, #tpu.memory_space<hbm>> -> memref<1x128xi32, #tpu.memory_space<hbm>>
        tpu.enqueue_dma source(%dma_start3A_408 : memref<1x128xi32, #tpu.memory_space<hbm>>) target(%dma_start3A_406 : memref<1x128xi32, #tpu.memory_space<vmem>>) target_semaphore(%run_scoped3A : memref<!tpu.dma_semaphore, #tpu.memory_space<semaphore_mem>>)
        %dma_wait3A_409 = arith.constant 78 : i32
        %dma_wait3A_410 = arith.constant 0 : i32
        %dma_wait3A_411 = tpu.memref_slice %arg13[%dma_wait3A_409, %dma_wait3A_410] : memref<79x128xi32, #tpu.memory_space<vmem>> -> memref<1x128xi32, #tpu.memory_space<vmem>>
        %dma_wait3A_412 = arith.constant 0 : i32
        %dma_wait3A_413 = tpu.memref_slice %arg4[%add3A_398, %dma_wait3A_412] : memref<2500x128xi32, #tpu.memory_space<hbm>> -> memref<1x128xi32, #tpu.memory_space<hbm>>
        %dma_wait3A_414 = arith.constant 78 : i32
        %dma_wait3A_415 = arith.constant 0 : i32
        %dma_wait3A_416 = tpu.memref_slice %arg13[%dma_wait3A_414, %dma_wait3A_415] : memref<79x128xi32, #tpu.memory_space<vmem>> -> memref<1x128xi32, #tpu.memory_space<vmem>>
        %dma_wait3A_417 = arith.constant 0 : i32
        %dma_wait3A_418 = tpu.memref_slice %arg4[%add3A_398, %dma_wait3A_417] : memref<2500x128xi32, #tpu.memory_space<hbm>> -> memref<1x128xi32, #tpu.memory_space<hbm>>
        tpu.wait_dma2 semaphore(%run_scoped3A : memref<!tpu.dma_semaphore, #tpu.memory_space<semaphore_mem>>) src(%dma_wait3A_418 : memref<1x128xi32, #tpu.memory_space<hbm>>) dst(%dma_wait3A_416 : memref<1x128xi32, #tpu.memory_space<vmem>>)
        tpu.yield
      }) : () -> ()
    } else {
    }
    %barrier3A = arith.constant 0 : index
    tpu.barrier barrier_id(%barrier3A)
    %dma_start3A = arith.constant 0 : i32
    %dma_start3A_14 = arith.constant 0 : i32
    %dma_start3A_15 = arith.constant 0 : i32
    %dma_start3A_16 = arith.constant 0 : i32
    %dma_start3A_17 = arith.constant 0 : i32
    %dma_start3A_18 = tpu.memref_slice %arg14[%dma_start3A_14, %dma_start3A_16, %dma_start3A_17] : memref<12x128x16xf32, #tpu.memory_space<vmem>> -> memref<1x128x16xf32, #tpu.memory_space<vmem>>
    %dma_start3A_19 = tpu.memref_squeeze %dma_start3A_18 : memref<1x128x16xf32, #tpu.memory_space<vmem>> -> memref<128x16xf32, #tpu.memory_space<vmem>>
    %dma_start3A_20 = arith.constant 0 : i32
    %dma_start3A_21 = tpu.memref_slice %arg12[%dma_start3A, %dma_start3A_20] : memref<79x128xi32, #tpu.memory_space<vmem>> -> memref<1x128xi32, #tpu.memory_space<vmem>>
    %dma_start3A_22 = tpu.memref_squeeze %dma_start3A_21 : memref<1x128xi32, #tpu.memory_space<vmem>> -> memref<128xi32, #tpu.memory_space<vmem>>
    %dma_start3A_23 = arith.constant 0 : i32
    %dma_start3A_24 = arith.constant 0 : i32
    %dma_start3A_25 = tpu.memref_slice %arg2[%dma_start3A_23, %dma_start3A_24] : memref<10000x16xf32, #tpu.memory_space<hbm>> -> memref<10000x16xf32, #tpu.memory_space<hbm>>
    %dma_start3A_26 = tpu.memref_slice %arg18[%dma_start3A_15] : memref<12x!tpu.dma_semaphore, #tpu.memory_space<semaphore_mem>> -> memref<1x!tpu.dma_semaphore, #tpu.memory_space<semaphore_mem>>
    %dma_start3A_27 = tpu.memref_squeeze %dma_start3A_26 : memref<1x!tpu.dma_semaphore, #tpu.memory_space<semaphore_mem>> -> memref<!tpu.dma_semaphore, #tpu.memory_space<semaphore_mem>>
    tpu.enqueue_indirect_dma source(%dma_start3A_25 : memref<10000x16xf32, #tpu.memory_space<hbm>>) target(%dma_start3A_19 : memref<128x16xf32, #tpu.memory_space<vmem>>) offsets(%dma_start3A_22 : memref<128xi32, #tpu.memory_space<vmem>>) semaphore(%dma_start3A_27 : memref<!tpu.dma_semaphore, #tpu.memory_space<semaphore_mem>>)
    %dma_start3A_28 = arith.constant 1 : i32
    %dma_start3A_29 = arith.constant 1 : i32
    %dma_start3A_30 = arith.constant 1 : i32
    %dma_start3A_31 = arith.constant 0 : i32
    %dma_start3A_32 = arith.constant 0 : i32
    %dma_start3A_33 = tpu.memref_slice %arg14[%dma_start3A_29, %dma_start3A_31, %dma_start3A_32] : memref<12x128x16xf32, #tpu.memory_space<vmem>> -> memref<1x128x16xf32, #tpu.memory_space<vmem>>
    %dma_start3A_34 = tpu.memref_squeeze %dma_start3A_33 : memref<1x128x16xf32, #tpu.memory_space<vmem>> -> memref<128x16xf32, #tpu.memory_space<vmem>>
    %dma_start3A_35 = arith.constant 0 : i32
    %dma_start3A_36 = tpu.memref_slice %arg12[%dma_start3A_28, %dma_start3A_35] : memref<79x128xi32, #tpu.memory_space<vmem>> -> memref<1x128xi32, #tpu.memory_space<vmem>>
    %dma_start3A_37 = tpu.memref_squeeze %dma_start3A_36 : memref<1x128xi32, #tpu.memory_space<vmem>> -> memref<128xi32, #tpu.memory_space<vmem>>
    %dma_start3A_38 = arith.constant 0 : i32
    %dma_start3A_39 = arith.constant 0 : i32
    %dma_start3A_40 = tpu.memref_slice %arg2[%dma_start3A_38, %dma_start3A_39] : memref<10000x16xf32, #tpu.memory_space<hbm>> -> memref<10000x16xf32, #tpu.memory_space<hbm>>
    %dma_start3A_41 = tpu.memref_slice %arg18[%dma_start3A_30] : memref<12x!tpu.dma_semaphore, #tpu.memory_space<semaphore_mem>> -> memref<1x!tpu.dma_semaphore, #tpu.memory_space<semaphore_mem>>
    %dma_start3A_42 = tpu.memref_squeeze %dma_start3A_41 : memref<1x!tpu.dma_semaphore, #tpu.memory_space<semaphore_mem>> -> memref<!tpu.dma_semaphore, #tpu.memory_space<semaphore_mem>>
    tpu.enqueue_indirect_dma source(%dma_start3A_40 : memref<10000x16xf32, #tpu.memory_space<hbm>>) target(%dma_start3A_34 : memref<128x16xf32, #tpu.memory_space<vmem>>) offsets(%dma_start3A_37 : memref<128xi32, #tpu.memory_space<vmem>>) semaphore(%dma_start3A_42 : memref<!tpu.dma_semaphore, #tpu.memory_space<semaphore_mem>>)
    %dma_start3A_43 = arith.constant 2 : i32
    %dma_start3A_44 = arith.constant 2 : i32
    %dma_start3A_45 = arith.constant 2 : i32
    %dma_start3A_46 = arith.constant 0 : i32
    %dma_start3A_47 = arith.constant 0 : i32
    %dma_start3A_48 = tpu.memref_slice %arg14[%dma_start3A_44, %dma_start3A_46, %dma_start3A_47] : memref<12x128x16xf32, #tpu.memory_space<vmem>> -> memref<1x128x16xf32, #tpu.memory_space<vmem>>
    %dma_start3A_49 = tpu.memref_squeeze %dma_start3A_48 : memref<1x128x16xf32, #tpu.memory_space<vmem>> -> memref<128x16xf32, #tpu.memory_space<vmem>>
    %dma_start3A_50 = arith.constant 0 : i32
    %dma_start3A_51 = tpu.memref_slice %arg12[%dma_start3A_43, %dma_start3A_50] : memref<79x128xi32, #tpu.memory_space<vmem>> -> memref<1x128xi32, #tpu.memory_space<vmem>>
    %dma_start3A_52 = tpu.memref_squeeze %dma_start3A_51 : memref<1x128xi32, #tpu.memory_space<vmem>> -> memref<128xi32, #tpu.memory_space<vmem>>
    %dma_start3A_53 = arith.constant 0 : i32
    %dma_start3A_54 = arith.constant 0 : i32
    %dma_start3A_55 = tpu.memref_slice %arg2[%dma_start3A_53, %dma_start3A_54] : memref<10000x16xf32, #tpu.memory_space<hbm>> -> memref<10000x16xf32, #tpu.memory_space<hbm>>
    %dma_start3A_56 = tpu.memref_slice %arg18[%dma_start3A_45] : memref<12x!tpu.dma_semaphore, #tpu.memory_space<semaphore_mem>> -> memref<1x!tpu.dma_semaphore, #tpu.memory_space<semaphore_mem>>
    %dma_start3A_57 = tpu.memref_squeeze %dma_start3A_56 : memref<1x!tpu.dma_semaphore, #tpu.memory_space<semaphore_mem>> -> memref<!tpu.dma_semaphore, #tpu.memory_space<semaphore_mem>>
    tpu.enqueue_indirect_dma source(%dma_start3A_55 : memref<10000x16xf32, #tpu.memory_space<hbm>>) target(%dma_start3A_49 : memref<128x16xf32, #tpu.memory_space<vmem>>) offsets(%dma_start3A_52 : memref<128xi32, #tpu.memory_space<vmem>>) semaphore(%dma_start3A_57 : memref<!tpu.dma_semaphore, #tpu.memory_space<semaphore_mem>>)
    %dma_start3A_58 = arith.constant 3 : i32
    %dma_start3A_59 = arith.constant 3 : i32
    %dma_start3A_60 = arith.constant 3 : i32
    %dma_start3A_61 = arith.constant 0 : i32
    %dma_start3A_62 = arith.constant 0 : i32
    %dma_start3A_63 = tpu.memref_slice %arg14[%dma_start3A_59, %dma_start3A_61, %dma_start3A_62] : memref<12x128x16xf32, #tpu.memory_space<vmem>> -> memref<1x128x16xf32, #tpu.memory_space<vmem>>
    %dma_start3A_64 = tpu.memref_squeeze %dma_start3A_63 : memref<1x128x16xf32, #tpu.memory_space<vmem>> -> memref<128x16xf32, #tpu.memory_space<vmem>>
    %dma_start3A_65 = arith.constant 0 : i32
    %dma_start3A_66 = tpu.memref_slice %arg12[%dma_start3A_58, %dma_start3A_65] : memref<79x128xi32, #tpu.memory_space<vmem>> -> memref<1x128xi32, #tpu.memory_space<vmem>>
    %dma_start3A_67 = tpu.memref_squeeze %dma_start3A_66 : memref<1x128xi32, #tpu.memory_space<vmem>> -> memref<128xi32, #tpu.memory_space<vmem>>
    %dma_start3A_68 = arith.constant 0 : i32
    %dma_start3A_69 = arith.constant 0 : i32
    %dma_start3A_70 = tpu.memref_slice %arg2[%dma_start3A_68, %dma_start3A_69] : memref<10000x16xf32, #tpu.memory_space<hbm>> -> memref<10000x16xf32, #tpu.memory_space<hbm>>
    %dma_start3A_71 = tpu.memref_slice %arg18[%dma_start3A_60] : memref<12x!tpu.dma_semaphore, #tpu.memory_space<semaphore_mem>> -> memref<1x!tpu.dma_semaphore, #tpu.memory_space<semaphore_mem>>
    %dma_start3A_72 = tpu.memref_squeeze %dma_start3A_71 : memref<1x!tpu.dma_semaphore, #tpu.memory_space<semaphore_mem>> -> memref<!tpu.dma_semaphore, #tpu.memory_space<semaphore_mem>>
    tpu.enqueue_indirect_dma source(%dma_start3A_70 : memref<10000x16xf32, #tpu.memory_space<hbm>>) target(%dma_start3A_64 : memref<128x16xf32, #tpu.memory_space<vmem>>) offsets(%dma_start3A_67 : memref<128xi32, #tpu.memory_space<vmem>>) semaphore(%dma_start3A_72 : memref<!tpu.dma_semaphore, #tpu.memory_space<semaphore_mem>>)
    %dma_start3A_73 = arith.constant 4 : i32
    %dma_start3A_74 = arith.constant 4 : i32
    %dma_start3A_75 = arith.constant 4 : i32
    %dma_start3A_76 = arith.constant 0 : i32
    %dma_start3A_77 = arith.constant 0 : i32
    %dma_start3A_78 = tpu.memref_slice %arg14[%dma_start3A_74, %dma_start3A_76, %dma_start3A_77] : memref<12x128x16xf32, #tpu.memory_space<vmem>> -> memref<1x128x16xf32, #tpu.memory_space<vmem>>
    %dma_start3A_79 = tpu.memref_squeeze %dma_start3A_78 : memref<1x128x16xf32, #tpu.memory_space<vmem>> -> memref<128x16xf32, #tpu.memory_space<vmem>>
    %dma_start3A_80 = arith.constant 0 : i32
    %dma_start3A_81 = tpu.memref_slice %arg12[%dma_start3A_73, %dma_start3A_80] : memref<79x128xi32, #tpu.memory_space<vmem>> -> memref<1x128xi32, #tpu.memory_space<vmem>>
    %dma_start3A_82 = tpu.memref_squeeze %dma_start3A_81 : memref<1x128xi32, #tpu.memory_space<vmem>> -> memref<128xi32, #tpu.memory_space<vmem>>
    %dma_start3A_83 = arith.constant 0 : i32
    %dma_start3A_84 = arith.constant 0 : i32
    %dma_start3A_85 = tpu.memref_slice %arg2[%dma_start3A_83, %dma_start3A_84] : memref<10000x16xf32, #tpu.memory_space<hbm>> -> memref<10000x16xf32, #tpu.memory_space<hbm>>
    %dma_start3A_86 = tpu.memref_slice %arg18[%dma_start3A_75] : memref<12x!tpu.dma_semaphore, #tpu.memory_space<semaphore_mem>> -> memref<1x!tpu.dma_semaphore, #tpu.memory_space<semaphore_mem>>
    %dma_start3A_87 = tpu.memref_squeeze %dma_start3A_86 : memref<1x!tpu.dma_semaphore, #tpu.memory_space<semaphore_mem>> -> memref<!tpu.dma_semaphore, #tpu.memory_space<semaphore_mem>>
    tpu.enqueue_indirect_dma source(%dma_start3A_85 : memref<10000x16xf32, #tpu.memory_space<hbm>>) target(%dma_start3A_79 : memref<128x16xf32, #tpu.memory_space<vmem>>) offsets(%dma_start3A_82 : memref<128xi32, #tpu.memory_space<vmem>>) semaphore(%dma_start3A_87 : memref<!tpu.dma_semaphore, #tpu.memory_space<semaphore_mem>>)
    %dma_start3A_88 = arith.constant 5 : i32
    %dma_start3A_89 = arith.constant 5 : i32
    %dma_start3A_90 = arith.constant 5 : i32
    %dma_start3A_91 = arith.constant 0 : i32
    %dma_start3A_92 = arith.constant 0 : i32
    %dma_start3A_93 = tpu.memref_slice %arg14[%dma_start3A_89, %dma_start3A_91, %dma_start3A_92] : memref<12x128x16xf32, #tpu.memory_space<vmem>> -> memref<1x128x16xf32, #tpu.memory_space<vmem>>
    %dma_start3A_94 = tpu.memref_squeeze %dma_start3A_93 : memref<1x128x16xf32, #tpu.memory_space<vmem>> -> memref<128x16xf32, #tpu.memory_space<vmem>>
    %dma_start3A_95 = arith.constant 0 : i32
    %dma_start3A_96 = tpu.memref_slice %arg12[%dma_start3A_88, %dma_start3A_95] : memref<79x128xi32, #tpu.memory_space<vmem>> -> memref<1x128xi32, #tpu.memory_space<vmem>>
    %dma_start3A_97 = tpu.memref_squeeze %dma_start3A_96 : memref<1x128xi32, #tpu.memory_space<vmem>> -> memref<128xi32, #tpu.memory_space<vmem>>
    %dma_start3A_98 = arith.constant 0 : i32
    %dma_start3A_99 = arith.constant 0 : i32
    %dma_start3A_100 = tpu.memref_slice %arg2[%dma_start3A_98, %dma_start3A_99] : memref<10000x16xf32, #tpu.memory_space<hbm>> -> memref<10000x16xf32, #tpu.memory_space<hbm>>
    %dma_start3A_101 = tpu.memref_slice %arg18[%dma_start3A_90] : memref<12x!tpu.dma_semaphore, #tpu.memory_space<semaphore_mem>> -> memref<1x!tpu.dma_semaphore, #tpu.memory_space<semaphore_mem>>
    %dma_start3A_102 = tpu.memref_squeeze %dma_start3A_101 : memref<1x!tpu.dma_semaphore, #tpu.memory_space<semaphore_mem>> -> memref<!tpu.dma_semaphore, #tpu.memory_space<semaphore_mem>>
    tpu.enqueue_indirect_dma source(%dma_start3A_100 : memref<10000x16xf32, #tpu.memory_space<hbm>>) target(%dma_start3A_94 : memref<128x16xf32, #tpu.memory_space<vmem>>) offsets(%dma_start3A_97 : memref<128xi32, #tpu.memory_space<vmem>>) semaphore(%dma_start3A_102 : memref<!tpu.dma_semaphore, #tpu.memory_space<semaphore_mem>>)
    %dma_start3A_103 = arith.constant 6 : i32
    %dma_start3A_104 = arith.constant 6 : i32
    %dma_start3A_105 = arith.constant 6 : i32
    %dma_start3A_106 = arith.constant 0 : i32
    %dma_start3A_107 = arith.constant 0 : i32
    %dma_start3A_108 = tpu.memref_slice %arg14[%dma_start3A_104, %dma_start3A_106, %dma_start3A_107] : memref<12x128x16xf32, #tpu.memory_space<vmem>> -> memref<1x128x16xf32, #tpu.memory_space<vmem>>
    %dma_start3A_109 = tpu.memref_squeeze %dma_start3A_108 : memref<1x128x16xf32, #tpu.memory_space<vmem>> -> memref<128x16xf32, #tpu.memory_space<vmem>>
    %dma_start3A_110 = arith.constant 0 : i32
    %dma_start3A_111 = tpu.memref_slice %arg12[%dma_start3A_103, %dma_start3A_110] : memref<79x128xi32, #tpu.memory_space<vmem>> -> memref<1x128xi32, #tpu.memory_space<vmem>>
    %dma_start3A_112 = tpu.memref_squeeze %dma_start3A_111 : memref<1x128xi32, #tpu.memory_space<vmem>> -> memref<128xi32, #tpu.memory_space<vmem>>
    %dma_start3A_113 = arith.constant 0 : i32
    %dma_start3A_114 = arith.constant 0 : i32
    %dma_start3A_115 = tpu.memref_slice %arg2[%dma_start3A_113, %dma_start3A_114] : memref<10000x16xf32, #tpu.memory_space<hbm>> -> memref<10000x16xf32, #tpu.memory_space<hbm>>
    %dma_start3A_116 = tpu.memref_slice %arg18[%dma_start3A_105] : memref<12x!tpu.dma_semaphore, #tpu.memory_space<semaphore_mem>> -> memref<1x!tpu.dma_semaphore, #tpu.memory_space<semaphore_mem>>
    %dma_start3A_117 = tpu.memref_squeeze %dma_start3A_116 : memref<1x!tpu.dma_semaphore, #tpu.memory_space<semaphore_mem>> -> memref<!tpu.dma_semaphore, #tpu.memory_space<semaphore_mem>>
    tpu.enqueue_indirect_dma source(%dma_start3A_115 : memref<10000x16xf32, #tpu.memory_space<hbm>>) target(%dma_start3A_109 : memref<128x16xf32, #tpu.memory_space<vmem>>) offsets(%dma_start3A_112 : memref<128xi32, #tpu.memory_space<vmem>>) semaphore(%dma_start3A_117 : memref<!tpu.dma_semaphore, #tpu.memory_space<semaphore_mem>>)
    %dma_start3A_118 = arith.constant 7 : i32
    %dma_start3A_119 = arith.constant 7 : i32
    %dma_start3A_120 = arith.constant 7 : i32
    %dma_start3A_121 = arith.constant 0 : i32
    %dma_start3A_122 = arith.constant 0 : i32
    %dma_start3A_123 = tpu.memref_slice %arg14[%dma_start3A_119, %dma_start3A_121, %dma_start3A_122] : memref<12x128x16xf32, #tpu.memory_space<vmem>> -> memref<1x128x16xf32, #tpu.memory_space<vmem>>
    %dma_start3A_124 = tpu.memref_squeeze %dma_start3A_123 : memref<1x128x16xf32, #tpu.memory_space<vmem>> -> memref<128x16xf32, #tpu.memory_space<vmem>>
    %dma_start3A_125 = arith.constant 0 : i32
    %dma_start3A_126 = tpu.memref_slice %arg12[%dma_start3A_118, %dma_start3A_125] : memref<79x128xi32, #tpu.memory_space<vmem>> -> memref<1x128xi32, #tpu.memory_space<vmem>>
    %dma_start3A_127 = tpu.memref_squeeze %dma_start3A_126 : memref<1x128xi32, #tpu.memory_space<vmem>> -> memref<128xi32, #tpu.memory_space<vmem>>
    %dma_start3A_128 = arith.constant 0 : i32
    %dma_start3A_129 = arith.constant 0 : i32
    %dma_start3A_130 = tpu.memref_slice %arg2[%dma_start3A_128, %dma_start3A_129] : memref<10000x16xf32, #tpu.memory_space<hbm>> -> memref<10000x16xf32, #tpu.memory_space<hbm>>
    %dma_start3A_131 = tpu.memref_slice %arg18[%dma_start3A_120] : memref<12x!tpu.dma_semaphore, #tpu.memory_space<semaphore_mem>> -> memref<1x!tpu.dma_semaphore, #tpu.memory_space<semaphore_mem>>
    %dma_start3A_132 = tpu.memref_squeeze %dma_start3A_131 : memref<1x!tpu.dma_semaphore, #tpu.memory_space<semaphore_mem>> -> memref<!tpu.dma_semaphore, #tpu.memory_space<semaphore_mem>>
    tpu.enqueue_indirect_dma source(%dma_start3A_130 : memref<10000x16xf32, #tpu.memory_space<hbm>>) target(%dma_start3A_124 : memref<128x16xf32, #tpu.memory_space<vmem>>) offsets(%dma_start3A_127 : memref<128xi32, #tpu.memory_space<vmem>>) semaphore(%dma_start3A_132 : memref<!tpu.dma_semaphore, #tpu.memory_space<semaphore_mem>>)
    %dma_start3A_133 = arith.constant 8 : i32
    %dma_start3A_134 = arith.constant 8 : i32
    %dma_start3A_135 = arith.constant 8 : i32
    %dma_start3A_136 = arith.constant 0 : i32
    %dma_start3A_137 = arith.constant 0 : i32
    %dma_start3A_138 = tpu.memref_slice %arg14[%dma_start3A_134, %dma_start3A_136, %dma_start3A_137] : memref<12x128x16xf32, #tpu.memory_space<vmem>> -> memref<1x128x16xf32, #tpu.memory_space<vmem>>
    %dma_start3A_139 = tpu.memref_squeeze %dma_start3A_138 : memref<1x128x16xf32, #tpu.memory_space<vmem>> -> memref<128x16xf32, #tpu.memory_space<vmem>>
    %dma_start3A_140 = arith.constant 0 : i32
    %dma_start3A_141 = tpu.memref_slice %arg12[%dma_start3A_133, %dma_start3A_140] : memref<79x128xi32, #tpu.memory_space<vmem>> -> memref<1x128xi32, #tpu.memory_space<vmem>>
    %dma_start3A_142 = tpu.memref_squeeze %dma_start3A_141 : memref<1x128xi32, #tpu.memory_space<vmem>> -> memref<128xi32, #tpu.memory_space<vmem>>
    %dma_start3A_143 = arith.constant 0 : i32
    %dma_start3A_144 = arith.constant 0 : i32
    %dma_start3A_145 = tpu.memref_slice %arg2[%dma_start3A_143, %dma_start3A_144] : memref<10000x16xf32, #tpu.memory_space<hbm>> -> memref<10000x16xf32, #tpu.memory_space<hbm>>
    %dma_start3A_146 = tpu.memref_slice %arg18[%dma_start3A_135] : memref<12x!tpu.dma_semaphore, #tpu.memory_space<semaphore_mem>> -> memref<1x!tpu.dma_semaphore, #tpu.memory_space<semaphore_mem>>
    %dma_start3A_147 = tpu.memref_squeeze %dma_start3A_146 : memref<1x!tpu.dma_semaphore, #tpu.memory_space<semaphore_mem>> -> memref<!tpu.dma_semaphore, #tpu.memory_space<semaphore_mem>>
    tpu.enqueue_indirect_dma source(%dma_start3A_145 : memref<10000x16xf32, #tpu.memory_space<hbm>>) target(%dma_start3A_139 : memref<128x16xf32, #tpu.memory_space<vmem>>) offsets(%dma_start3A_142 : memref<128xi32, #tpu.memory_space<vmem>>) semaphore(%dma_start3A_147 : memref<!tpu.dma_semaphore, #tpu.memory_space<semaphore_mem>>)
    %dma_start3A_148 = arith.constant 9 : i32
    %dma_start3A_149 = arith.constant 9 : i32
    %dma_start3A_150 = arith.constant 9 : i32
    %dma_start3A_151 = arith.constant 0 : i32
    %dma_start3A_152 = arith.constant 0 : i32
    %dma_start3A_153 = tpu.memref_slice %arg14[%dma_start3A_149, %dma_start3A_151, %dma_start3A_152] : memref<12x128x16xf32, #tpu.memory_space<vmem>> -> memref<1x128x16xf32, #tpu.memory_space<vmem>>
    %dma_start3A_154 = tpu.memref_squeeze %dma_start3A_153 : memref<1x128x16xf32, #tpu.memory_space<vmem>> -> memref<128x16xf32, #tpu.memory_space<vmem>>
    %dma_start3A_155 = arith.constant 0 : i32
    %dma_start3A_156 = tpu.memref_slice %arg12[%dma_start3A_148, %dma_start3A_155] : memref<79x128xi32, #tpu.memory_space<vmem>> -> memref<1x128xi32, #tpu.memory_space<vmem>>
    %dma_start3A_157 = tpu.memref_squeeze %dma_start3A_156 : memref<1x128xi32, #tpu.memory_space<vmem>> -> memref<128xi32, #tpu.memory_space<vmem>>
    %dma_start3A_158 = arith.constant 0 : i32
    %dma_start3A_159 = arith.constant 0 : i32
    %dma_start3A_160 = tpu.memref_slice %arg2[%dma_start3A_158, %dma_start3A_159] : memref<10000x16xf32, #tpu.memory_space<hbm>> -> memref<10000x16xf32, #tpu.memory_space<hbm>>
    %dma_start3A_161 = tpu.memref_slice %arg18[%dma_start3A_150] : memref<12x!tpu.dma_semaphore, #tpu.memory_space<semaphore_mem>> -> memref<1x!tpu.dma_semaphore, #tpu.memory_space<semaphore_mem>>
    %dma_start3A_162 = tpu.memref_squeeze %dma_start3A_161 : memref<1x!tpu.dma_semaphore, #tpu.memory_space<semaphore_mem>> -> memref<!tpu.dma_semaphore, #tpu.memory_space<semaphore_mem>>
    tpu.enqueue_indirect_dma source(%dma_start3A_160 : memref<10000x16xf32, #tpu.memory_space<hbm>>) target(%dma_start3A_154 : memref<128x16xf32, #tpu.memory_space<vmem>>) offsets(%dma_start3A_157 : memref<128xi32, #tpu.memory_space<vmem>>) semaphore(%dma_start3A_162 : memref<!tpu.dma_semaphore, #tpu.memory_space<semaphore_mem>>)
    %dma_start3A_163 = arith.constant 10 : i32
    %dma_start3A_164 = arith.constant 10 : i32
    %dma_start3A_165 = arith.constant 10 : i32
    %dma_start3A_166 = arith.constant 0 : i32
    %dma_start3A_167 = arith.constant 0 : i32
    %dma_start3A_168 = tpu.memref_slice %arg14[%dma_start3A_164, %dma_start3A_166, %dma_start3A_167] : memref<12x128x16xf32, #tpu.memory_space<vmem>> -> memref<1x128x16xf32, #tpu.memory_space<vmem>>
    %dma_start3A_169 = tpu.memref_squeeze %dma_start3A_168 : memref<1x128x16xf32, #tpu.memory_space<vmem>> -> memref<128x16xf32, #tpu.memory_space<vmem>>
    %dma_start3A_170 = arith.constant 0 : i32
    %dma_start3A_171 = tpu.memref_slice %arg12[%dma_start3A_163, %dma_start3A_170] : memref<79x128xi32, #tpu.memory_space<vmem>> -> memref<1x128xi32, #tpu.memory_space<vmem>>
    %dma_start3A_172 = tpu.memref_squeeze %dma_start3A_171 : memref<1x128xi32, #tpu.memory_space<vmem>> -> memref<128xi32, #tpu.memory_space<vmem>>
    %dma_start3A_173 = arith.constant 0 : i32
    %dma_start3A_174 = arith.constant 0 : i32
    %dma_start3A_175 = tpu.memref_slice %arg2[%dma_start3A_173, %dma_start3A_174] : memref<10000x16xf32, #tpu.memory_space<hbm>> -> memref<10000x16xf32, #tpu.memory_space<hbm>>
    %dma_start3A_176 = tpu.memref_slice %arg18[%dma_start3A_165] : memref<12x!tpu.dma_semaphore, #tpu.memory_space<semaphore_mem>> -> memref<1x!tpu.dma_semaphore, #tpu.memory_space<semaphore_mem>>
    %dma_start3A_177 = tpu.memref_squeeze %dma_start3A_176 : memref<1x!tpu.dma_semaphore, #tpu.memory_space<semaphore_mem>> -> memref<!tpu.dma_semaphore, #tpu.memory_space<semaphore_mem>>
    tpu.enqueue_indirect_dma source(%dma_start3A_175 : memref<10000x16xf32, #tpu.memory_space<hbm>>) target(%dma_start3A_169 : memref<128x16xf32, #tpu.memory_space<vmem>>) offsets(%dma_start3A_172 : memref<128xi32, #tpu.memory_space<vmem>>) semaphore(%dma_start3A_177 : memref<!tpu.dma_semaphore, #tpu.memory_space<semaphore_mem>>)
    %scan3A = arith.constant 0 : i32
    %scan3A_178 = arith.constant 0 : i32
    %scan3A_179 = arith.constant 79 : i32
    %scan3A_180 = arith.addi %scan3A_178, %scan3A_179 : i32
    %scan3A_181 = arith.constant 1 : i32
    scf.for %scan3A_395 = %scan3A_178 to %scan3A_180 step %scan3A_181  : i32 {
      %rem3A = arith.constant 12 : i32
      %rem3A_396 = arith.remsi %scan3A_395, %rem3A : i32
      %add3A_397 = arith.constant 11 : i32
      %add3A_398 = arith.addi %scan3A_395, %add3A_397 : i32
      %rem3A_399 = arith.constant 12 : i32
      %rem3A_400 = arith.remsi %add3A_398, %rem3A_399 : i32
      %lt3A_401 = arith.cmpi slt, %add3A_398, %select_n3A : i32
      %convert_element_type3A_402 = arith.extui %lt3A_401 : i1 to i32
      %cond3A_403 = arith.constant 0 : i32
      %cond3A_404 = arith.cmpi ne, %convert_element_type3A_402, %cond3A_403 : i32
      scf.if %cond3A_404 {
        %ge3A = arith.constant 1 : i32
        %ge3A_409 = arith.cmpi sge, %scan3A_395, %ge3A : i32
        %convert_element_type3A_410 = arith.extui %ge3A_409 : i1 to i32
        %cond3A_411 = arith.constant 0 : i32
        %cond3A_412 = arith.cmpi ne, %convert_element_type3A_410, %cond3A_411 : i32
        scf.if %cond3A_412 {
          %dma_wait3A_425 = arith.constant 0 : i32
          %dma_wait3A_426 = arith.constant 0 : i32
          %dma_wait3A_427 = tpu.memref_slice %arg14[%rem3A_400, %dma_wait3A_425, %dma_wait3A_426] : memref<12x128x16xf32, #tpu.memory_space<vmem>> -> memref<1x128x16xf32, #tpu.memory_space<vmem>>
          %dma_wait3A_428 = tpu.memref_squeeze %dma_wait3A_427 : memref<1x128x16xf32, #tpu.memory_space<vmem>> -> memref<128x16xf32, #tpu.memory_space<vmem>>
          %dma_wait3A_429 = arith.constant 0 : i32
          %dma_wait3A_430 = tpu.memref_slice %arg13[%scan3A_395, %dma_wait3A_429] : memref<79x128xi32, #tpu.memory_space<vmem>> -> memref<1x128xi32, #tpu.memory_space<vmem>>
          %dma_wait3A_431 = tpu.memref_squeeze %dma_wait3A_430 : memref<1x128xi32, #tpu.memory_space<vmem>> -> memref<128xi32, #tpu.memory_space<vmem>>
          %dma_wait3A_432 = arith.constant 0 : i32
          %dma_wait3A_433 = arith.constant 0 : i32
          %dma_wait3A_434 = tpu.memref_slice %arg10[%dma_wait3A_432, %dma_wait3A_433] : memref<10240x16xf32, #tpu.memory_space<vmem_shared>> -> memref<10240x16xf32, #tpu.memory_space<vmem_shared>>
          %dma_wait3A_435 = tpu.memref_slice %arg19[%rem3A_400] : memref<12x!tpu.dma_semaphore, #tpu.memory_space<semaphore_mem>> -> memref<1x!tpu.dma_semaphore, #tpu.memory_space<semaphore_mem>>
          %dma_wait3A_436 = tpu.memref_squeeze %dma_wait3A_435 : memref<1x!tpu.dma_semaphore, #tpu.memory_space<semaphore_mem>> -> memref<!tpu.dma_semaphore, #tpu.memory_space<semaphore_mem>>
          tpu.wait_indirect_dma semaphore(%dma_wait3A_436 : memref<!tpu.dma_semaphore, #tpu.memory_space<semaphore_mem>>) src(%dma_wait3A_428 : memref<128x16xf32, #tpu.memory_space<vmem>>) dst(%dma_wait3A_434 : memref<10240x16xf32, #tpu.memory_space<vmem_shared>>)
        } else {
        }
        %dma_start3A_413 = arith.constant 0 : i32
        %dma_start3A_414 = arith.constant 0 : i32
        %dma_start3A_415 = tpu.memref_slice %arg14[%rem3A_400, %dma_start3A_413, %dma_start3A_414] : memref<12x128x16xf32, #tpu.memory_space<vmem>> -> memref<1x128x16xf32, #tpu.memory_space<vmem>>
        %dma_start3A_416 = tpu.memref_squeeze %dma_start3A_415 : memref<1x128x16xf32, #tpu.memory_space<vmem>> -> memref<128x16xf32, #tpu.memory_space<vmem>>
        %dma_start3A_417 = arith.constant 0 : i32
        %dma_start3A_418 = tpu.memref_slice %arg12[%add3A_398, %dma_start3A_417] : memref<79x128xi32, #tpu.memory_space<vmem>> -> memref<1x128xi32, #tpu.memory_space<vmem>>
        %dma_start3A_419 = tpu.memref_squeeze %dma_start3A_418 : memref<1x128xi32, #tpu.memory_space<vmem>> -> memref<128xi32, #tpu.memory_space<vmem>>
        %dma_start3A_420 = arith.constant 0 : i32
        %dma_start3A_421 = arith.constant 0 : i32
        %dma_start3A_422 = tpu.memref_slice %arg2[%dma_start3A_420, %dma_start3A_421] : memref<10000x16xf32, #tpu.memory_space<hbm>> -> memref<10000x16xf32, #tpu.memory_space<hbm>>
        %dma_start3A_423 = tpu.memref_slice %arg18[%rem3A_400] : memref<12x!tpu.dma_semaphore, #tpu.memory_space<semaphore_mem>> -> memref<1x!tpu.dma_semaphore, #tpu.memory_space<semaphore_mem>>
        %dma_start3A_424 = tpu.memref_squeeze %dma_start3A_423 : memref<1x!tpu.dma_semaphore, #tpu.memory_space<semaphore_mem>> -> memref<!tpu.dma_semaphore, #tpu.memory_space<semaphore_mem>>
        tpu.enqueue_indirect_dma source(%dma_start3A_422 : memref<10000x16xf32, #tpu.memory_space<hbm>>) target(%dma_start3A_416 : memref<128x16xf32, #tpu.memory_space<vmem>>) offsets(%dma_start3A_419 : memref<128xi32, #tpu.memory_space<vmem>>) semaphore(%dma_start3A_424 : memref<!tpu.dma_semaphore, #tpu.memory_space<semaphore_mem>>)
      } else {
      }
      %lt3A_405 = arith.cmpi slt, %scan3A_395, %select_n3A : i32
      %convert_element_type3A_406 = arith.extui %lt3A_405 : i1 to i32
      %cond3A_407 = arith.constant 0 : i32
      %cond3A_408 = arith.cmpi ne, %convert_element_type3A_406, %cond3A_407 : i32
      scf.if %cond3A_408 {
        %dma_wait3A_409 = arith.constant 0 : i32
        %dma_wait3A_410 = arith.constant 0 : i32
        %dma_wait3A_411 = tpu.memref_slice %arg14[%rem3A_396, %dma_wait3A_409, %dma_wait3A_410] : memref<12x128x16xf32, #tpu.memory_space<vmem>> -> memref<1x128x16xf32, #tpu.memory_space<vmem>>
        %dma_wait3A_412 = tpu.memref_squeeze %dma_wait3A_411 : memref<1x128x16xf32, #tpu.memory_space<vmem>> -> memref<128x16xf32, #tpu.memory_space<vmem>>
        %dma_wait3A_413 = arith.constant 0 : i32
        %dma_wait3A_414 = tpu.memref_slice %arg12[%scan3A_395, %dma_wait3A_413] : memref<79x128xi32, #tpu.memory_space<vmem>> -> memref<1x128xi32, #tpu.memory_space<vmem>>
        %dma_wait3A_415 = tpu.memref_squeeze %dma_wait3A_414 : memref<1x128xi32, #tpu.memory_space<vmem>> -> memref<128xi32, #tpu.memory_space<vmem>>
        %dma_wait3A_416 = arith.constant 0 : i32
        %dma_wait3A_417 = arith.constant 0 : i32
        %dma_wait3A_418 = tpu.memref_slice %arg2[%dma_wait3A_416, %dma_wait3A_417] : memref<10000x16xf32, #tpu.memory_space<hbm>> -> memref<10000x16xf32, #tpu.memory_space<hbm>>
        %dma_wait3A_419 = tpu.memref_slice %arg18[%rem3A_396] : memref<12x!tpu.dma_semaphore, #tpu.memory_space<semaphore_mem>> -> memref<1x!tpu.dma_semaphore, #tpu.memory_space<semaphore_mem>>
        %dma_wait3A_420 = tpu.memref_squeeze %dma_wait3A_419 : memref<1x!tpu.dma_semaphore, #tpu.memory_space<semaphore_mem>> -> memref<!tpu.dma_semaphore, #tpu.memory_space<semaphore_mem>>
        tpu.wait_indirect_dma semaphore(%dma_wait3A_420 : memref<!tpu.dma_semaphore, #tpu.memory_space<semaphore_mem>>) src(%dma_wait3A_418 : memref<10000x16xf32, #tpu.memory_space<hbm>>) dst(%dma_wait3A_412 : memref<128x16xf32, #tpu.memory_space<vmem>>)
        %dma_start3A_421 = arith.constant 0 : i32
        %dma_start3A_422 = arith.constant 0 : i32
        %dma_start3A_423 = tpu.memref_slice %arg14[%rem3A_396, %dma_start3A_421, %dma_start3A_422] : memref<12x128x16xf32, #tpu.memory_space<vmem>> -> memref<1x128x16xf32, #tpu.memory_space<vmem>>
        %dma_start3A_424 = tpu.memref_squeeze %dma_start3A_423 : memref<1x128x16xf32, #tpu.memory_space<vmem>> -> memref<128x16xf32, #tpu.memory_space<vmem>>
        %dma_start3A_425 = arith.constant 0 : i32
        %dma_start3A_426 = tpu.memref_slice %arg13[%scan3A_395, %dma_start3A_425] : memref<79x128xi32, #tpu.memory_space<vmem>> -> memref<1x128xi32, #tpu.memory_space<vmem>>
        %dma_start3A_427 = tpu.memref_squeeze %dma_start3A_426 : memref<1x128xi32, #tpu.memory_space<vmem>> -> memref<128xi32, #tpu.memory_space<vmem>>
        %dma_start3A_428 = arith.constant 0 : i32
        %dma_start3A_429 = arith.constant 0 : i32
        %dma_start3A_430 = tpu.memref_slice %arg10[%dma_start3A_428, %dma_start3A_429] : memref<10240x16xf32, #tpu.memory_space<vmem_shared>> -> memref<10240x16xf32, #tpu.memory_space<vmem_shared>>
        %dma_start3A_431 = tpu.memref_slice %arg19[%rem3A_396] : memref<12x!tpu.dma_semaphore, #tpu.memory_space<semaphore_mem>> -> memref<1x!tpu.dma_semaphore, #tpu.memory_space<semaphore_mem>>
        %dma_start3A_432 = tpu.memref_squeeze %dma_start3A_431 : memref<1x!tpu.dma_semaphore, #tpu.memory_space<semaphore_mem>> -> memref<!tpu.dma_semaphore, #tpu.memory_space<semaphore_mem>>
        tpu.enqueue_indirect_dma source(%dma_start3A_424 : memref<128x16xf32, #tpu.memory_space<vmem>>) target(%dma_start3A_430 : memref<10240x16xf32, #tpu.memory_space<vmem_shared>>) offsets(%dma_start3A_427 : memref<128xi32, #tpu.memory_space<vmem>>) semaphore(%dma_start3A_432 : memref<!tpu.dma_semaphore, #tpu.memory_space<semaphore_mem>>) {add = true}
        %ge3A = arith.constant 4 : i32
        %ge3A_433 = arith.cmpi sge, %scan3A_395, %ge3A : i32
        %convert_element_type3A_434 = arith.extui %ge3A_433 : i1 to i32
        %cond3A_435 = arith.constant 0 : i32
        %cond3A_436 = arith.cmpi ne, %convert_element_type3A_434, %cond3A_435 : i32
        scf.if %cond3A_436 {
          %dma_wait3A_442 = arith.constant 0 : i32
          %dma_wait3A_443 = tpu.memref_slice %arg13[%scan3A_395, %dma_wait3A_442] : memref<79x128xi32, #tpu.memory_space<vmem>> -> memref<1x128xi32, #tpu.memory_space<vmem>>
          %dma_wait3A_444 = tpu.memref_squeeze %dma_wait3A_443 : memref<1x128xi32, #tpu.memory_space<vmem>> -> memref<128xi32, #tpu.memory_space<vmem>>
          %dma_wait3A_445 = arith.constant 0 : i32
          %dma_wait3A_446 = tpu.memref_slice %arg11[%dma_wait3A_445] : memref<10240xf32, #tpu.memory_space<vmem_shared>> -> memref<10240xf32, #tpu.memory_space<vmem_shared>>
          tpu.wait_indirect_dma semaphore(%arg20 : memref<!tpu.dma_semaphore, #tpu.memory_space<semaphore_mem>>) src(%arg15 : memref<128xf32, #tpu.memory_space<vmem>>) dst(%dma_wait3A_446 : memref<10240xf32, #tpu.memory_space<vmem_shared>>)
        } else {
        }
        %dma_start3A_437 = arith.constant 0 : i32
        %dma_start3A_438 = tpu.memref_slice %arg13[%scan3A_395, %dma_start3A_437] : memref<79x128xi32, #tpu.memory_space<vmem>> -> memref<1x128xi32, #tpu.memory_space<vmem>>
        %dma_start3A_439 = tpu.memref_squeeze %dma_start3A_438 : memref<1x128xi32, #tpu.memory_space<vmem>> -> memref<128xi32, #tpu.memory_space<vmem>>
        %dma_start3A_440 = arith.constant 0 : i32
        %dma_start3A_441 = tpu.memref_slice %arg11[%dma_start3A_440] : memref<10240xf32, #tpu.memory_space<vmem_shared>> -> memref<10240xf32, #tpu.memory_space<vmem_shared>>
        tpu.enqueue_indirect_dma source(%arg15 : memref<128xf32, #tpu.memory_space<vmem>>) target(%dma_start3A_441 : memref<10240xf32, #tpu.memory_space<vmem_shared>>) offsets(%dma_start3A_439 : memref<128xi32, #tpu.memory_space<vmem>>) semaphore(%arg20 : memref<!tpu.dma_semaphore, #tpu.memory_space<semaphore_mem>>) {add = true}
      } else {
      }
    }
    %scan3A_182 = arith.constant 79 : i32
    %dma_wait3A = arith.constant 0 : i32
    %dma_wait3A_183 = arith.constant 0 : i32
    %dma_wait3A_184 = arith.constant 0 : i32
    %dma_wait3A_185 = arith.constant 0 : i32
    %dma_wait3A_186 = arith.constant 0 : i32
    %dma_wait3A_187 = tpu.memref_slice %arg14[%dma_wait3A, %dma_wait3A_185, %dma_wait3A_186] : memref<12x128x16xf32, #tpu.memory_space<vmem>> -> memref<1x128x16xf32, #tpu.memory_space<vmem>>
    %dma_wait3A_188 = tpu.memref_squeeze %dma_wait3A_187 : memref<1x128x16xf32, #tpu.memory_space<vmem>> -> memref<128x16xf32, #tpu.memory_space<vmem>>
    %dma_wait3A_189 = arith.constant 0 : i32
    %dma_wait3A_190 = tpu.memref_slice %arg13[%dma_wait3A_183, %dma_wait3A_189] : memref<79x128xi32, #tpu.memory_space<vmem>> -> memref<1x128xi32, #tpu.memory_space<vmem>>
    %dma_wait3A_191 = tpu.memref_squeeze %dma_wait3A_190 : memref<1x128xi32, #tpu.memory_space<vmem>> -> memref<128xi32, #tpu.memory_space<vmem>>
    %dma_wait3A_192 = arith.constant 0 : i32
    %dma_wait3A_193 = arith.constant 0 : i32
    %dma_wait3A_194 = tpu.memref_slice %arg10[%dma_wait3A_192, %dma_wait3A_193] : memref<10240x16xf32, #tpu.memory_space<vmem_shared>> -> memref<10240x16xf32, #tpu.memory_space<vmem_shared>>
    %dma_wait3A_195 = tpu.memref_slice %arg19[%dma_wait3A_184] : memref<12x!tpu.dma_semaphore, #tpu.memory_space<semaphore_mem>> -> memref<1x!tpu.dma_semaphore, #tpu.memory_space<semaphore_mem>>
    %dma_wait3A_196 = tpu.memref_squeeze %dma_wait3A_195 : memref<1x!tpu.dma_semaphore, #tpu.memory_space<semaphore_mem>> -> memref<!tpu.dma_semaphore, #tpu.memory_space<semaphore_mem>>
    tpu.wait_indirect_dma semaphore(%dma_wait3A_196 : memref<!tpu.dma_semaphore, #tpu.memory_space<semaphore_mem>>) src(%dma_wait3A_188 : memref<128x16xf32, #tpu.memory_space<vmem>>) dst(%dma_wait3A_194 : memref<10240x16xf32, #tpu.memory_space<vmem_shared>>)
    %dma_wait3A_197 = arith.constant 1 : i32
    %dma_wait3A_198 = arith.constant 0 : i32
    %dma_wait3A_199 = arith.constant 1 : i32
    %dma_wait3A_200 = arith.constant 0 : i32
    %dma_wait3A_201 = arith.constant 0 : i32
    %dma_wait3A_202 = tpu.memref_slice %arg14[%dma_wait3A_197, %dma_wait3A_200, %dma_wait3A_201] : memref<12x128x16xf32, #tpu.memory_space<vmem>> -> memref<1x128x16xf32, #tpu.memory_space<vmem>>
    %dma_wait3A_203 = tpu.memref_squeeze %dma_wait3A_202 : memref<1x128x16xf32, #tpu.memory_space<vmem>> -> memref<128x16xf32, #tpu.memory_space<vmem>>
    %dma_wait3A_204 = arith.constant 0 : i32
    %dma_wait3A_205 = tpu.memref_slice %arg13[%dma_wait3A_198, %dma_wait3A_204] : memref<79x128xi32, #tpu.memory_space<vmem>> -> memref<1x128xi32, #tpu.memory_space<vmem>>
    %dma_wait3A_206 = tpu.memref_squeeze %dma_wait3A_205 : memref<1x128xi32, #tpu.memory_space<vmem>> -> memref<128xi32, #tpu.memory_space<vmem>>
    %dma_wait3A_207 = arith.constant 0 : i32
    %dma_wait3A_208 = arith.constant 0 : i32
    %dma_wait3A_209 = tpu.memref_slice %arg10[%dma_wait3A_207, %dma_wait3A_208] : memref<10240x16xf32, #tpu.memory_space<vmem_shared>> -> memref<10240x16xf32, #tpu.memory_space<vmem_shared>>
    %dma_wait3A_210 = tpu.memref_slice %arg19[%dma_wait3A_199] : memref<12x!tpu.dma_semaphore, #tpu.memory_space<semaphore_mem>> -> memref<1x!tpu.dma_semaphore, #tpu.memory_space<semaphore_mem>>
    %dma_wait3A_211 = tpu.memref_squeeze %dma_wait3A_210 : memref<1x!tpu.dma_semaphore, #tpu.memory_space<semaphore_mem>> -> memref<!tpu.dma_semaphore, #tpu.memory_space<semaphore_mem>>
    tpu.wait_indirect_dma semaphore(%dma_wait3A_211 : memref<!tpu.dma_semaphore, #tpu.memory_space<semaphore_mem>>) src(%dma_wait3A_203 : memref<128x16xf32, #tpu.memory_space<vmem>>) dst(%dma_wait3A_209 : memref<10240x16xf32, #tpu.memory_space<vmem_shared>>)
    %dma_wait3A_212 = arith.constant 2 : i32
    %dma_wait3A_213 = arith.constant 0 : i32
    %dma_wait3A_214 = arith.constant 2 : i32
    %dma_wait3A_215 = arith.constant 0 : i32
    %dma_wait3A_216 = arith.constant 0 : i32
    %dma_wait3A_217 = tpu.memref_slice %arg14[%dma_wait3A_212, %dma_wait3A_215, %dma_wait3A_216] : memref<12x128x16xf32, #tpu.memory_space<vmem>> -> memref<1x128x16xf32, #tpu.memory_space<vmem>>
    %dma_wait3A_218 = tpu.memref_squeeze %dma_wait3A_217 : memref<1x128x16xf32, #tpu.memory_space<vmem>> -> memref<128x16xf32, #tpu.memory_space<vmem>>
    %dma_wait3A_219 = arith.constant 0 : i32
    %dma_wait3A_220 = tpu.memref_slice %arg13[%dma_wait3A_213, %dma_wait3A_219] : memref<79x128xi32, #tpu.memory_space<vmem>> -> memref<1x128xi32, #tpu.memory_space<vmem>>
    %dma_wait3A_221 = tpu.memref_squeeze %dma_wait3A_220 : memref<1x128xi32, #tpu.memory_space<vmem>> -> memref<128xi32, #tpu.memory_space<vmem>>
    %dma_wait3A_222 = arith.constant 0 : i32
    %dma_wait3A_223 = arith.constant 0 : i32
    %dma_wait3A_224 = tpu.memref_slice %arg10[%dma_wait3A_222, %dma_wait3A_223] : memref<10240x16xf32, #tpu.memory_space<vmem_shared>> -> memref<10240x16xf32, #tpu.memory_space<vmem_shared>>
    %dma_wait3A_225 = tpu.memref_slice %arg19[%dma_wait3A_214] : memref<12x!tpu.dma_semaphore, #tpu.memory_space<semaphore_mem>> -> memref<1x!tpu.dma_semaphore, #tpu.memory_space<semaphore_mem>>
    %dma_wait3A_226 = tpu.memref_squeeze %dma_wait3A_225 : memref<1x!tpu.dma_semaphore, #tpu.memory_space<semaphore_mem>> -> memref<!tpu.dma_semaphore, #tpu.memory_space<semaphore_mem>>
    tpu.wait_indirect_dma semaphore(%dma_wait3A_226 : memref<!tpu.dma_semaphore, #tpu.memory_space<semaphore_mem>>) src(%dma_wait3A_218 : memref<128x16xf32, #tpu.memory_space<vmem>>) dst(%dma_wait3A_224 : memref<10240x16xf32, #tpu.memory_space<vmem_shared>>)
    %dma_wait3A_227 = arith.constant 3 : i32
    %dma_wait3A_228 = arith.constant 0 : i32
    %dma_wait3A_229 = arith.constant 3 : i32
    %dma_wait3A_230 = arith.constant 0 : i32
    %dma_wait3A_231 = arith.constant 0 : i32
    %dma_wait3A_232 = tpu.memref_slice %arg14[%dma_wait3A_227, %dma_wait3A_230, %dma_wait3A_231] : memref<12x128x16xf32, #tpu.memory_space<vmem>> -> memref<1x128x16xf32, #tpu.memory_space<vmem>>
    %dma_wait3A_233 = tpu.memref_squeeze %dma_wait3A_232 : memref<1x128x16xf32, #tpu.memory_space<vmem>> -> memref<128x16xf32, #tpu.memory_space<vmem>>
    %dma_wait3A_234 = arith.constant 0 : i32
    %dma_wait3A_235 = tpu.memref_slice %arg13[%dma_wait3A_228, %dma_wait3A_234] : memref<79x128xi32, #tpu.memory_space<vmem>> -> memref<1x128xi32, #tpu.memory_space<vmem>>
    %dma_wait3A_236 = tpu.memref_squeeze %dma_wait3A_235 : memref<1x128xi32, #tpu.memory_space<vmem>> -> memref<128xi32, #tpu.memory_space<vmem>>
    %dma_wait3A_237 = arith.constant 0 : i32
    %dma_wait3A_238 = arith.constant 0 : i32
    %dma_wait3A_239 = tpu.memref_slice %arg10[%dma_wait3A_237, %dma_wait3A_238] : memref<10240x16xf32, #tpu.memory_space<vmem_shared>> -> memref<10240x16xf32, #tpu.memory_space<vmem_shared>>
    %dma_wait3A_240 = tpu.memref_slice %arg19[%dma_wait3A_229] : memref<12x!tpu.dma_semaphore, #tpu.memory_space<semaphore_mem>> -> memref<1x!tpu.dma_semaphore, #tpu.memory_space<semaphore_mem>>
    %dma_wait3A_241 = tpu.memref_squeeze %dma_wait3A_240 : memref<1x!tpu.dma_semaphore, #tpu.memory_space<semaphore_mem>> -> memref<!tpu.dma_semaphore, #tpu.memory_space<semaphore_mem>>
    tpu.wait_indirect_dma semaphore(%dma_wait3A_241 : memref<!tpu.dma_semaphore, #tpu.memory_space<semaphore_mem>>) src(%dma_wait3A_233 : memref<128x16xf32, #tpu.memory_space<vmem>>) dst(%dma_wait3A_239 : memref<10240x16xf32, #tpu.memory_space<vmem_shared>>)
    %dma_wait3A_242 = arith.constant 4 : i32
    %dma_wait3A_243 = arith.constant 0 : i32
    %dma_wait3A_244 = arith.constant 4 : i32
    %dma_wait3A_245 = arith.constant 0 : i32
    %dma_wait3A_246 = arith.constant 0 : i32
    %dma_wait3A_247 = tpu.memref_slice %arg14[%dma_wait3A_242, %dma_wait3A_245, %dma_wait3A_246] : memref<12x128x16xf32, #tpu.memory_space<vmem>> -> memref<1x128x16xf32, #tpu.memory_space<vmem>>
    %dma_wait3A_248 = tpu.memref_squeeze %dma_wait3A_247 : memref<1x128x16xf32, #tpu.memory_space<vmem>> -> memref<128x16xf32, #tpu.memory_space<vmem>>
    %dma_wait3A_249 = arith.constant 0 : i32
    %dma_wait3A_250 = tpu.memref_slice %arg13[%dma_wait3A_243, %dma_wait3A_249] : memref<79x128xi32, #tpu.memory_space<vmem>> -> memref<1x128xi32, #tpu.memory_space<vmem>>
    %dma_wait3A_251 = tpu.memref_squeeze %dma_wait3A_250 : memref<1x128xi32, #tpu.memory_space<vmem>> -> memref<128xi32, #tpu.memory_space<vmem>>
    %dma_wait3A_252 = arith.constant 0 : i32
    %dma_wait3A_253 = arith.constant 0 : i32
    %dma_wait3A_254 = tpu.memref_slice %arg10[%dma_wait3A_252, %dma_wait3A_253] : memref<10240x16xf32, #tpu.memory_space<vmem_shared>> -> memref<10240x16xf32, #tpu.memory_space<vmem_shared>>
    %dma_wait3A_255 = tpu.memref_slice %arg19[%dma_wait3A_244] : memref<12x!tpu.dma_semaphore, #tpu.memory_space<semaphore_mem>> -> memref<1x!tpu.dma_semaphore, #tpu.memory_space<semaphore_mem>>
    %dma_wait3A_256 = tpu.memref_squeeze %dma_wait3A_255 : memref<1x!tpu.dma_semaphore, #tpu.memory_space<semaphore_mem>> -> memref<!tpu.dma_semaphore, #tpu.memory_space<semaphore_mem>>
    tpu.wait_indirect_dma semaphore(%dma_wait3A_256 : memref<!tpu.dma_semaphore, #tpu.memory_space<semaphore_mem>>) src(%dma_wait3A_248 : memref<128x16xf32, #tpu.memory_space<vmem>>) dst(%dma_wait3A_254 : memref<10240x16xf32, #tpu.memory_space<vmem_shared>>)
    %dma_wait3A_257 = arith.constant 5 : i32
    %dma_wait3A_258 = arith.constant 0 : i32
    %dma_wait3A_259 = arith.constant 5 : i32
    %dma_wait3A_260 = arith.constant 0 : i32
    %dma_wait3A_261 = arith.constant 0 : i32
    %dma_wait3A_262 = tpu.memref_slice %arg14[%dma_wait3A_257, %dma_wait3A_260, %dma_wait3A_261] : memref<12x128x16xf32, #tpu.memory_space<vmem>> -> memref<1x128x16xf32, #tpu.memory_space<vmem>>
    %dma_wait3A_263 = tpu.memref_squeeze %dma_wait3A_262 : memref<1x128x16xf32, #tpu.memory_space<vmem>> -> memref<128x16xf32, #tpu.memory_space<vmem>>
    %dma_wait3A_264 = arith.constant 0 : i32
    %dma_wait3A_265 = tpu.memref_slice %arg13[%dma_wait3A_258, %dma_wait3A_264] : memref<79x128xi32, #tpu.memory_space<vmem>> -> memref<1x128xi32, #tpu.memory_space<vmem>>
    %dma_wait3A_266 = tpu.memref_squeeze %dma_wait3A_265 : memref<1x128xi32, #tpu.memory_space<vmem>> -> memref<128xi32, #tpu.memory_space<vmem>>
    %dma_wait3A_267 = arith.constant 0 : i32
    %dma_wait3A_268 = arith.constant 0 : i32
    %dma_wait3A_269 = tpu.memref_slice %arg10[%dma_wait3A_267, %dma_wait3A_268] : memref<10240x16xf32, #tpu.memory_space<vmem_shared>> -> memref<10240x16xf32, #tpu.memory_space<vmem_shared>>
    %dma_wait3A_270 = tpu.memref_slice %arg19[%dma_wait3A_259] : memref<12x!tpu.dma_semaphore, #tpu.memory_space<semaphore_mem>> -> memref<1x!tpu.dma_semaphore, #tpu.memory_space<semaphore_mem>>
    %dma_wait3A_271 = tpu.memref_squeeze %dma_wait3A_270 : memref<1x!tpu.dma_semaphore, #tpu.memory_space<semaphore_mem>> -> memref<!tpu.dma_semaphore, #tpu.memory_space<semaphore_mem>>
    tpu.wait_indirect_dma semaphore(%dma_wait3A_271 : memref<!tpu.dma_semaphore, #tpu.memory_space<semaphore_mem>>) src(%dma_wait3A_263 : memref<128x16xf32, #tpu.memory_space<vmem>>) dst(%dma_wait3A_269 : memref<10240x16xf32, #tpu.memory_space<vmem_shared>>)
    %dma_wait3A_272 = arith.constant 6 : i32
    %dma_wait3A_273 = arith.constant 0 : i32
    %dma_wait3A_274 = arith.constant 6 : i32
    %dma_wait3A_275 = arith.constant 0 : i32
    %dma_wait3A_276 = arith.constant 0 : i32
    %dma_wait3A_277 = tpu.memref_slice %arg14[%dma_wait3A_272, %dma_wait3A_275, %dma_wait3A_276] : memref<12x128x16xf32, #tpu.memory_space<vmem>> -> memref<1x128x16xf32, #tpu.memory_space<vmem>>
    %dma_wait3A_278 = tpu.memref_squeeze %dma_wait3A_277 : memref<1x128x16xf32, #tpu.memory_space<vmem>> -> memref<128x16xf32, #tpu.memory_space<vmem>>
    %dma_wait3A_279 = arith.constant 0 : i32
    %dma_wait3A_280 = tpu.memref_slice %arg13[%dma_wait3A_273, %dma_wait3A_279] : memref<79x128xi32, #tpu.memory_space<vmem>> -> memref<1x128xi32, #tpu.memory_space<vmem>>
    %dma_wait3A_281 = tpu.memref_squeeze %dma_wait3A_280 : memref<1x128xi32, #tpu.memory_space<vmem>> -> memref<128xi32, #tpu.memory_space<vmem>>
    %dma_wait3A_282 = arith.constant 0 : i32
    %dma_wait3A_283 = arith.constant 0 : i32
    %dma_wait3A_284 = tpu.memref_slice %arg10[%dma_wait3A_282, %dma_wait3A_283] : memref<10240x16xf32, #tpu.memory_space<vmem_shared>> -> memref<10240x16xf32, #tpu.memory_space<vmem_shared>>
    %dma_wait3A_285 = tpu.memref_slice %arg19[%dma_wait3A_274] : memref<12x!tpu.dma_semaphore, #tpu.memory_space<semaphore_mem>> -> memref<1x!tpu.dma_semaphore, #tpu.memory_space<semaphore_mem>>
    %dma_wait3A_286 = tpu.memref_squeeze %dma_wait3A_285 : memref<1x!tpu.dma_semaphore, #tpu.memory_space<semaphore_mem>> -> memref<!tpu.dma_semaphore, #tpu.memory_space<semaphore_mem>>
    tpu.wait_indirect_dma semaphore(%dma_wait3A_286 : memref<!tpu.dma_semaphore, #tpu.memory_space<semaphore_mem>>) src(%dma_wait3A_278 : memref<128x16xf32, #tpu.memory_space<vmem>>) dst(%dma_wait3A_284 : memref<10240x16xf32, #tpu.memory_space<vmem_shared>>)
    %dma_wait3A_287 = arith.constant 7 : i32
    %dma_wait3A_288 = arith.constant 0 : i32
    %dma_wait3A_289 = arith.constant 7 : i32
    %dma_wait3A_290 = arith.constant 0 : i32
    %dma_wait3A_291 = arith.constant 0 : i32
    %dma_wait3A_292 = tpu.memref_slice %arg14[%dma_wait3A_287, %dma_wait3A_290, %dma_wait3A_291] : memref<12x128x16xf32, #tpu.memory_space<vmem>> -> memref<1x128x16xf32, #tpu.memory_space<vmem>>
    %dma_wait3A_293 = tpu.memref_squeeze %dma_wait3A_292 : memref<1x128x16xf32, #tpu.memory_space<vmem>> -> memref<128x16xf32, #tpu.memory_space<vmem>>
    %dma_wait3A_294 = arith.constant 0 : i32
    %dma_wait3A_295 = tpu.memref_slice %arg13[%dma_wait3A_288, %dma_wait3A_294] : memref<79x128xi32, #tpu.memory_space<vmem>> -> memref<1x128xi32, #tpu.memory_space<vmem>>
    %dma_wait3A_296 = tpu.memref_squeeze %dma_wait3A_295 : memref<1x128xi32, #tpu.memory_space<vmem>> -> memref<128xi32, #tpu.memory_space<vmem>>
    %dma_wait3A_297 = arith.constant 0 : i32
    %dma_wait3A_298 = arith.constant 0 : i32
    %dma_wait3A_299 = tpu.memref_slice %arg10[%dma_wait3A_297, %dma_wait3A_298] : memref<10240x16xf32, #tpu.memory_space<vmem_shared>> -> memref<10240x16xf32, #tpu.memory_space<vmem_shared>>
    %dma_wait3A_300 = tpu.memref_slice %arg19[%dma_wait3A_289] : memref<12x!tpu.dma_semaphore, #tpu.memory_space<semaphore_mem>> -> memref<1x!tpu.dma_semaphore, #tpu.memory_space<semaphore_mem>>
    %dma_wait3A_301 = tpu.memref_squeeze %dma_wait3A_300 : memref<1x!tpu.dma_semaphore, #tpu.memory_space<semaphore_mem>> -> memref<!tpu.dma_semaphore, #tpu.memory_space<semaphore_mem>>
    tpu.wait_indirect_dma semaphore(%dma_wait3A_301 : memref<!tpu.dma_semaphore, #tpu.memory_space<semaphore_mem>>) src(%dma_wait3A_293 : memref<128x16xf32, #tpu.memory_space<vmem>>) dst(%dma_wait3A_299 : memref<10240x16xf32, #tpu.memory_space<vmem_shared>>)
    %dma_wait3A_302 = arith.constant 8 : i32
    %dma_wait3A_303 = arith.constant 0 : i32
    %dma_wait3A_304 = arith.constant 8 : i32
    %dma_wait3A_305 = arith.constant 0 : i32
    %dma_wait3A_306 = arith.constant 0 : i32
    %dma_wait3A_307 = tpu.memref_slice %arg14[%dma_wait3A_302, %dma_wait3A_305, %dma_wait3A_306] : memref<12x128x16xf32, #tpu.memory_space<vmem>> -> memref<1x128x16xf32, #tpu.memory_space<vmem>>
    %dma_wait3A_308 = tpu.memref_squeeze %dma_wait3A_307 : memref<1x128x16xf32, #tpu.memory_space<vmem>> -> memref<128x16xf32, #tpu.memory_space<vmem>>
    %dma_wait3A_309 = arith.constant 0 : i32
    %dma_wait3A_310 = tpu.memref_slice %arg13[%dma_wait3A_303, %dma_wait3A_309] : memref<79x128xi32, #tpu.memory_space<vmem>> -> memref<1x128xi32, #tpu.memory_space<vmem>>
    %dma_wait3A_311 = tpu.memref_squeeze %dma_wait3A_310 : memref<1x128xi32, #tpu.memory_space<vmem>> -> memref<128xi32, #tpu.memory_space<vmem>>
    %dma_wait3A_312 = arith.constant 0 : i32
    %dma_wait3A_313 = arith.constant 0 : i32
    %dma_wait3A_314 = tpu.memref_slice %arg10[%dma_wait3A_312, %dma_wait3A_313] : memref<10240x16xf32, #tpu.memory_space<vmem_shared>> -> memref<10240x16xf32, #tpu.memory_space<vmem_shared>>
    %dma_wait3A_315 = tpu.memref_slice %arg19[%dma_wait3A_304] : memref<12x!tpu.dma_semaphore, #tpu.memory_space<semaphore_mem>> -> memref<1x!tpu.dma_semaphore, #tpu.memory_space<semaphore_mem>>
    %dma_wait3A_316 = tpu.memref_squeeze %dma_wait3A_315 : memref<1x!tpu.dma_semaphore, #tpu.memory_space<semaphore_mem>> -> memref<!tpu.dma_semaphore, #tpu.memory_space<semaphore_mem>>
    tpu.wait_indirect_dma semaphore(%dma_wait3A_316 : memref<!tpu.dma_semaphore, #tpu.memory_space<semaphore_mem>>) src(%dma_wait3A_308 : memref<128x16xf32, #tpu.memory_space<vmem>>) dst(%dma_wait3A_314 : memref<10240x16xf32, #tpu.memory_space<vmem_shared>>)
    %dma_wait3A_317 = arith.constant 9 : i32
    %dma_wait3A_318 = arith.constant 0 : i32
    %dma_wait3A_319 = arith.constant 9 : i32
    %dma_wait3A_320 = arith.constant 0 : i32
    %dma_wait3A_321 = arith.constant 0 : i32
    %dma_wait3A_322 = tpu.memref_slice %arg14[%dma_wait3A_317, %dma_wait3A_320, %dma_wait3A_321] : memref<12x128x16xf32, #tpu.memory_space<vmem>> -> memref<1x128x16xf32, #tpu.memory_space<vmem>>
    %dma_wait3A_323 = tpu.memref_squeeze %dma_wait3A_322 : memref<1x128x16xf32, #tpu.memory_space<vmem>> -> memref<128x16xf32, #tpu.memory_space<vmem>>
    %dma_wait3A_324 = arith.constant 0 : i32
    %dma_wait3A_325 = tpu.memref_slice %arg13[%dma_wait3A_318, %dma_wait3A_324] : memref<79x128xi32, #tpu.memory_space<vmem>> -> memref<1x128xi32, #tpu.memory_space<vmem>>
    %dma_wait3A_326 = tpu.memref_squeeze %dma_wait3A_325 : memref<1x128xi32, #tpu.memory_space<vmem>> -> memref<128xi32, #tpu.memory_space<vmem>>
    %dma_wait3A_327 = arith.constant 0 : i32
    %dma_wait3A_328 = arith.constant 0 : i32
    %dma_wait3A_329 = tpu.memref_slice %arg10[%dma_wait3A_327, %dma_wait3A_328] : memref<10240x16xf32, #tpu.memory_space<vmem_shared>> -> memref<10240x16xf32, #tpu.memory_space<vmem_shared>>
    %dma_wait3A_330 = tpu.memref_slice %arg19[%dma_wait3A_319] : memref<12x!tpu.dma_semaphore, #tpu.memory_space<semaphore_mem>> -> memref<1x!tpu.dma_semaphore, #tpu.memory_space<semaphore_mem>>
    %dma_wait3A_331 = tpu.memref_squeeze %dma_wait3A_330 : memref<1x!tpu.dma_semaphore, #tpu.memory_space<semaphore_mem>> -> memref<!tpu.dma_semaphore, #tpu.memory_space<semaphore_mem>>
    tpu.wait_indirect_dma semaphore(%dma_wait3A_331 : memref<!tpu.dma_semaphore, #tpu.memory_space<semaphore_mem>>) src(%dma_wait3A_323 : memref<128x16xf32, #tpu.memory_space<vmem>>) dst(%dma_wait3A_329 : memref<10240x16xf32, #tpu.memory_space<vmem_shared>>)
    %dma_wait3A_332 = arith.constant 10 : i32
    %dma_wait3A_333 = arith.constant 0 : i32
    %dma_wait3A_334 = arith.constant 10 : i32
    %dma_wait3A_335 = arith.constant 0 : i32
    %dma_wait3A_336 = arith.constant 0 : i32
    %dma_wait3A_337 = tpu.memref_slice %arg14[%dma_wait3A_332, %dma_wait3A_335, %dma_wait3A_336] : memref<12x128x16xf32, #tpu.memory_space<vmem>> -> memref<1x128x16xf32, #tpu.memory_space<vmem>>
    %dma_wait3A_338 = tpu.memref_squeeze %dma_wait3A_337 : memref<1x128x16xf32, #tpu.memory_space<vmem>> -> memref<128x16xf32, #tpu.memory_space<vmem>>
    %dma_wait3A_339 = arith.constant 0 : i32
    %dma_wait3A_340 = tpu.memref_slice %arg13[%dma_wait3A_333, %dma_wait3A_339] : memref<79x128xi32, #tpu.memory_space<vmem>> -> memref<1x128xi32, #tpu.memory_space<vmem>>
    %dma_wait3A_341 = tpu.memref_squeeze %dma_wait3A_340 : memref<1x128xi32, #tpu.memory_space<vmem>> -> memref<128xi32, #tpu.memory_space<vmem>>
    %dma_wait3A_342 = arith.constant 0 : i32
    %dma_wait3A_343 = arith.constant 0 : i32
    %dma_wait3A_344 = tpu.memref_slice %arg10[%dma_wait3A_342, %dma_wait3A_343] : memref<10240x16xf32, #tpu.memory_space<vmem_shared>> -> memref<10240x16xf32, #tpu.memory_space<vmem_shared>>
    %dma_wait3A_345 = tpu.memref_slice %arg19[%dma_wait3A_334] : memref<12x!tpu.dma_semaphore, #tpu.memory_space<semaphore_mem>> -> memref<1x!tpu.dma_semaphore, #tpu.memory_space<semaphore_mem>>
    %dma_wait3A_346 = tpu.memref_squeeze %dma_wait3A_345 : memref<1x!tpu.dma_semaphore, #tpu.memory_space<semaphore_mem>> -> memref<!tpu.dma_semaphore, #tpu.memory_space<semaphore_mem>>
    tpu.wait_indirect_dma semaphore(%dma_wait3A_346 : memref<!tpu.dma_semaphore, #tpu.memory_space<semaphore_mem>>) src(%dma_wait3A_338 : memref<128x16xf32, #tpu.memory_space<vmem>>) dst(%dma_wait3A_344 : memref<10240x16xf32, #tpu.memory_space<vmem_shared>>)
    %dma_wait3A_347 = arith.constant 11 : i32
    %dma_wait3A_348 = arith.constant 0 : i32
    %dma_wait3A_349 = arith.constant 11 : i32
    %dma_wait3A_350 = arith.constant 0 : i32
    %dma_wait3A_351 = arith.constant 0 : i32
    %dma_wait3A_352 = tpu.memref_slice %arg14[%dma_wait3A_347, %dma_wait3A_350, %dma_wait3A_351] : memref<12x128x16xf32, #tpu.memory_space<vmem>> -> memref<1x128x16xf32, #tpu.memory_space<vmem>>
    %dma_wait3A_353 = tpu.memref_squeeze %dma_wait3A_352 : memref<1x128x16xf32, #tpu.memory_space<vmem>> -> memref<128x16xf32, #tpu.memory_space<vmem>>
    %dma_wait3A_354 = arith.constant 0 : i32
    %dma_wait3A_355 = tpu.memref_slice %arg13[%dma_wait3A_348, %dma_wait3A_354] : memref<79x128xi32, #tpu.memory_space<vmem>> -> memref<1x128xi32, #tpu.memory_space<vmem>>
    %dma_wait3A_356 = tpu.memref_squeeze %dma_wait3A_355 : memref<1x128xi32, #tpu.memory_space<vmem>> -> memref<128xi32, #tpu.memory_space<vmem>>
    %dma_wait3A_357 = arith.constant 0 : i32
    %dma_wait3A_358 = arith.constant 0 : i32
    %dma_wait3A_359 = tpu.memref_slice %arg10[%dma_wait3A_357, %dma_wait3A_358] : memref<10240x16xf32, #tpu.memory_space<vmem_shared>> -> memref<10240x16xf32, #tpu.memory_space<vmem_shared>>
    %dma_wait3A_360 = tpu.memref_slice %arg19[%dma_wait3A_349] : memref<12x!tpu.dma_semaphore, #tpu.memory_space<semaphore_mem>> -> memref<1x!tpu.dma_semaphore, #tpu.memory_space<semaphore_mem>>
    %dma_wait3A_361 = tpu.memref_squeeze %dma_wait3A_360 : memref<1x!tpu.dma_semaphore, #tpu.memory_space<semaphore_mem>> -> memref<!tpu.dma_semaphore, #tpu.memory_space<semaphore_mem>>
    tpu.wait_indirect_dma semaphore(%dma_wait3A_361 : memref<!tpu.dma_semaphore, #tpu.memory_space<semaphore_mem>>) src(%dma_wait3A_353 : memref<128x16xf32, #tpu.memory_space<vmem>>) dst(%dma_wait3A_359 : memref<10240x16xf32, #tpu.memory_space<vmem_shared>>)
    %dma_wait3A_362 = arith.constant 0 : i32
    %dma_wait3A_363 = arith.constant 0 : i32
    %dma_wait3A_364 = tpu.memref_slice %arg13[%dma_wait3A_362, %dma_wait3A_363] : memref<79x128xi32, #tpu.memory_space<vmem>> -> memref<1x128xi32, #tpu.memory_space<vmem>>
    %dma_wait3A_365 = tpu.memref_squeeze %dma_wait3A_364 : memref<1x128xi32, #tpu.memory_space<vmem>> -> memref<128xi32, #tpu.memory_space<vmem>>
    %dma_wait3A_366 = arith.constant 0 : i32
    %dma_wait3A_367 = tpu.memref_slice %arg11[%dma_wait3A_366] : memref<10240xf32, #tpu.memory_space<vmem_shared>> -> memref<10240xf32, #tpu.memory_space<vmem_shared>>
    tpu.wait_indirect_dma semaphore(%arg20 : memref<!tpu.dma_semaphore, #tpu.memory_space<semaphore_mem>>) src(%arg15 : memref<128xf32, #tpu.memory_space<vmem>>) dst(%dma_wait3A_367 : memref<10240xf32, #tpu.memory_space<vmem_shared>>)
    %dma_wait3A_368 = arith.constant 0 : i32
    %dma_wait3A_369 = arith.constant 0 : i32
    %dma_wait3A_370 = tpu.memref_slice %arg13[%dma_wait3A_368, %dma_wait3A_369] : memref<79x128xi32, #tpu.memory_space<vmem>> -> memref<1x128xi32, #tpu.memory_space<vmem>>
    %dma_wait3A_371 = tpu.memref_squeeze %dma_wait3A_370 : memref<1x128xi32, #tpu.memory_space<vmem>> -> memref<128xi32, #tpu.memory_space<vmem>>
    %dma_wait3A_372 = arith.constant 0 : i32
    %dma_wait3A_373 = tpu.memref_slice %arg11[%dma_wait3A_372] : memref<10240xf32, #tpu.memory_space<vmem_shared>> -> memref<10240xf32, #tpu.memory_space<vmem_shared>>
    tpu.wait_indirect_dma semaphore(%arg20 : memref<!tpu.dma_semaphore, #tpu.memory_space<semaphore_mem>>) src(%arg15 : memref<128xf32, #tpu.memory_space<vmem>>) dst(%dma_wait3A_373 : memref<10240xf32, #tpu.memory_space<vmem_shared>>)
    %dma_wait3A_374 = arith.constant 0 : i32
    %dma_wait3A_375 = arith.constant 0 : i32
    %dma_wait3A_376 = tpu.memref_slice %arg13[%dma_wait3A_374, %dma_wait3A_375] : memref<79x128xi32, #tpu.memory_space<vmem>> -> memref<1x128xi32, #tpu.memory_space<vmem>>
    %dma_wait3A_377 = tpu.memref_squeeze %dma_wait3A_376 : memref<1x128xi32, #tpu.memory_space<vmem>> -> memref<128xi32, #tpu.memory_space<vmem>>
    %dma_wait3A_378 = arith.constant 0 : i32
    %dma_wait3A_379 = tpu.memref_slice %arg11[%dma_wait3A_378] : memref<10240xf32, #tpu.memory_space<vmem_shared>> -> memref<10240xf32, #tpu.memory_space<vmem_shared>>
    tpu.wait_indirect_dma semaphore(%arg20 : memref<!tpu.dma_semaphore, #tpu.memory_space<semaphore_mem>>) src(%arg15 : memref<128xf32, #tpu.memory_space<vmem>>) dst(%dma_wait3A_379 : memref<10240xf32, #tpu.memory_space<vmem_shared>>)
    %dma_wait3A_380 = arith.constant 0 : i32
    %dma_wait3A_381 = arith.constant 0 : i32
    %dma_wait3A_382 = tpu.memref_slice %arg13[%dma_wait3A_380, %dma_wait3A_381] : memref<79x128xi32, #tpu.memory_space<vmem>> -> memref<1x128xi32, #tpu.memory_space<vmem>>
    %dma_wait3A_383 = tpu.memref_squeeze %dma_wait3A_382 : memref<1x128xi32, #tpu.memory_space<vmem>> -> memref<128xi32, #tpu.memory_space<vmem>>
    %dma_wait3A_384 = arith.constant 0 : i32
    %dma_wait3A_385 = tpu.memref_slice %arg11[%dma_wait3A_384] : memref<10240xf32, #tpu.memory_space<vmem_shared>> -> memref<10240xf32, #tpu.memory_space<vmem_shared>>
    tpu.wait_indirect_dma semaphore(%arg20 : memref<!tpu.dma_semaphore, #tpu.memory_space<semaphore_mem>>) src(%arg15 : memref<128xf32, #tpu.memory_space<vmem>>) dst(%dma_wait3A_385 : memref<10240xf32, #tpu.memory_space<vmem_shared>>)
    %barrier3A_386 = arith.constant 0 : index
    tpu.barrier barrier_id(%barrier3A_386)
    %mul3A_387 = arith.constant 640 : i32
    %mul3A_388 = arith.muli %arg1, %mul3A_387 : i32
    "tpu.region"() ({
      %run_scoped3A = tpu.sem_alloc : memref<!tpu.dma_semaphore, #tpu.memory_space<semaphore_mem>>
      %dma_start3A_395 = arith.constant 0 : i32
      %dma_start3A_396 = tpu.memref_slice %arg10[%mul3A_388, %dma_start3A_395] : memref<10240x16xf32, #tpu.memory_space<vmem_shared>> -> memref<640x16xf32, #tpu.memory_space<vmem_shared>>
      %dma_start3A_397 = arith.constant 0 : i32
      %dma_start3A_398 = tpu.memref_slice %arg10[%mul3A_388, %dma_start3A_397] : memref<10240x16xf32, #tpu.memory_space<vmem_shared>> -> memref<640x16xf32, #tpu.memory_space<vmem_shared>>
      tpu.enqueue_dma source(%dma_start3A_398 : memref<640x16xf32, #tpu.memory_space<vmem_shared>>) target(%arg16 : memref<640x16xf32, #tpu.memory_space<vmem>>) target_semaphore(%run_scoped3A : memref<!tpu.dma_semaphore, #tpu.memory_space<semaphore_mem>>)
      %dma_wait3A_399 = arith.constant 0 : i32
      %dma_wait3A_400 = tpu.memref_slice %arg10[%mul3A_388, %dma_wait3A_399] : memref<10240x16xf32, #tpu.memory_space<vmem_shared>> -> memref<640x16xf32, #tpu.memory_space<vmem_shared>>
      %dma_wait3A_401 = arith.constant 0 : i32
      %dma_wait3A_402 = tpu.memref_slice %arg10[%mul3A_388, %dma_wait3A_401] : memref<10240x16xf32, #tpu.memory_space<vmem_shared>> -> memref<640x16xf32, #tpu.memory_space<vmem_shared>>
      tpu.wait_dma2 semaphore(%run_scoped3A : memref<!tpu.dma_semaphore, #tpu.memory_space<semaphore_mem>>) src(%dma_wait3A_402 : memref<640x16xf32, #tpu.memory_space<vmem_shared>>) dst(%arg16 : memref<640x16xf32, #tpu.memory_space<vmem>>)
      tpu.yield
    }) : () -> ()
    %mul3A_389 = arith.constant 640 : i32
    %mul3A_390 = arith.muli %arg1, %mul3A_389 : i32
    "tpu.region"() ({
      %run_scoped3A = tpu.sem_alloc : memref<!tpu.dma_semaphore, #tpu.memory_space<semaphore_mem>>
      %dma_start3A_395 = arith.constant 0 : i32
      %dma_start3A_396 = tpu.memref_slice %arg8[%arg0, %mul3A_390, %dma_start3A_395] : memref<2x10240x16xf32, #tpu.memory_space<hbm>> -> memref<1x640x16xf32, #tpu.memory_space<hbm>>
      %dma_start3A_397 = tpu.memref_squeeze %dma_start3A_396 : memref<1x640x16xf32, #tpu.memory_space<hbm>> -> memref<640x16xf32, #tpu.memory_space<hbm>>
      %dma_start3A_398 = arith.constant 0 : i32
      %dma_start3A_399 = tpu.memref_slice %arg8[%arg0, %mul3A_390, %dma_start3A_398] : memref<2x10240x16xf32, #tpu.memory_space<hbm>> -> memref<1x640x16xf32, #tpu.memory_space<hbm>>
      %dma_start3A_400 = tpu.memref_squeeze %dma_start3A_399 : memref<1x640x16xf32, #tpu.memory_space<hbm>> -> memref<640x16xf32, #tpu.memory_space<hbm>>
      tpu.enqueue_dma source(%arg16 : memref<640x16xf32, #tpu.memory_space<vmem>>) target(%dma_start3A_400 : memref<640x16xf32, #tpu.memory_space<hbm>>) target_semaphore(%run_scoped3A : memref<!tpu.dma_semaphore, #tpu.memory_space<semaphore_mem>>)
      %dma_wait3A_401 = arith.constant 0 : i32
      %dma_wait3A_402 = tpu.memref_slice %arg8[%arg0, %mul3A_390, %dma_wait3A_401] : memref<2x10240x16xf32, #tpu.memory_space<hbm>> -> memref<1x640x16xf32, #tpu.memory_space<hbm>>
      %dma_wait3A_403 = tpu.memref_squeeze %dma_wait3A_402 : memref<1x640x16xf32, #tpu.memory_space<hbm>> -> memref<640x16xf32, #tpu.memory_space<hbm>>
      %dma_wait3A_404 = arith.constant 0 : i32
      %dma_wait3A_405 = tpu.memref_slice %arg8[%arg0, %mul3A_390, %dma_wait3A_404] : memref<2x10240x16xf32, #tpu.memory_space<hbm>> -> memref<1x640x16xf32, #tpu.memory_space<hbm>>
      %dma_wait3A_406 = tpu.memref_squeeze %dma_wait3A_405 : memref<1x640x16xf32, #tpu.memory_space<hbm>> -> memref<640x16xf32, #tpu.memory_space<hbm>>
      tpu.wait_dma2 semaphore(%run_scoped3A : memref<!tpu.dma_semaphore, #tpu.memory_space<semaphore_mem>>) src(%arg16 : memref<640x16xf32, #tpu.memory_space<vmem>>) dst(%dma_wait3A_406 : memref<640x16xf32, #tpu.memory_space<hbm>>)
      tpu.yield
    }) : () -> ()
    %mul3A_391 = arith.constant 640 : i32
    %mul3A_392 = arith.muli %arg1, %mul3A_391 : i32
    "tpu.region"() ({
      %run_scoped3A = tpu.sem_alloc : memref<!tpu.dma_semaphore, #tpu.memory_space<semaphore_mem>>
      %dma_start3A_395 = tpu.memref_slice %arg11[%mul3A_392] : memref<10240xf32, #tpu.memory_space<vmem_shared>> -> memref<640xf32, #tpu.memory_space<vmem_shared>>
      %dma_start3A_396 = tpu.memref_slice %arg11[%mul3A_392] : memref<10240xf32, #tpu.memory_space<vmem_shared>> -> memref<640xf32, #tpu.memory_space<vmem_shared>>
      tpu.enqueue_dma source(%dma_start3A_396 : memref<640xf32, #tpu.memory_space<vmem_shared>>) target(%arg17 : memref<640xf32, #tpu.memory_space<vmem>>) target_semaphore(%run_scoped3A : memref<!tpu.dma_semaphore, #tpu.memory_space<semaphore_mem>>)
      %dma_wait3A_397 = tpu.memref_slice %arg11[%mul3A_392] : memref<10240xf32, #tpu.memory_space<vmem_shared>> -> memref<640xf32, #tpu.memory_space<vmem_shared>>
      %dma_wait3A_398 = tpu.memref_slice %arg11[%mul3A_392] : memref<10240xf32, #tpu.memory_space<vmem_shared>> -> memref<640xf32, #tpu.memory_space<vmem_shared>>
      tpu.wait_dma2 semaphore(%run_scoped3A : memref<!tpu.dma_semaphore, #tpu.memory_space<semaphore_mem>>) src(%dma_wait3A_398 : memref<640xf32, #tpu.memory_space<vmem_shared>>) dst(%arg17 : memref<640xf32, #tpu.memory_space<vmem>>)
      tpu.yield
    }) : () -> ()
    %mul3A_393 = arith.constant 640 : i32
    %mul3A_394 = arith.muli %arg1, %mul3A_393 : i32
    "tpu.region"() ({
      %run_scoped3A = tpu.sem_alloc : memref<!tpu.dma_semaphore, #tpu.memory_space<semaphore_mem>>
      %dma_start3A_395 = tpu.memref_slice %arg9[%arg0, %mul3A_394] : memref<2x10240xf32, #tpu.memory_space<hbm>> -> memref<1x640xf32, #tpu.memory_space<hbm>>
      %dma_start3A_396 = tpu.memref_squeeze %dma_start3A_395 : memref<1x640xf32, #tpu.memory_space<hbm>> -> memref<640xf32, #tpu.memory_space<hbm>>
      %dma_start3A_397 = tpu.memref_slice %arg9[%arg0, %mul3A_394] : memref<2x10240xf32, #tpu.memory_space<hbm>> -> memref<1x640xf32, #tpu.memory_space<hbm>>
      %dma_start3A_398 = tpu.memref_squeeze %dma_start3A_397 : memref<1x640xf32, #tpu.memory_space<hbm>> -> memref<640xf32, #tpu.memory_space<hbm>>
      tpu.enqueue_dma source(%arg17 : memref<640xf32, #tpu.memory_space<vmem>>) target(%dma_start3A_398 : memref<640xf32, #tpu.memory_space<hbm>>) target_semaphore(%run_scoped3A : memref<!tpu.dma_semaphore, #tpu.memory_space<semaphore_mem>>)
      %dma_wait3A_399 = tpu.memref_slice %arg9[%arg0, %mul3A_394] : memref<2x10240xf32, #tpu.memory_space<hbm>> -> memref<1x640xf32, #tpu.memory_space<hbm>>
      %dma_wait3A_400 = tpu.memref_squeeze %dma_wait3A_399 : memref<1x640xf32, #tpu.memory_space<hbm>> -> memref<640xf32, #tpu.memory_space<hbm>>
      %dma_wait3A_401 = tpu.memref_slice %arg9[%arg0, %mul3A_394] : memref<2x10240xf32, #tpu.memory_space<hbm>> -> memref<1x640xf32, #tpu.memory_space<hbm>>
      %dma_wait3A_402 = tpu.memref_squeeze %dma_wait3A_401 : memref<1x640xf32, #tpu.memory_space<hbm>> -> memref<640xf32, #tpu.memory_space<hbm>>
      tpu.wait_dma2 semaphore(%run_scoped3A : memref<!tpu.dma_semaphore, #tpu.memory_space<semaphore_mem>>) src(%arg17 : memref<640xf32, #tpu.memory_space<vmem>>) dst(%dma_wait3A_402 : memref<640xf32, #tpu.memory_space<hbm>>)
      tpu.yield
    }) : () -> ()
    return
  }
}

module attributes {stable_mosaic.version = 14 : i64} {
  func.func @_proj_body(%arg0: i32, %arg1: memref<2000x128xf32, #tpu.memory_space<vmem>>, %arg2: memref<128x16xf32, #tpu.memory_space<vmem>>, %arg3: memref<128x16xf32, #tpu.memory_space<vmem>>, %arg4: memref<2000x16xf32, #tpu.memory_space<vmem>>, %arg5: memref<2000x16xf32, #tpu.memory_space<vmem>>) attributes {dimension_semantics = [#tpu.dimension_semantics<arbitrary>], iteration_bounds = array<i64: 5>, scalar_prefetch = 0 : i64, scratch_operands = 0 : i64, tpu.core_type = #tpu.core_type<tc>, window_params = [{transform_indices = @transform_0, window_bounds = array<i64: 2000, 128>}, {pipeline_mode = #tpu.pipeline_mode<synchronous>, transform_indices = @transform_1, window_bounds = array<i64: 128, 16>}, {pipeline_mode = #tpu.pipeline_mode<synchronous>, transform_indices = @transform_2, window_bounds = array<i64: 128, 16>}, {transform_indices = @transform_3, window_bounds = array<i64: 2000, 16>}, {transform_indices = @transform_4, window_bounds = array<i64: 2000, 16>}]} {
    %get3A = arith.constant 0 : index
    %get3A_0 = arith.constant 0 : index
    %get3A_1 = vector.load %arg1[%get3A, %get3A_0] : memref<2000x128xf32, #tpu.memory_space<vmem>>, vector<2000x128xf32>
    %get3A_2 = arith.constant 0 : index
    %get3A_3 = arith.constant 0 : index
    %get3A_4 = vector.load %arg2[%get3A_2, %get3A_3] : memref<128x16xf32, #tpu.memory_space<vmem>>, vector<128x16xf32>
    %dot_general3A = arith.constant dense<0.000000e+00> : vector<2000x16xf32>
    %dot_general3A_5 = tpu.matmul %get3A_1, %get3A_4, %dot_general3A {dimension_numbers = #tpu.dot_dimension_numbers<[1], [0], [0], [1], [0, 0, 1, 1], [], []>, transpose_lhs_hint = false} : vector<2000x128xf32>, vector<128x16xf32>, vector<2000x16xf32> -> vector<2000x16xf32>
    %swap3A = arith.constant 0 : index
    %swap3A_6 = arith.constant 0 : index
    %swap3A_7 = vector.load %arg4[%swap3A, %swap3A_6] : memref<2000x16xf32, #tpu.memory_space<vmem>>, vector<2000x16xf32>
    tpu.vector_store %arg4[%swap3A, %swap3A_6], %dot_general3A_5 {strides = array<i32>} : memref<2000x16xf32, #tpu.memory_space<vmem>>, vector<2000x16xf32>,
    %get3A_8 = arith.constant 0 : index
    %get3A_9 = arith.constant 0 : index
    %get3A_10 = vector.load %arg3[%get3A_8, %get3A_9] : memref<128x16xf32, #tpu.memory_space<vmem>>, vector<128x16xf32>
    %dot_general3A_11 = arith.constant dense<0.000000e+00> : vector<2000x16xf32>
    %dot_general3A_12 = tpu.matmul %get3A_1, %get3A_10, %dot_general3A_11 {dimension_numbers = #tpu.dot_dimension_numbers<[1], [0], [0], [1], [0, 0, 1, 1], [], []>, transpose_lhs_hint = false} : vector<2000x128xf32>, vector<128x16xf32>, vector<2000x16xf32> -> vector<2000x16xf32>
    %swap3A_13 = arith.constant 0 : index
    %swap3A_14 = arith.constant 0 : index
    %swap3A_15 = vector.load %arg5[%swap3A_13, %swap3A_14] : memref<2000x16xf32, #tpu.memory_space<vmem>>, vector<2000x16xf32>
    tpu.vector_store %arg5[%swap3A_13, %swap3A_14], %dot_general3A_12 {strides = array<i32>} : memref<2000x16xf32, #tpu.memory_space<vmem>>, vector<2000x16xf32>,
    return
  }
  func.func @transform_0(%arg0: i32) -> (i32, i32) {
    %c0_i32 = arith.constant 0 : i32
    %c0_i32_0 = arith.constant 0 : i32
    return %arg0, %c0_i32 : i32, i32
  }
  func.func @transform_1(%arg0: i32) -> (i32, i32) {
    %c0_i32 = arith.constant 0 : i32
    %c0_i32_0 = arith.constant 0 : i32
    %c0_i32_1 = arith.constant 0 : i32
    return %c0_i32, %c0_i32_0 : i32, i32
  }
  func.func @transform_2(%arg0: i32) -> (i32, i32) {
    %c0_i32 = arith.constant 0 : i32
    %c0_i32_0 = arith.constant 0 : i32
    %c0_i32_1 = arith.constant 0 : i32
    return %c0_i32, %c0_i32_0 : i32, i32
  }
  func.func @transform_3(%arg0: i32) -> (i32, i32) {
    %c0_i32 = arith.constant 0 : i32
    %c0_i32_0 = arith.constant 0 : i32
    return %arg0, %c0_i32 : i32, i32
  }
  func.func @transform_4(%arg0: i32) -> (i32, i32) {
    %c0_i32 = arith.constant 0 : i32
    %c0_i32_0 = arith.constant 0 : i32
    return %arg0, %c0_i32 : i32, i32
  }
}

module attributes {stable_mosaic.version = 14 : i64} {
  func.func @_layer1_body(%arg0: i32, %arg1: memref<2x2000x16xf32, #tpu.memory_space<vmem>>, %arg2: memref<2x2000x1xf32, #tpu.memory_space<vmem>>, %arg3: memref<2000x16xf32, #tpu.memory_space<vmem>>, %arg4: memref<1x16xf32, #tpu.memory_space<vmem>>, %arg5: memref<2000x16xf32, #tpu.memory_space<vmem>>, %arg6: memref<2000x1xf32, #tpu.memory_space<vmem>>) attributes {dimension_semantics = [#tpu.dimension_semantics<arbitrary>], iteration_bounds = array<i64: 5>, scalar_prefetch = 0 : i64, scratch_operands = 0 : i64, tpu.core_type = #tpu.core_type<tc>, window_params = [{transform_indices = @transform_0, window_bounds = array<i64: 2, 2000, 16>}, {transform_indices = @transform_1, window_bounds = array<i64: 2, 2000, 1>}, {transform_indices = @transform_2, window_bounds = array<i64: 2000, 16>}, {pipeline_mode = #tpu.pipeline_mode<synchronous>, transform_indices = @transform_3, window_bounds = array<i64: 1, 16>}, {transform_indices = @transform_4, window_bounds = array<i64: 2000, 16>}, {transform_indices = @transform_5, window_bounds = array<i64: 2000, 1>}]} {
    %get3A = arith.constant 0 : index
    %get3A_0 = arith.constant 0 : index
    %get3A_1 = arith.constant 0 : index
    %get3A_2 = vector.load %arg2[%get3A, %get3A_0, %get3A_1] : memref<2x2000x1xf32, #tpu.memory_space<vmem>>, vector<1x2000x1xf32>
    %get3A_3 = vector.shape_cast %get3A_2 : vector<1x2000x1xf32> to vector<2000x1xf32>
    %get3A_4 = arith.constant 1 : index
    %get3A_5 = arith.constant 0 : index
    %get3A_6 = arith.constant 0 : index
    %get3A_7 = vector.load %arg2[%get3A_4, %get3A_5, %get3A_6] : memref<2x2000x1xf32, #tpu.memory_space<vmem>>, vector<1x2000x1xf32>
    %get3A_8 = vector.shape_cast %get3A_7 : vector<1x2000x1xf32> to vector<2000x1xf32>
    %add3A = arith.addf %get3A_3, %get3A_8 : vector<2000x1xf32>
    %max3A = arith.constant 1.000000e+00 : f32
    %max3A_9 = vector.broadcast %max3A : f32 to vector<2000x1xf32>
    %max3A_10 = arith.maximumf %add3A, %max3A_9 : vector<2000x1xf32>
    %div3A = arith.constant 1.000000e+00 : f32
    %div3A_11 = vector.broadcast %div3A : f32 to vector<2000x1xf32>
    %div3A_12 = arith.divf %div3A_11, %max3A_10 : vector<2000x1xf32>
    %get3A_13 = arith.constant 0 : index
    %get3A_14 = arith.constant 0 : index
    %get3A_15 = arith.constant 0 : index
    %get3A_16 = vector.load %arg1[%get3A_13, %get3A_14, %get3A_15] : memref<2x2000x16xf32, #tpu.memory_space<vmem>>, vector<1x2000x16xf32>
    %get3A_17 = vector.shape_cast %get3A_16 : vector<1x2000x16xf32> to vector<2000x16xf32>
    %get3A_18 = arith.constant 1 : index
    %get3A_19 = arith.constant 0 : index
    %get3A_20 = arith.constant 0 : index
    %get3A_21 = vector.load %arg1[%get3A_18, %get3A_19, %get3A_20] : memref<2x2000x16xf32, #tpu.memory_space<vmem>>, vector<1x2000x16xf32>
    %get3A_22 = vector.shape_cast %get3A_21 : vector<1x2000x16xf32> to vector<2000x16xf32>
    %add3A_23 = arith.addf %get3A_17, %get3A_22 : vector<2000x16xf32>
    %mul3A = vector.broadcast %div3A_12 : vector<2000x1xf32> to vector<2000x16xf32>
    %mul3A_24 = arith.mulf %add3A_23, %mul3A : vector<2000x16xf32>
    %get3A_25 = arith.constant 0 : index
    %get3A_26 = arith.constant 0 : index
    %get3A_27 = vector.load %arg4[%get3A_25, %get3A_26] : memref<1x16xf32, #tpu.memory_space<vmem>>, vector<1x16xf32>
    %add3A_28 = vector.broadcast %get3A_27 : vector<1x16xf32> to vector<2000x16xf32>
    %add3A_29 = arith.addf %mul3A_24, %add3A_28 : vector<2000x16xf32>
    %get3A_30 = arith.constant 0 : index
    %get3A_31 = arith.constant 0 : index
    %get3A_32 = vector.load %arg3[%get3A_30, %get3A_31] : memref<2000x16xf32, #tpu.memory_space<vmem>>, vector<2000x16xf32>
    %add3A_33 = arith.addf %add3A_29, %get3A_32 : vector<2000x16xf32>
    %max3A_34 = arith.constant 0.000000e+00 : f32
    %max3A_35 = vector.broadcast %max3A_34 : f32 to vector<2000x16xf32>
    %max3A_36 = arith.maximumf %add3A_33, %max3A_35 : vector<2000x16xf32>
    %swap3A = arith.constant 0 : index
    %swap3A_37 = arith.constant 0 : index
    %swap3A_38 = vector.load %arg5[%swap3A, %swap3A_37] : memref<2000x16xf32, #tpu.memory_space<vmem>>, vector<2000x16xf32>
    tpu.vector_store %arg5[%swap3A, %swap3A_37], %max3A_36 {strides = array<i32>} : memref<2000x16xf32, #tpu.memory_space<vmem>>, vector<2000x16xf32>,
    %swap3A_39 = arith.constant 0 : index
    %swap3A_40 = arith.constant 0 : index
    %swap3A_41 = vector.load %arg6[%swap3A_39, %swap3A_40] : memref<2000x1xf32, #tpu.memory_space<vmem>>, vector<2000x1xf32>
    tpu.vector_store %arg6[%swap3A_39, %swap3A_40], %div3A_12 {strides = array<i32>} : memref<2000x1xf32, #tpu.memory_space<vmem>>, vector<2000x1xf32>,
    return
  }
  func.func @transform_0(%arg0: i32) -> (i32, i32, i32) {
    %c0_i32 = arith.constant 0 : i32
    %c0_i32_0 = arith.constant 0 : i32
    %c0_i32_1 = arith.constant 0 : i32
    return %c0_i32, %arg0, %c0_i32_0 : i32, i32, i32
  }
  func.func @transform_1(%arg0: i32) -> (i32, i32, i32) {
    %c0_i32 = arith.constant 0 : i32
    %c0_i32_0 = arith.constant 0 : i32
    %c0_i32_1 = arith.constant 0 : i32
    return %c0_i32, %arg0, %c0_i32_0 : i32, i32, i32
  }
  func.func @transform_2(%arg0: i32) -> (i32, i32) {
    %c0_i32 = arith.constant 0 : i32
    %c0_i32_0 = arith.constant 0 : i32
    return %arg0, %c0_i32 : i32, i32
  }
  func.func @transform_3(%arg0: i32) -> (i32, i32) {
    %c0_i32 = arith.constant 0 : i32
    %c0_i32_0 = arith.constant 0 : i32
    %c0_i32_1 = arith.constant 0 : i32
    return %c0_i32, %c0_i32_0 : i32, i32
  }
  func.func @transform_4(%arg0: i32) -> (i32, i32) {
    %c0_i32 = arith.constant 0 : i32
    %c0_i32_0 = arith.constant 0 : i32
    return %arg0, %c0_i32 : i32, i32
  }
  func.func @transform_5(%arg0: i32) -> (i32, i32) {
    %c0_i32 = arith.constant 0 : i32
    %c0_i32_0 = arith.constant 0 : i32
    return %arg0, %c0_i32 : i32, i32
  }
}

module attributes {stable_mosaic.version = 14 : i64} {
  func.func @_layer2_body(%arg0: memref<2x10240x16xf32, #tpu.memory_space<vmem>>, %arg1: memref<10000x1xf32, #tpu.memory_space<vmem>>, %arg2: memref<10000x16xf32, #tpu.memory_space<vmem>>, %arg3: memref<300x32xf32, #tpu.memory_space<vmem>>, %arg4: memref<300x1xf32, #tpu.memory_space<vmem>>, %arg5: memref<300x10000xf32, #tpu.memory_space<vmem>>) attributes {dimension_semantics = [], scalar_prefetch = 0 : i64, scratch_operands = 0 : i64, tpu.core_type = #tpu.core_type<tc>} {
    %get3A = arith.constant 0 : index
    %get3A_0 = arith.constant 0 : index
    %get3A_1 = arith.constant 0 : index
    %get3A_2 = vector.load %arg0[%get3A, %get3A_0, %get3A_1] : memref<2x10240x16xf32, #tpu.memory_space<vmem>>, vector<1x10000x16xf32>
    %get3A_3 = vector.shape_cast %get3A_2 : vector<1x10000x16xf32> to vector<10000x16xf32>
    %get3A_4 = arith.constant 1 : index
    %get3A_5 = arith.constant 0 : index
    %get3A_6 = arith.constant 0 : index
    %get3A_7 = vector.load %arg0[%get3A_4, %get3A_5, %get3A_6] : memref<2x10240x16xf32, #tpu.memory_space<vmem>>, vector<1x10000x16xf32>
    %get3A_8 = vector.shape_cast %get3A_7 : vector<1x10000x16xf32> to vector<10000x16xf32>
    %add3A = arith.addf %get3A_3, %get3A_8 : vector<10000x16xf32>
    %get3A_9 = arith.constant 0 : index
    %get3A_10 = arith.constant 0 : index
    %get3A_11 = vector.load %arg1[%get3A_9, %get3A_10] : memref<10000x1xf32, #tpu.memory_space<vmem>>, vector<10000x1xf32>
    %mul3A = vector.broadcast %get3A_11 : vector<10000x1xf32> to vector<10000x16xf32>
    %mul3A_12 = arith.mulf %add3A, %mul3A : vector<10000x16xf32>
    %get3A_13 = arith.constant 0 : index
    %get3A_14 = arith.constant 0 : index
    %get3A_15 = vector.load %arg2[%get3A_13, %get3A_14] : memref<10000x16xf32, #tpu.memory_space<vmem>>, vector<10000x16xf32>
    %concatenate3A = tpu.concatenate %mul3A_12, %get3A_15 in 1 : vector<10000x16xf32>, vector<10000x16xf32> -> vector<10000x32xf32>
    %transpose3A = tpu.transpose %concatenate3A, [1, 0] : vector<10000x32xf32> -> vector<32x10000xf32>
    %get3A_16 = arith.constant 0 : index
    %get3A_17 = arith.constant 0 : index
    %get3A_18 = vector.load %arg3[%get3A_16, %get3A_17] : memref<300x32xf32, #tpu.memory_space<vmem>>, vector<300x32xf32>
    %dot_general3A = arith.constant dense<0.000000e+00> : vector<300x10000xf32>
    %dot_general3A_19 = tpu.matmul %get3A_18, %transpose3A, %dot_general3A {dimension_numbers = #tpu.dot_dimension_numbers<[1], [0], [0], [1], [0, 0, 1, 1], [], []>, transpose_lhs_hint = false} : vector<300x32xf32>, vector<32x10000xf32>, vector<300x10000xf32> -> vector<300x10000xf32>
    %get3A_20 = arith.constant 0 : index
    %get3A_21 = arith.constant 0 : index
    %get3A_22 = vector.load %arg4[%get3A_20, %get3A_21] : memref<300x1xf32, #tpu.memory_space<vmem>>, vector<300x1xf32>
    %add3A_23 = vector.broadcast %get3A_22 : vector<300x1xf32> to vector<300x10000xf32>
    %add3A_24 = arith.addf %dot_general3A_19, %add3A_23 : vector<300x10000xf32>
    %reduce_max3A = arith.constant dense<0xFF800000> : vector<10000xf32>
    %reduce_max3A_25 = vector.multi_reduction <maximumf>, %add3A_24, %reduce_max3A [0] : vector<300x10000xf32> to vector<10000xf32>
    %broadcast_in_dim3A = vector.shape_cast %reduce_max3A_25 : vector<10000xf32> to vector<1x10000xf32>
    %sub3A = vector.broadcast %broadcast_in_dim3A : vector<1x10000xf32> to vector<300x10000xf32>
    %sub3A_26 = arith.subf %add3A_24, %sub3A : vector<300x10000xf32>
    %exp3A = math.exp %sub3A_26 : vector<300x10000xf32>
    %reduce_sum3A = arith.constant dense<0.000000e+00> : vector<10000xf32>
    %reduce_sum3A_27 = vector.multi_reduction <add>, %exp3A, %reduce_sum3A [0] : vector<300x10000xf32> to vector<10000xf32>
    %broadcast_in_dim3A_28 = vector.shape_cast %reduce_sum3A_27 : vector<10000xf32> to vector<1x10000xf32>
    %log3A = math.log %broadcast_in_dim3A_28 : vector<1x10000xf32>
    %add3A_29 = arith.addf %log3A, %broadcast_in_dim3A : vector<1x10000xf32>
    %sub3A_30 = vector.broadcast %add3A_29 : vector<1x10000xf32> to vector<300x10000xf32>
    %sub3A_31 = arith.subf %add3A_24, %sub3A_30 : vector<300x10000xf32>
    %swap3A = arith.constant 0 : index
    %swap3A_32 = arith.constant 0 : index
    %swap3A_33 = vector.load %arg5[%swap3A, %swap3A_32] : memref<300x10000xf32, #tpu.memory_space<vmem>>, vector<300x10000xf32>
    tpu.vector_store %arg5[%swap3A, %swap3A_32], %sub3A_31 {strides = array<i32>} : memref<300x10000xf32, #tpu.memory_space<vmem>>, vector<300x10000xf32>,
    return
  }
}

</mosaic_0001>

<sc_bundles>
// kernel: kernel.10.cloned.1.call-start
scs
__scs_entry_jumppad:
0x0: {  	(pc) =	sbr.rel $0x88, $3  }
0x1: {  	(tag) =	ssettag $0x0;
	lr =	simm.s32 $0x1  }
0x2: {  	[smem:$0x3F99] =	sst lr;
	_ =	strace $0xD0000000  }
0x3: {  	_ = 	snop  }
0x4: {  	_ = 	snop  }
0x5: {  	_ = 	snop  }
0x6: {  	_ = 	snop  }
0x7: {  	_ = 	snop  }
__scs_overlays_trampoline_lowered:
0x8: {  	[smem:$0x3FA8] =	sst s0  }
0x9: {  	[smem:$0x3FA9] =	sst s1  }
0xa: {  	[smem:$0x3FAA] =	sst s2  }
0xb: {  	[smem:$0x3FAB] =	sst s3  }
0xc: {  	[smem:$0x3FAC] =	sst s4  }
0xd: {  	[smem:$0x3FAD] =	sst s5  }
0xe: {  	[smem:$0x3FAE] =	sst s6  }
0xf: {  	[smem:$0x3FAF] =	sst s7  }
0x10: {  	[smem:$0x3FB0] =	sst s8  }
0x11: {  	[smem:$0x3FB1] =	sst s9;
	s0 =	simm.s32 @!p0 $0x0  }
0x12: {  	s1 =	sld [smem:$0x3F97];
	s0 =	simm.s32 @p0 $0x1  }
0x13: {  	[smem:$0x3FB2] =	sst s0;
	s0 =	simm.s32 @!p1 $0x0  }
0x14: {  	s2 =	sld [smem:$0x3F96];
	s0 =	simm.s32 @p1 $0x1  }
0x15: {  	[smem:$0x3FB3] =	sst s0;
	s0 =	simm.s32 @!p2 $0x0  }
0x16: {  	s3 =	sld [smem:$0x3FDB];
	s0 =	simm.s32 @p2 $0x1  }
0x17: {  	s4 =	simm.s32 $0x1BF5;
	[smem:$0x3FB5] =	sst s0  }
0x18: {  	s0 =	sld [smem:$0x3F98];
	_ =	swait.ge [sflag:s4], $0x0  }
0x19: {  	s7 =	sld [smem:$0x3F99]  }
0x1a: {  	s8 =	sadd.s32 $0xFFFFE003, lr  }
0x1b: {  	s9 =	sadd.s32 $0xFFFFFEF7, lr;
	s5 =	simm.s32 $0xFFFFFFFF;
	p2 =	slt.u32 s8, $0xFFFFF086  }
0x1c: {  	p1 =	slt.u32 s9, $0xF7A;
	s5 =	simm.s32 @!p2 $0x0  }
0x1d: {  	s5 =	simm.s32 @p1 $0x1;
	p0 =	seq.s32 s7, s2  }
0x1e: {  	s7 =	smul.u32 @!p0 $0xF7A, s2;
	p2 =	seq.s32 @!p0 s5, $0x0  }
0x1f: {  	s9 =	smul.u32 $0xF7A, s1;
	s8 =	simm.s32 @!p0 $0x1BF5;
	p2 =	por !p2, p0  }
0x20: {  	[sflag:s8] =	ssyncset.s32 @!p0 $0xFFFFF086;
	s6 =	sadd.s32 @!p0 s3, s7;
	s7 =	simm.s32 @!p0 $0x108  }
0x21: {  	s3 =	sadd.s32 s3, s9;
	s6 =	sadd.s32 @!p0 $0x88, s6;
	s7 =	simm.s32 @p2 $0x1082  }
0x22: {  	[simem:s7], [sflag:s8] =	dma.local @!p0 [hbm:s6], $0xF7A  }
0x23: {  	s9 =	sor.u32 $0xD0000000, s2;
	s6 =	simm.s32 $0x108;
	_ =	swait.ge @!p0 [sflag:s8], $0x0  }
0x24: {  	s3 =	sadd.s32 $0x88, s3;
	s6 =	simm.s32 @!p1 $0x1082;
	[sflag:s4] =	ssyncset.s32 $0xFFFFF086  }
0x25: {  	[simem:s6], [sflag:s4] =	dma.local [hbm:s3], $0xF7A  }
0x26: {  	[smem:$0x3F99] =	sst s1;
	(tag) =	ssettag s2;
	_ =	strace s9  }
0x27: {  	s1 =	sld [smem:$0x3FA9]  }
0x28: {  	s2 =	sld [smem:$0x3FAA]  }
0x29: {  	s4 =	sld [smem:$0x3FAC]  }
0x2a: {  	p0 =	seq.s32 s5, $0x0;
	s5 =	sld [smem:$0x3FAD]  }
0x2b: {  	s6 =	sld [smem:$0x3FAE]  }
0x2c: {  	s7 =	sld [smem:$0x3FAF]  }
0x2d: {  	s3 =	simm.s32 $0x108;
	s8 =	sld [smem:$0x3FB0]  }
0x2e: {  	s3 =	simm.s32 @!p0 $0x1082;
	s9 =	sld [smem:$0x3FB1]  }
0x2f: {  	lr =	sadd.s32 s0, s3;
	s0 =	sld [smem:$0x3FA8]  }
0x30: {  	s3 =	sld [smem:$0x3FAB]  }
0x31: {  	[smem:$0x3FB4] =	sst s10  }
0x32: {  	s10 =	sld [smem:$0x3FB2];
	_ =	sdelay $0x3  }
0x33: {  	p0 =	seq.s32 s10, $0x1;
	s10 =	sld [smem:$0x3FB4];
	_ =	sdelay $0x3  }
0x34: {  	[smem:$0x3FB4] =	sst s10  }
0x35: {  	s10 =	sld [smem:$0x3FB3];
	_ =	sdelay $0x3  }
0x36: {  	p1 =	seq.s32 s10, $0x1;
	s10 =	sld [smem:$0x3FB4];
	_ =	sdelay $0x3  }
0x37: {  	[smem:$0x3FB4] =	sst s10  }
0x38: {  	s10 =	sld [smem:$0x3FB5]  }
0x39: {  	_ = 	snop;
	(pc) =	sbr.ind lr, $3  }
0x3a: {  	_ = 	snop  }
0x3b: {  	_ = 	snop  }
0x3c: {  	p2 =	seq.s32 s10, $0x1;
	s10 =	sld [smem:$0x3FB4]  }
0x3d: {  	_ =	shalt  }
0x3e: {  	_ =	shalt  }
0x3f: {  	_ =	shalt  }
0x40: {  	_ =	shalt  }
0x41: {  	_ =	shalt  }
0x42: {  	_ =	shalt  }
0x43: {  	_ =	shalt  }
0x44: {  	_ =	shalt  }
0x45: {  	_ =	shalt  }
0x46: {  	_ =	shalt  }
0x47: {  	_ =	shalt  }
0x48: {  	_ =	shalt  }
0x49: {  	_ =	shalt  }
0x4a: {  	_ =	shalt  }
0x4b: {  	_ =	shalt  }
0x4c: {  	_ =	shalt  }
0x4d: {  	_ =	shalt  }
0x4e: {  	_ =	shalt  }
0x4f: {  	_ =	shalt  }
0x50: {  	_ =	shalt  }
0x51: {  	_ =	shalt  }
0x52: {  	_ =	shalt  }
0x53: {  	_ =	shalt  }
0x54: {  	_ =	shalt  }
0x55: {  	_ =	shalt  }
0x56: {  	_ =	shalt  }
0x57: {  	_ =	shalt  }
0x58: {  	_ =	shalt  }
0x59: {  	_ =	shalt  }
0x5a: {  	_ =	shalt  }
0x5b: {  	_ =	shalt  }
0x5c: {  	_ =	shalt  }
0x5d: {  	_ =	shalt  }
0x5e: {  	_ =	shalt  }
0x5f: {  	_ =	shalt  }
0x60: {  	_ =	shalt  }
0x61: {  	_ =	shalt  }
0x62: {  	_ =	shalt  }
0x63: {  	_ =	shalt  }
0x64: {  	_ =	shalt  }
0x65: {  	_ =	shalt  }
0x66: {  	_ =	shalt  }
0x67: {  	_ =	shalt  }
0x68: {  	_ =	shalt  }
0x69: {  	_ =	shalt  }
0x6a: {  	_ =	shalt  }
0x6b: {  	_ =	shalt  }
0x6c: {  	_ =	shalt  }
0x6d: {  	_ =	shalt  }
0x6e: {  	_ =	shalt  }
0x6f: {  	_ =	shalt  }
0x70: {  	_ =	shalt  }
0x71: {  	_ =	shalt  }
0x72: {  	_ =	shalt  }
0x73: {  	_ =	shalt  }
0x74: {  	_ =	shalt  }
0x75: {  	_ =	shalt  }
0x76: {  	_ =	shalt  }
0x77: {  	_ =	shalt  }
0x78: {  	_ =	shalt  }
0x79: {  	_ =	shalt  }
0x7a: {  	_ =	shalt  }
0x7b: {  	_ =	shalt  }
0x7c: {  	_ =	shalt  }
0x7d: {  	_ =	shalt  }
0x7e: {  	_ =	shalt  }
0x7f: {  	_ =	shalt  }
0x80: {  	_ =	shalt  }
0x81: {  	_ =	shalt  }
0x82: {  	_ =	shalt  }
0x83: {  	_ =	shalt  }
0x84: {  	_ =	shalt  }
0x85: {  	_ =	shalt  }
0x86: {  	_ =	shalt  }
0x87: {  	_ =	shalt  }
.Lfunc_end0:
.L_simem_size_0:
called_computation.1_lowered:
.L_overlay_start_0:
0x88: {  	s2 =	sld [smem:$0x3FD9]  }
0x89: {  	s3 =	sld [smem:$0x3FFE];
	_ =	sdelay $0x1  }
0x8a: {  	s1 =	srdreg.scid  }
0x8b: {  	s0 =	sand.u32 $0x1, s1  }
0x8c: {  	s17 =	sshll.u32 s0, $0xA;
	s2 =	sadd.s32 s3, s2  }
0x8d: {  	s2 =	sadd.s32 s2, s17  }
0x8e: {  	[smem:$0x3FC0] =	sst s2  }
0x8f: {  	_ = 	snop  }
0x90: {  	s2 =	sld [smem:$0x3FD0];
	(tm) =	ssettm $0x1  }
0x91: {  	s18 =	sld [smem:$0x3FFB];
	_ =	sdelay $0x3  }
0x92: {  	_ =	strace s18  }
0x93: {  	s3 =	sld [smem:$0x3FFC];
	_ =	sdelay $0x3  }
0x94: {  	_ =	strace s3  }
0x95: {  	s3 =	sld [smem:$0x3FFD];
	_ =	sdelay $0x3  }
0x96: {  	_ =	strace s3  }
0x97: {  	_ =	strace $0x8FFFFFFF  }
0x98: {  	s19 =	sld [smem:$0x3FDB];
	_ =	sdelay $0x1  }
0x99: {  	s4 =	simm.s32 $_scs_section_size  }
0x9a: {  	s5 =	simm.s32 $_size__tile_overlayer_lowered;
	s6 =	simm.s32 $_tile_overlayer_lowered  }
0x9b: {  	s22 =	simm.s32 $0x1BFF;
	s21 =	sshll.u32 s6, $0x1;
	s3 =	sadd.s32 s4, s19  }
0x9c: {  	s7 =	simm.s32 $0x0;
	s20 =	sshll.u32 s5, $0x1;
	s5 =	sadd.s32 s21, s3  }
0x9d: {  	[timem:s7], [sflag:s22] =	dma.local [hbm:s5], s20  }
0x9e: {  	_ =	swait.ge [sflag:s22], s20  }
0x9f: {  	s4 =	ssub.s32 $0x0, s20;
	[sflag:s22] =	ssyncset.done $0x0  }
0xa0: {  	[sflag:s22] =	ssyncadd.s32 s4;
	_ =	sdelay $0x1  }
0xa1: {  	s23 =	simm.s32 $0x1B8B  }
0xa2: {  	_ =	swait.ge [sflag:s23], $0x1  }
0xa3: {  	[sflag:s23] =	ssyncset.done $0x0  }
0xa4: {  	s25 =	simm.s32 $0x1B8E;
	s24 =	sld [smem:$0x3FFE];
	[sflag:s23] =	ssyncadd.s32 $0xFFFFFFFF  }
0xa5: {  	s26 =	simm.s32 $execute0_lowered;
	[smem:$0x3FD2] =	sst s25  }
0xa6: {  	s5 =	sshll.u32 s26, $0x1;
	_ =	strace $0x80000049;
	[dreg:$0x1] =	wrdreg $0xFFFFFFFF  }
0xa7: {  	s28 =	simm.s32 $_size_execute0_lowered;
	s3 =	sadd.s32 s3, s5;
	[dreg:$0x0] =	wrdreg $0x0  }
0xa8: {  	s5 =	sshll.u32 s28, $0x1;
	[dreg:$0x2] =	wrdreg s3  }
0xa9: {  	[dreg:$0x3] =	wrdreg s5  }
0xaa: {  	[dreg:$0x4] =	wrdreg $0xC0  }
0xab: {  	_ =	task [dreg:s7], $0x5FFFF  }
0xac: {  	[dreg:$0x1] =	wrdreg $0xFFFFFFFF  }
0xad: {  	[dreg:$0x0] =	wrdreg $0x60  }
0xae: {  	[dreg:$0x2] =	wrdreg s24  }
0xaf: {  	[dreg:$0x3] =	wrdreg s2  }
0xb0: {  	[dreg:$0x4] =	wrdreg $0x0  }
0xb1: {  	[dreg:$0x5] =	wrdreg $0x9  }
0xb2: {  	_ =	task.clear_ibuf [dreg:s7], $0x6FFFF;
	_ =	strace $0x90000049  }
0xb3: {  	s29 =	simm.s32 $0x9;
	_ =	strace $0x8000004B  }
0xb4: {  	_ =	swait.ge [sflag:s29], $0x1  }
0xb5: {  	[sflag:s29] =	ssyncadd.s32 $0xFFFFFFFF  }
0xb6: {  	_ =	strace $0x9000004B  }
0xb7: {  	_ =	sfence  }
0xb8: {  	s30 =	sld [smem:$0x0];
	_ =	sdelay $0x2  }
0xb9: {  	s31 =	sshll.u32 s1, $0xD;
	s1 =	sshrl.u32 s1, $0x2  }
0xba: {  	s3 =	sand.u32 $0x4000, s31;
	s1 =	sadd.s32 s1, s30  }
0xbb: {  	s0 =	sor.u32 s3, s0;
	s1 =	sshll.u32 s1, $0x11  }
0xbc: {  	s0 =	sor.u32 s1, s0  }
0xbd: {  	s0 =	sadd.s32 $0x8F2B, s0  }
0xbe: {  	[sflag:s0] =	ssyncadd.remote.s32 $0x1  }
0xbf: {  	_ =	sfence.sel $0xFFFF  }
0xc0: {  	[dreg:$0x0] =	wrdreg $0xFFFFFFFF;
	(pc) =	sbr.abs _section_cstart, $3  }
0xc1: {  	[dreg:$0x1] =	wrdreg $0xFFFFFFFF  }
0xc2: {  	_ =	task.clear_ibuf [dreg:s7], $0x2FFFF;
	_ =	strace $0x9FFFFFFF  }
0xc3: {  	(tm) =	ssettm $0x7FFFFFFF  }
tec
execute0_lowered:
.L_overlay_start_1:
0x0: {  	(tag) =	ssettag $0x1  }
0x1: {  	s0 =	rddreg [dreg:$0x0]  }
0x2: {  	s3 =	rddreg [dreg:$0x1]  }
0x3: {  	s1 =	rddreg [dreg:$0x2];
	s2 =	simm.s32 $0x0;
	s4 =	srdreg.scid  }
0x4: {  	s12 =	stileid.u32;
	s14 =	simm.s32 $0xD700;
	s15 =	simm.s32 $0x19  }
0x5: {  	s18 =	simm.s32 $0x80;
	s28 =	simm.s32 $0xF;
	s29 =	simm.s32 $0x10  }
0x6: {  	s30 =	simm.s32 $0x11;
	s31 =	simm.s32 $0x12;
	s17 =	simm.s32 $0x15  }
0x7: {  	[smem:$0x7FF] =	sst s2;
	s5 =	sand.u32 $0x1, s4;
	s4 =	sadd.s32 $0x15C00, s0  }
0x8: {  	s8 =	sadd.s32 $0xB400, s0;
	s10 =	sadd.s32 $0x1600, s0;
	s0 =	sadd.s32 $0x15200, s0  }
0x9: {  	s23 =	smul.u32 $0x2800, s12;
	_ =	strace $0x8000004A;
	s6 =	sshll.u32 s5, $0x4  }
0xa: {  	s7 =	ssub.s32 $0x2, s5;
	[dreg:$0x4] =	wrdreg s0;
	s5 =	smul.u32 $0x28000, s5  }
0xb: {  	s9 =	sor.u32 s12, s6;
	s19 =	sshrl.u32 s7, $0x1;
	s6 =	simm.s32 $0x4F  }
0xc: {  	s11 =	smul.u32 $0x4E, s9;
	s20 =	ssub.s32 s7, s19;
	s21 =	smin.u32 s9, $0x4  }
0xd: {  	p0 =	slt.u32 s9, $0x4;
	s7 =	sadd.s32 s23, s1;
	s5 =	sadd.s32 s23, s5  }
0xe: {  	s19 =	simm.s32 $0x16;
	s6 =	simm.s32 @!p0 $0x4E;
	s5 =	sshrl.u32 s5, $0x3  }
0xf: {  	s0 =	smax.u32 s20, $0x1;
	p0 =	sgt.u32 s9, $0x3;
	s22 =	sadd.s32 s21, s11  }
0x10: {  	s3 =	sadd.s32 s3, s5;
	[dreg:$0xa] =	wrdreg s0;
	s24 =	sshll.u32 s22, $0x4  }
0x11: {  	s20 =	simm.s32 $0x17;
	[dreg:$0x9] =	wrdreg s3;
	s13 =	sadd.s32 s8, s24  }
0x12: {  	s25 =	sadd.s32 s10, s24;
	s12 =	sadd.s32 $0x4E0, s24;
	[dreg:$0x5] =	wrdreg s13  }
0x13: {  	s0 =	simm.s32 $0x13;
	[dreg:$0x6] =	wrdreg s25;
	s8 =	sadd.s32 s8, s12  }
0x14: {  	s21 =	simm.s32 $0x18;
	s26 =	sadd.s32 s10, s12;
	[dreg:$0x7] =	wrdreg s8  }
0x15: {  	s3 =	simm.s32 $0x14;
	s22 =	simm.s32 $0x0;
	[dreg:$0x8] =	wrdreg s26  }
.LBB2_1:
0x16: {  	s5 =	rddreg [dreg:$0x4]  }
0x17: {  	[tilespmem:s14], [sflag:$0x19] =	stream.linear.gather [hbm4b:s5+s2], $0x2800, $0x38;
	[tilespmem:$0xFF00] =	vst v63  }
0x18: {  	_ =	swait.ge [sflag:s15], $0x2800  }
0x19: {  	[sflag:s15] =	ssyncset.done $0x0  }
0x1a: {  	[sflag:s15] =	ssyncadd.s32 $0xFFFFD800  }
0x1b: {  	[spmem:s7] =	stream.linear.scatter [tilespmem:s14], [sflag:$0x19], $0x2800, $0x38;
	[tilespmem:$0xFF00] =	vst v63  }
0x1c: {  	_ =	swait.ge [sflag:s15], $0x2800  }
0x1d: {  	[sflag:s15] =	ssyncset.done $0x0  }
0x1e: {  	s11 =	simm.s32 $0x2800;
	s16 =	rddreg [dreg:$0x5];
	[sflag:s15] =	ssyncadd.s32 $0xFFFFD800  }
0x1f: {  	[tilespmem:s11], [sflag:$0x19] =	stream.linear.gather [hbm4b:s16+s2], $0x2700, $0x38;
	[tilespmem:$0xFF00] =	vst v63  }
0x20: {  	_ =	swait.ge [sflag:s15], $0x2700  }
0x21: {  	[sflag:s15] =	ssyncset.done $0x0  }
0x22: {  	s8 =	simm.s32 $0x4F80;
	s23 =	rddreg [dreg:$0x6];
	[sflag:s15] =	ssyncadd.s32 $0xFFFFD900  }
0x23: {  	[tilespmem:s8], [sflag:$0x19] =	stream.linear.gather [hbm4b:s23+s2], $0x2700, $0x38;
	[tilespmem:$0xFF00] =	vst v63  }
0x24: {  	_ =	swait.ge [sflag:s15], $0x2700  }
0x25: {  	s5 =	simm.s32 @!p0 $0x0;
	[sflag:s15] =	ssyncset.done $0x0  }
0x26: {  	s8 =	simm.s32 @!p0 $0x4F00;
	s9 =	rddreg [dreg:$0x7];
	[sflag:s15] =	ssyncadd.s32 $0xFFFFD900  }
0x27: {  	[tilespmem:s8], [sflag:$0x19] =	stream.linear.gather @!p0 [hbm4b:s9+s5], $0x80, $0x38;
	[tilespmem:$0xFF00] =	vst v63  }
0x28: {  	s8 =	simm.s32 @!p0 $0x19  }
0x29: {  	_ =	swait.ge @!p0 [sflag:s8], $0x80  }
0x2a: {  	[sflag:s8] =	ssyncset.done @!p0 $0x0  }
0x2b: {  	s9 =	simm.s32 @!p0 $0x7680;
	s10 =	rddreg [dreg:$0x8];
	[sflag:s8] =	ssyncadd.s32 @!p0 $0xFFFFFF80  }
0x2c: {  	[tilespmem:s9], [sflag:$0x19] =	stream.linear.gather @!p0 [hbm4b:s10+s5], $0x80, $0x38;
	[tilespmem:$0xFF00] =	vst v63  }
0x2d: {  	_ =	swait.ge @!p0 [sflag:s8], $0x80  }
0x2e: {  	[sflag:s8] =	ssyncset.done @!p0 $0x0  }
0x2f: {  	[sflag:s8] =	ssyncadd.s32 @!p0 $0xFFFFFF80  }
0x30: {  	s24 =	simm.s32 $0x7700;
	[bflag:$0x0] =	sbarrier.arrive $0xFFFF  }
0x31: {  	[tilespmem:s24], [sflag:$0x1] =	stream.indirect.gather [hbm4b:s4+s18], $0x10, s11, s18, $0xb8;
	[tilespmem:$0xFF00] =	vst v63  }
0x32: {  	s25 =	simm.s32 $0x2880;
	s26 =	simm.s32 $0x7F00  }
0x33: {  	[tilespmem:s26], [sflag:$0x2] =	stream.indirect.gather [hbm4b:s4+s18], $0x10, s25, s18, $0xb8;
	[tilespmem:$0xFF00] =	vst v63  }
0x34: {  	p1 =	sle.u32 s6, $0xB;
	s9 =	simm.s32 $0x2900;
	s10 =	simm.s32 $0x8700  }
0x35: {  	[tilespmem:s10], [sflag:$0x3] =	stream.indirect.gather [hbm4b:s4+s18], $0x10, s9, s18, $0xb8;
	[tilespmem:$0xFF00] =	vst v63  }
0x36: {  	s12 =	simm.s32 $0x8F00;
	p2 =	por @!p1 $0x1, $0x1;
	s11 =	simm.s32 $0x2980  }
0x37: {  	[tilespmem:s12], [sflag:$0x4] =	stream.indirect.gather [hbm4b:s4+s18], $0x10, s11, s18, $0xb8;
	[tilespmem:$0xFF00] =	vst v63  }
0x38: {  	s13 =	simm.s32 $0x2A00;
	p3 =	por p2, p1;
	s16 =	simm.s32 $0x9700  }
0x39: {  	[tilespmem:s16], [sflag:$0x5] =	stream.indirect.gather [hbm4b:s4+s18], $0x10, s13, s18, $0xb8;
	[tilespmem:$0xFF00] =	vst v63  }
0x3a: {  	p2 =	sle.u32 s6, $0x0;
	s23 =	simm.s32 $0x2A80;
	s24 =	simm.s32 $0x9F00  }
0x3b: {  	[tilespmem:s24], [sflag:$0x6] =	stream.indirect.gather [hbm4b:s4+s18], $0x10, s23, s18, $0xb8;
	[tilespmem:$0xFF00] =	vst v63  }
0x3c: {  	s25 =	simm.s32 $0x2B00;
	s26 =	simm.s32 $0xA700;
	s23 =	smul.u32 $0xAB, s2  }
0x3d: {  	[tilespmem:s26], [sflag:$0x7] =	stream.indirect.gather [hbm4b:s4+s18], $0x10, s25, s18, $0xb8;
	[tilespmem:$0xFF00] =	vst v63  }
0x3e: {  	s9 =	simm.s32 $0x2B80;
	s10 =	simm.s32 $0xAF00;
	s26 =	sadd.s32 $0x759, s23  }
0x3f: {  	s11 =	simm.s32 $0x2C00;
	s12 =	simm.s32 $0xB700;
	s8 =	sshrl.u32 s26, $0xB  }
0x40: {  	[tilespmem:s10], [sflag:$0x8] =	stream.indirect.gather [hbm4b:s4+s18], $0x10, s9, s18, $0xb8;
	[tilespmem:$0xFF00] =	vst v63  }
0x41: {  	s13 =	simm.s32 $0x2C80;
	s5 =	sshrl.u32 s23, $0xB;
	s8 =	sand.u32 $0x1F, s8  }
0x42: {  	s16 =	simm.s32 $0xBF00;
	s5 =	sand.u32 $0x1F, s5;
	s8 =	smul.u32 $0xC, s8  }
0x43: {  	[tilespmem:s12], [sflag:$0x9] =	stream.indirect.gather [hbm4b:s4+s18], $0x10, s11, s18, $0xb8;
	[tilespmem:$0xFF00] =	vst v63  }
0x44: {  	s24 =	simm.s32 $0x2D00;
	s5 =	smul.u32 $0xC, s5;
	s8 =	ssub.s32 $0xB, s8  }
0x45: {  	[tilespmem:s16], [sflag:$0xA] =	stream.indirect.gather [hbm4b:s4+s18], $0x10, s13, s18, $0xb8;
	[tilespmem:$0xFF00] =	vst v63  }
0x46: {  	s25 =	simm.s32 $0xC700;
	s5 =	ssub.s32 $0x0, s5;
	s8 =	sand.u32 $0xFF, s8  }
0x47: {  	s23 =	simm.s32 $0x1;
	s10 =	sand.u32 $0xFF, s5;
	s5 =	sadd.s32 @!p3 $0xD, s8  }
0x48: {  	[tilespmem:s25], [sflag:$0xB] =	stream.indirect.gather [hbm4b:s4+s18], $0x10, s24, s18, $0xb8;
	[tilespmem:$0xFF00] =	vst v63  }
0x49: {  	s9 =	simm.s32 $0x2D80;
	s12 =	simm.s32 @!p1 $0x80;
	_ =	swait.ge @!p3 [sflag:s5], $0x800  }
0x4a: {  	s13 =	sadd.s32 @!p2 $0x1, s10;
	s11 =	sshll.u32 @!p1 s8, $0xB;
	[sflag:s5] =	ssyncset.done @!p3 $0x0  }
0x4b: {  	s8 =	sadd.s32 @!p1 $0x1, s8;
	[sflag:s5] =	ssyncadd.s32 @!p3 $0xFFFFF800;
	s5 =	sadd.s32 @!p1 $0x7700, s11  }
0x4c: {  	[tilespmem:s5], [sflag:s8] =	stream.indirect.gather @!p1 [hbm4b:s4+s12], $0x10, s9, s12, $0xb8;
	[tilespmem:$0xFF00] =	vst v63  }
0x4d: {  	s24 =	simm.s32 $0x5000;
	s11 =	simm.s32 @!p2 $0x80;
	s8 =	simm.s32 $0x2  }
0x4e: {  	s5 =	simm.s32 $0x2E00;
	s9 =	sshll.u32 @!p2 s10, $0xB;
	_ =	swait.ge @!p2 [sflag:s13], $0x800  }
0x4f: {  	s12 =	sadd.s32 @!p2 $0xD, s10;
	s10 =	smul.u32 $0xAB, s23;
	[sflag:s13] =	ssyncset.done @!p2 $0x0  }
0x50: {  	s16 =	sadd.s32 @!p2 $0x7700, s9;
	s9 =	simm.s32 $0x4F80;
	[sflag:s13] =	ssyncadd.s32 @!p2 $0xFFFFF800  }
.LBB2_2:
0x51: {  	[spmem:s1] =	stream.indirect.scatter.add.f32 @!p2 [tilespmem:s16], [sflag:s12], $0x10, s9, s11, $0xb8;
	[tilespmem:$0xFF00] =	vst v63  }
0x52: {  	s11 =	smov.u32 s23;
	s23 =	smov.u32 s8;
	s12 =	smov.u32 s5  }
0x53: {  	s8 =	sadd.s32 $0x1, s8;
	s9 =	sshrl.u32 s10, $0xB;
	s10 =	sadd.s32 $0x759, s10  }
0x54: {  	p1 =	sne.s32 s8, $0x4F;
	s9 =	sand.u32 $0x1F, s9;
	s10 =	sshrl.u32 s10, $0xB  }
0x55: {  	s13 =	smul.u32 $0xC, s9;
	s10 =	sand.u32 $0x1F, s10;
	s9 =	smov.u32 s24  }
0x56: {  	s16 =	sadd.s32 $0xB, s11;
	s10 =	smul.u32 $0xC, s10  }
0x57: {  	p3 =	sge.u32 s16, s6;
	s13 =	ssub.s32 s11, s13  }
0x58: {  	p2 =	seq.s32 @!p3 s11, $0x0;
	s13 =	sand.u32 $0xFF, s13;
	s10 =	ssub.s32 s16, s10  }
0x59: {  	p4 =	por p2, p3;
	s10 =	sand.u32 $0xFF, s10  }
0x5a: {  	s5 =	sadd.s32 $0x80, s5;
	s16 =	sadd.s32 @!p4 $0xD, s10;
	s25 =	sshll.u32 @!p3 s10, $0xB  }
0x5b: {  	p2 =	sge.u32 s11, s6;
	s11 =	simm.s32 @!p3 $0x80;
	_ =	swait.ge @!p4 [sflag:s16], $0x800  }
0x5c: {  	s26 =	sadd.s32 @!p2 $0x1, s13;
	s10 =	sadd.s32 @!p3 $0x1, s10;
	[sflag:s16] =	ssyncset.done @!p4 $0x0  }
.Ltmp0:
0x5d: {  	[sflag:s16] =	ssyncadd.s32 @!p4 $0xFFFFF800;
	s16 =	sadd.s32 @!p3 $0x7700, s25;
	(pc) =	sbr.rel @p1 .LBB2_2-.Ltmp0, $4  }
0x5e: {  	[tilespmem:s16], [sflag:s10] =	stream.indirect.gather @!p3 [hbm4b:s4+s11], $0x10, s12, s11, $0xb8;
	[tilespmem:$0xFF00] =	vst v63  }
0x5f: {  	s24 =	sadd.s32 $0x80, s24;
	s11 =	simm.s32 @!p2 $0x80;
	_ =	swait.ge @!p2 [sflag:s26], $0x800  }
0x60: {  	s16 =	sshll.u32 @!p2 s13, $0xB;
	s12 =	sadd.s32 @!p2 $0xD, s13;
	[sflag:s26] =	ssyncset.done @!p2 $0x0  }
0x61: {  	s10 =	smul.u32 $0xAB, s23;
	s16 =	sadd.s32 @!p2 $0x7700, s16;
	[sflag:s26] =	ssyncadd.s32 @!p2 $0xFFFFF800  }
0x62: {  	[spmem:s1] =	stream.indirect.scatter.add.f32 @!p2 [tilespmem:s16], [sflag:s12], $0x10, s9, s11, $0xb8;
	[tilespmem:$0xFF00] =	vst v63  }
0x63: {  	s8 =	sadd.s32 $0x759, s10  }
0x64: {  	s8 =	sshrl.u32 s8, $0xB  }
0x65: {  	s8 =	sand.u32 $0x1F, s8  }
0x66: {  	s12 =	sadd.s32 $0xB, s23;
	s8 =	smul.u32 $0xC, s8  }
0x67: {  	p1 =	sge.u32 s12, s6;
	s13 =	sshrl.u32 s10, $0xB  }
0x68: {  	p2 =	seq.s32 @!p1 s23, $0x0;
	s10 =	sand.u32 $0x1F, s13;
	s8 =	ssub.s32 s12, s8  }
0x69: {  	p2 =	por p2, p1;
	s10 =	smul.u32 $0xC, s10;
	s8 =	sand.u32 $0xFF, s8  }
0x6a: {  	s9 =	sadd.s32 @!p2 $0xD, s8  }
0x6b: {  	s16 =	ssub.s32 s23, s10;
	_ =	swait.ge @!p2 [sflag:s9], $0x800  }
0x6c: {  	s11 =	sshll.u32 @!p1 s8, $0xB;
	s8 =	sadd.s32 @!p1 $0x1, s8;
	[sflag:s9] =	ssyncset.done @!p2 $0x0  }
0x6d: {  	s11 =	sadd.s32 @!p1 $0x7700, s11;
	[sflag:s9] =	ssyncadd.s32 @!p2 $0xFFFFF800;
	s9 =	simm.s32 @!p1 $0x80  }
0x6e: {  	[tilespmem:s11], [sflag:s8] =	stream.indirect.gather @!p1 [hbm4b:s4+s9], $0x10, s5, s9, $0xb8;
	[tilespmem:$0xFF00] =	vst v63  }
0x6f: {  	s5 =	sand.u32 $0xFF, s16;
	p1 =	sge.u32 s23, s6  }
0x70: {  	s8 =	sadd.s32 @!p1 $0x1, s5  }
0x71: {  	s23 =	simm.s32 $0xD;
	_ =	swait.ge @!p1 [sflag:s8], $0x800  }
0x72: {  	s9 =	sshll.u32 @!p1 s5, $0xB;
	s5 =	sadd.s32 @!p1 $0xD, s5;
	[sflag:s8] =	ssyncset.done @!p1 $0x0  }
0x73: {  	s9 =	sadd.s32 @!p1 $0x7700, s9;
	[sflag:s8] =	ssyncadd.s32 @!p1 $0xFFFFF800;
	s8 =	simm.s32 @!p1 $0x80  }
0x74: {  	[spmem:s1] =	stream.indirect.scatter.add.f32 @!p1 [tilespmem:s9], [sflag:s5], $0x10, s24, s8, $0xb8;
	[tilespmem:$0xFF00] =	vst v63  }
0x75: {  	_ =	swait.ge [sflag:s23], $0x800  }
0x76: {  	[sflag:s23] =	ssyncset.done $0x0  }
0x77: {  	s24 =	simm.s32 $0xE;
	[sflag:s23] =	ssyncadd.s32 $0xFFFFF800  }
0x78: {  	_ =	swait.ge [sflag:s24], $0x800  }
0x79: {  	[sflag:s24] =	ssyncset.done $0x0  }
0x7a: {  	[sflag:s24] =	ssyncadd.s32 $0xFFFFF800  }
0x7b: {  	_ =	swait.ge [sflag:s28], $0x800  }
0x7c: {  	[sflag:s28] =	ssyncset.done $0x0  }
0x7d: {  	[sflag:s28] =	ssyncadd.s32 $0xFFFFF800  }
0x7e: {  	_ =	swait.ge [sflag:s29], $0x800  }
0x7f: {  	[sflag:s29] =	ssyncset.done $0x0  }
0x80: {  	[sflag:s29] =	ssyncadd.s32 $0xFFFFF800  }
0x81: {  	_ =	swait.ge [sflag:s30], $0x800  }
0x82: {  	[sflag:s30] =	ssyncset.done $0x0  }
0x83: {  	[sflag:s30] =	ssyncadd.s32 $0xFFFFF800  }
0x84: {  	_ =	swait.ge [sflag:s31], $0x800  }
0x85: {  	[sflag:s31] =	ssyncset.done $0x0  }
0x86: {  	[sflag:s31] =	ssyncadd.s32 $0xFFFFF800  }
0x87: {  	_ =	swait.ge [sflag:s0], $0x800  }
0x88: {  	[sflag:s0] =	ssyncset.done $0x0  }
0x89: {  	[sflag:s0] =	ssyncadd.s32 $0xFFFFF800  }
0x8a: {  	_ =	swait.ge [sflag:s3], $0x800  }
0x8b: {  	[sflag:s3] =	ssyncset.done $0x0  }
0x8c: {  	[sflag:s3] =	ssyncadd.s32 $0xFFFFF800  }
0x8d: {  	_ =	swait.ge [sflag:s17], $0x800  }
0x8e: {  	[sflag:s17] =	ssyncset.done $0x0  }
0x8f: {  	[sflag:s17] =	ssyncadd.s32 $0xFFFFF800  }
0x90: {  	_ =	swait.ge [sflag:s19], $0x800  }
0x91: {  	[sflag:s19] =	ssyncset.done $0x0  }
0x92: {  	[sflag:s19] =	ssyncadd.s32 $0xFFFFF800  }
0x93: {  	_ =	swait.ge [sflag:s20], $0x800  }
0x94: {  	[sflag:s20] =	ssyncset.done $0x0  }
0x95: {  	[sflag:s20] =	ssyncadd.s32 $0xFFFFF800  }
0x96: {  	_ =	swait.ge [sflag:s21], $0x800  }
0x97: {  	[sflag:s21] =	ssyncset.done $0x0  }
0x98: {  	[sflag:s21] =	ssyncadd.s32 $0xFFFFF800  }
0x99: {  	[bflag:$0x0] =	sbarrier.arrive $0xFFFF  }
0x9a: {  	[tilespmem:s14], [sflag:$0x19] =	stream.linear.gather [spmem:s7], $0x2800, $0x38;
	[tilespmem:$0xFF00] =	vst v63  }
0x9b: {  	_ =	swait.ge [sflag:s15], $0x2800  }
0x9c: {  	[sflag:s15] =	ssyncset.done $0x0  }
0x9d: {  	s25 =	rddreg [dreg:$0x9];
	[sflag:s15] =	ssyncadd.s32 $0xFFFFD800  }
0x9e: {  	[hbm4b:s25+s2] =	stream.linear.scatter [tilespmem:s14], [sflag:$0x19], $0x2800, $0x38;
	[tilespmem:$0xFF00] =	vst v63  }
0x9f: {  	_ =	swait.ge [sflag:s15], $0x2800  }
0xa0: {  	s22 =	sadd.s32 $0x1, s22;
	s26 =	rddreg [dreg:$0xa]  }
0xa1: {  	p1 =	sne.s32 s22, s26  }
.Ltmp1:
0xa2: {  	_ = 	snop;
	(pc) =	sbr.rel @p1 .LBB2_1-.Ltmp1, $3  }
0xa3: {  	_ =	sdelay $0x1  }
0xa4: {  	[sflag:s15] =	ssyncset.done $0x0  }
0xa5: {  	[sflag:s15] =	ssyncadd.s32 $0xFFFFD800  }
0xa6: {  	_ =	sfence.sel $0x180000  }
0xa7: {  	[bflag:$0x0] =	sbarrier.arrive $0xFFFF  }
0xa8: {  	_ =	strace $0x9000004A  }
0xa9: {  	s0 =	stileid.u32;
	[bflag:$0x2] =	sbarrier.arrive $0xFFFF  }
0xaa: {  	p0 =	sne.s32 s0, $0x0;
	s0 =	rddreg [dreg:$0x3]  }
0xab: {  	s0 =	sadd.s32 @!p0 $0x100000, s0  }
0xac: {  	[sflag:s0] =	ssyncadd.tile.s32 @!p0 $0x1;
	_ =	shalt  }
.Lfunc_end2:
_tile_overlayer_lowered:
.L_overlay_start_2:
0xad: {  	(tag) =	ssettag $0x2  }
0xae: {  	s0 =	rddreg [dreg:$0x0];
	s2 =	stileid.u32  }
0xaf: {  	s1 =	rddreg [dreg:$0x1];
	p0 =	sne.s32 s2, $0x0  }
0xb0: {  	s3 =	rddreg [dreg:$0x2];
	[bflag:$0x3] =	sbarrier.arrive $0xFFFF;
	s2 =	simm.s32 @!p0 $0x1C19  }
0xb1: {  	[timem:s3], [sflag:s2] =	dma.local @!p0 [hbm:s0], s1  }
0xb2: {  	s0 =	simm.s32 @!p0 $0x19  }
0xb3: {  	_ =	swait.ge @!p0 [sflag:s0], s1  }
0xb4: {  	s1 =	ssub.s32 @!p0 $0x0, s1;
	[sflag:s0] =	ssyncset.done @!p0 $0x0  }
0xb5: {  	[sflag:s0] =	ssyncadd.s32 @!p0 s1  }
0xb6: {  	[bflag:$0x3] =	sbarrier.arrive $0xFFFF  }
0xb7: {  	_ =	shalt  }

// kernel: kernel.7.cloned.1.call-start
scs
__scs_entry_jumppad:
0x0: {  	(pc) =	sbr.rel $0x88, $3  }
0x1: {  	(tag) =	ssettag $0x0;
	lr =	simm.s32 $0x1  }
0x2: {  	[smem:$0x3F99] =	sst lr;
	_ =	strace $0xD0000000  }
0x3: {  	_ = 	snop  }
0x4: {  	_ = 	snop  }
0x5: {  	_ = 	snop  }
0x6: {  	_ = 	snop  }
0x7: {  	_ = 	snop  }
__scs_overlays_trampoline_lowered:
0x8: {  	[smem:$0x3FA8] =	sst s0  }
0x9: {  	[smem:$0x3FA9] =	sst s1  }
0xa: {  	[smem:$0x3FAA] =	sst s2  }
0xb: {  	[smem:$0x3FAB] =	sst s3  }
0xc: {  	[smem:$0x3FAC] =	sst s4  }
0xd: {  	[smem:$0x3FAD] =	sst s5  }
0xe: {  	[smem:$0x3FAE] =	sst s6  }
0xf: {  	[smem:$0x3FAF] =	sst s7  }
0x10: {  	[smem:$0x3FB0] =	sst s8  }
0x11: {  	[smem:$0x3FB1] =	sst s9;
	s0 =	simm.s32 @!p0 $0x0  }
0x12: {  	s1 =	sld [smem:$0x3F97];
	s0 =	simm.s32 @p0 $0x1  }
0x13: {  	[smem:$0x3FB2] =	sst s0;
	s0 =	simm.s32 @!p1 $0x0  }
0x14: {  	s2 =	sld [smem:$0x3F96];
	s0 =	simm.s32 @p1 $0x1  }
0x15: {  	[smem:$0x3FB3] =	sst s0;
	s0 =	simm.s32 @!p2 $0x0  }
0x16: {  	s3 =	sld [smem:$0x3FDB];
	s0 =	simm.s32 @p2 $0x1  }
0x17: {  	s4 =	simm.s32 $0x1BF5;
	[smem:$0x3FB5] =	sst s0  }
0x18: {  	s0 =	sld [smem:$0x3F98];
	_ =	swait.ge [sflag:s4], $0x0  }
0x19: {  	s7 =	sld [smem:$0x3F99]  }
0x1a: {  	s8 =	sadd.s32 $0xFFFFE003, lr  }
0x1b: {  	s9 =	sadd.s32 $0xFFFFFEF7, lr;
	s5 =	simm.s32 $0xFFFFFFFF;
	p2 =	slt.u32 s8, $0xFFFFF086  }
0x1c: {  	p1 =	slt.u32 s9, $0xF7A;
	s5 =	simm.s32 @!p2 $0x0  }
0x1d: {  	s5 =	simm.s32 @p1 $0x1;
	p0 =	seq.s32 s7, s2  }
0x1e: {  	s7 =	smul.u32 @!p0 $0xF7A, s2;
	p2 =	seq.s32 @!p0 s5, $0x0  }
0x1f: {  	s9 =	smul.u32 $0xF7A, s1;
	s8 =	simm.s32 @!p0 $0x1BF5;
	p2 =	por !p2, p0  }
0x20: {  	[sflag:s8] =	ssyncset.s32 @!p0 $0xFFFFF086;
	s6 =	sadd.s32 @!p0 s3, s7;
	s7 =	simm.s32 @!p0 $0x108  }
0x21: {  	s3 =	sadd.s32 s3, s9;
	s6 =	sadd.s32 @!p0 $0x88, s6;
	s7 =	simm.s32 @p2 $0x1082  }
0x22: {  	[simem:s7], [sflag:s8] =	dma.local @!p0 [hbm:s6], $0xF7A  }
0x23: {  	s9 =	sor.u32 $0xD0000000, s2;
	s6 =	simm.s32 $0x108;
	_ =	swait.ge @!p0 [sflag:s8], $0x0  }
0x24: {  	s3 =	sadd.s32 $0x88, s3;
	s6 =	simm.s32 @!p1 $0x1082;
	[sflag:s4] =	ssyncset.s32 $0xFFFFF086  }
0x25: {  	[simem:s6], [sflag:s4] =	dma.local [hbm:s3], $0xF7A  }
0x26: {  	[smem:$0x3F99] =	sst s1;
	(tag) =	ssettag s2;
	_ =	strace s9  }
0x27: {  	s1 =	sld [smem:$0x3FA9]  }
0x28: {  	s2 =	sld [smem:$0x3FAA]  }
0x29: {  	s4 =	sld [smem:$0x3FAC]  }
0x2a: {  	p0 =	seq.s32 s5, $0x0;
	s5 =	sld [smem:$0x3FAD]  }
0x2b: {  	s6 =	sld [smem:$0x3FAE]  }
0x2c: {  	s7 =	sld [smem:$0x3FAF]  }
0x2d: {  	s3 =	simm.s32 $0x108;
	s8 =	sld [smem:$0x3FB0]  }
0x2e: {  	s3 =	simm.s32 @!p0 $0x1082;
	s9 =	sld [smem:$0x3FB1]  }
0x2f: {  	lr =	sadd.s32 s0, s3;
	s0 =	sld [smem:$0x3FA8]  }
0x30: {  	s3 =	sld [smem:$0x3FAB]  }
0x31: {  	[smem:$0x3FB4] =	sst s10  }
0x32: {  	s10 =	sld [smem:$0x3FB2];
	_ =	sdelay $0x3  }
0x33: {  	p0 =	seq.s32 s10, $0x1;
	s10 =	sld [smem:$0x3FB4];
	_ =	sdelay $0x3  }
0x34: {  	[smem:$0x3FB4] =	sst s10  }
0x35: {  	s10 =	sld [smem:$0x3FB3];
	_ =	sdelay $0x3  }
0x36: {  	p1 =	seq.s32 s10, $0x1;
	s10 =	sld [smem:$0x3FB4];
	_ =	sdelay $0x3  }
0x37: {  	[smem:$0x3FB4] =	sst s10  }
0x38: {  	s10 =	sld [smem:$0x3FB5]  }
0x39: {  	_ = 	snop;
	(pc) =	sbr.ind lr, $3  }
0x3a: {  	_ = 	snop  }
0x3b: {  	_ = 	snop  }
0x3c: {  	p2 =	seq.s32 s10, $0x1;
	s10 =	sld [smem:$0x3FB4]  }
0x3d: {  	_ =	shalt  }
0x3e: {  	_ =	shalt  }
0x3f: {  	_ =	shalt  }
0x40: {  	_ =	shalt  }
0x41: {  	_ =	shalt  }
0x42: {  	_ =	shalt  }
0x43: {  	_ =	shalt  }
0x44: {  	_ =	shalt  }
0x45: {  	_ =	shalt  }
0x46: {  	_ =	shalt  }
0x47: {  	_ =	shalt  }
0x48: {  	_ =	shalt  }
0x49: {  	_ =	shalt  }
0x4a: {  	_ =	shalt  }
0x4b: {  	_ =	shalt  }
0x4c: {  	_ =	shalt  }
0x4d: {  	_ =	shalt  }
0x4e: {  	_ =	shalt  }
0x4f: {  	_ =	shalt  }
0x50: {  	_ =	shalt  }
0x51: {  	_ =	shalt  }
0x52: {  	_ =	shalt  }
0x53: {  	_ =	shalt  }
0x54: {  	_ =	shalt  }
0x55: {  	_ =	shalt  }
0x56: {  	_ =	shalt  }
0x57: {  	_ =	shalt  }
0x58: {  	_ =	shalt  }
0x59: {  	_ =	shalt  }
0x5a: {  	_ =	shalt  }
0x5b: {  	_ =	shalt  }
0x5c: {  	_ =	shalt  }
0x5d: {  	_ =	shalt  }
0x5e: {  	_ =	shalt  }
0x5f: {  	_ =	shalt  }
0x60: {  	_ =	shalt  }
0x61: {  	_ =	shalt  }
0x62: {  	_ =	shalt  }
0x63: {  	_ =	shalt  }
0x64: {  	_ =	shalt  }
0x65: {  	_ =	shalt  }
0x66: {  	_ =	shalt  }
0x67: {  	_ =	shalt  }
0x68: {  	_ =	shalt  }
0x69: {  	_ =	shalt  }
0x6a: {  	_ =	shalt  }
0x6b: {  	_ =	shalt  }
0x6c: {  	_ =	shalt  }
0x6d: {  	_ =	shalt  }
0x6e: {  	_ =	shalt  }
0x6f: {  	_ =	shalt  }
0x70: {  	_ =	shalt  }
0x71: {  	_ =	shalt  }
0x72: {  	_ =	shalt  }
0x73: {  	_ =	shalt  }
0x74: {  	_ =	shalt  }
0x75: {  	_ =	shalt  }
0x76: {  	_ =	shalt  }
0x77: {  	_ =	shalt  }
0x78: {  	_ =	shalt  }
0x79: {  	_ =	shalt  }
0x7a: {  	_ =	shalt  }
0x7b: {  	_ =	shalt  }
0x7c: {  	_ =	shalt  }
0x7d: {  	_ =	shalt  }
0x7e: {  	_ =	shalt  }
0x7f: {  	_ =	shalt  }
0x80: {  	_ =	shalt  }
0x81: {  	_ =	shalt  }
0x82: {  	_ =	shalt  }
0x83: {  	_ =	shalt  }
0x84: {  	_ =	shalt  }
0x85: {  	_ =	shalt  }
0x86: {  	_ =	shalt  }
0x87: {  	_ =	shalt  }
.Lfunc_end0:
.L_simem_size_0:
called_computation_lowered:
.L_overlay_start_0:
0x88: {  	s2 =	sld [smem:$0x3FD9]  }
0x89: {  	s3 =	sld [smem:$0x3FFE];
	_ =	sdelay $0x1  }
0x8a: {  	s1 =	srdreg.scid  }
0x8b: {  	s0 =	sand.u32 $0x1, s1  }
0x8c: {  	s17 =	sshll.u32 s0, $0xA;
	s2 =	sadd.s32 s3, s2  }
0x8d: {  	s2 =	sadd.s32 s2, s17  }
0x8e: {  	[smem:$0x3FC0] =	sst s2  }
0x8f: {  	_ = 	snop  }
0x90: {  	s2 =	sld [smem:$0x3FD0];
	(tm) =	ssettm $0x1  }
0x91: {  	s18 =	sld [smem:$0x3FFB];
	_ =	sdelay $0x3  }
0x92: {  	_ =	strace s18  }
0x93: {  	s3 =	sld [smem:$0x3FFC];
	_ =	sdelay $0x3  }
0x94: {  	_ =	strace s3  }
0x95: {  	s3 =	sld [smem:$0x3FFD];
	_ =	sdelay $0x3  }
0x96: {  	_ =	strace s3  }
0x97: {  	_ =	strace $0x8FFFFFFF  }
0x98: {  	s19 =	sld [smem:$0x3FDB];
	_ =	sdelay $0x1  }
0x99: {  	s4 =	simm.s32 $_scs_section_size  }
0x9a: {  	s5 =	simm.s32 $_size__tile_overlayer_lowered;
	s6 =	simm.s32 $_tile_overlayer_lowered  }
0x9b: {  	s22 =	simm.s32 $0x1BFF;
	s21 =	sshll.u32 s6, $0x1;
	s3 =	sadd.s32 s4, s19  }
0x9c: {  	s7 =	simm.s32 $0x0;
	s20 =	sshll.u32 s5, $0x1;
	s5 =	sadd.s32 s21, s3  }
0x9d: {  	[timem:s7], [sflag:s22] =	dma.local [hbm:s5], s20  }
0x9e: {  	_ =	swait.ge [sflag:s22], s20  }
0x9f: {  	s4 =	ssub.s32 $0x0, s20;
	[sflag:s22] =	ssyncset.done $0x0  }
0xa0: {  	[sflag:s22] =	ssyncadd.s32 s4;
	_ =	sdelay $0x1  }
0xa1: {  	s23 =	simm.s32 $0x1B8B  }
0xa2: {  	_ =	swait.ge [sflag:s23], $0x1  }
0xa3: {  	[sflag:s23] =	ssyncset.done $0x0  }
0xa4: {  	s25 =	simm.s32 $0x1B8E;
	s24 =	sld [smem:$0x3FFE];
	[sflag:s23] =	ssyncadd.s32 $0xFFFFFFFF  }
0xa5: {  	s26 =	simm.s32 $execute0_lowered;
	[smem:$0x3FD2] =	sst s25  }
0xa6: {  	s5 =	sshll.u32 s26, $0x1;
	_ =	strace $0x80000046;
	[dreg:$0x1] =	wrdreg $0xFFFFFFFF  }
0xa7: {  	s28 =	simm.s32 $_size_execute0_lowered;
	s3 =	sadd.s32 s3, s5;
	[dreg:$0x0] =	wrdreg $0x0  }
0xa8: {  	s5 =	sshll.u32 s28, $0x1;
	[dreg:$0x2] =	wrdreg s3  }
0xa9: {  	[dreg:$0x3] =	wrdreg s5  }
0xaa: {  	[dreg:$0x4] =	wrdreg $0xC0  }
0xab: {  	_ =	task [dreg:s7], $0x5FFFF  }
0xac: {  	[dreg:$0x1] =	wrdreg $0xFFFFFFFF  }
0xad: {  	[dreg:$0x0] =	wrdreg $0x60  }
0xae: {  	[dreg:$0x2] =	wrdreg s2  }
0xaf: {  	[dreg:$0x3] =	wrdreg s24  }
0xb0: {  	[dreg:$0x4] =	wrdreg $0x0  }
0xb1: {  	[dreg:$0x5] =	wrdreg $0x28000  }
0xb2: {  	[dreg:$0x6] =	wrdreg $0x9  }
0xb3: {  	_ =	task.clear_ibuf [dreg:s7], $0x7FFFF;
	_ =	strace $0x90000046  }
0xb4: {  	s29 =	simm.s32 $0x9;
	_ =	strace $0x80000048  }
0xb5: {  	_ =	swait.ge [sflag:s29], $0x1  }
0xb6: {  	[sflag:s29] =	ssyncadd.s32 $0xFFFFFFFF  }
0xb7: {  	_ =	strace $0x90000048  }
0xb8: {  	_ =	sfence  }
0xb9: {  	s30 =	sld [smem:$0x0];
	_ =	sdelay $0x2  }
0xba: {  	s31 =	sshll.u32 s1, $0xD;
	s1 =	sshrl.u32 s1, $0x2  }
0xbb: {  	s3 =	sand.u32 $0x4000, s31;
	s1 =	sadd.s32 s1, s30  }
0xbc: {  	s0 =	sor.u32 s3, s0;
	s1 =	sshll.u32 s1, $0x11  }
0xbd: {  	s0 =	sor.u32 s1, s0  }
0xbe: {  	s0 =	sadd.s32 $0x8F2B, s0  }
0xbf: {  	[sflag:s0] =	ssyncadd.remote.s32 $0x1  }
0xc0: {  	_ =	sfence.sel $0xFFFF  }
0xc1: {  	[dreg:$0x0] =	wrdreg $0xFFFFFFFF;
	(pc) =	sbr.abs _section_cstart, $3  }
0xc2: {  	[dreg:$0x1] =	wrdreg $0xFFFFFFFF  }
0xc3: {  	_ =	task.clear_ibuf [dreg:s7], $0x2FFFF;
	_ =	strace $0x9FFFFFFF  }
0xc4: {  	(tm) =	ssettm $0x7FFFFFFF  }
0xc5: {  	_ =	shalt  }
tec
execute0_lowered:
.L_overlay_start_1:
0x0: {  	(tag) =	ssettag $0x1  }
0x1: {  	s1 =	rddreg [dreg:$0x0]  }
0x2: {  	s0 =	rddreg [dreg:$0x1]  }
0x3: {  	s2 =	rddreg [dreg:$0x2]  }
0x4: {  	s4 =	rddreg [dreg:$0x3]  }
0x5: {  	s5 =	simm.s32 $0x0;
	s3 =	srdreg.scid;
	s13 =	stileid.u32  }
0x6: {  	s19 =	simm.s32 $0xDA00;
	s20 =	simm.s32 $0x1A;
	s30 =	simm.s32 $0x13  }
0x7: {  	s31 =	simm.s32 $0x14;
	[smem:$0x7FF] =	sst s5;
	s3 =	sand.u32 $0x1, s3  }
0x8: {  	s6 =	smul.u32 $0x2800, s13;
	s8 =	sadd.s32 $0xB400, s0;
	s12 =	sadd.s32 $0x1600, s0  }
0x9: {  	s11 =	smul.u32 $0x280, s13;
	s9 =	sadd.s32 $0x15A00, s0;
	s10 =	sadd.s32 $0x15800, s0  }
0xa: {  	_ =	strace $0x80000047;
	s7 =	smul.u32 $0x28000, s3;
	[dreg:$0x5] =	wrdreg s9  }
0xb: {  	s22 =	sadd.s32 $0x15200, s0;
	s21 =	smul.u32 $0x2800, s3;
	[dreg:$0x6] =	wrdreg s10  }
0xc: {  	[dreg:$0x7] =	wrdreg s22;
	s23 =	sshll.u32 s3, $0x4;
	s3 =	ssub.s32 $0x2, s3  }
0xd: {  	s13 =	sor.u32 s13, s23;
	s24 =	sshrl.u32 s3, $0x1;
	s10 =	sadd.s32 s6, s2  }
0xe: {  	s7 =	sadd.s32 s6, s7;
	s9 =	sadd.s32 s11, s21;
	s14 =	smul.u32 $0x4E, s13  }
0xf: {  	p0 =	slt.u32 s13, $0x4;
	s15 =	smin.u32 s13, $0x4;
	s3 =	ssub.s32 s3, s24  }
0x10: {  	s11 =	sadd.s32 s11, s4;
	s21 =	simm.s32 $0x10200;
	s7 =	sshrl.u32 s7, $0x3  }
0x11: {  	s9 =	sshrl.u32 s9, $0x3;
	s29 =	smax.u32 s3, $0x1;
	s7 =	sadd.s32 s7, s0  }
0x12: {  	s0 =	sadd.s32 s9, s0;
	s9 =	simm.s32 $0x4F;
	s14 =	sadd.s32 s15, s14  }
0x13: {  	[dreg:$0xe] =	wrdreg s29;
	s9 =	simm.s32 @!p0 $0x4E;
	s25 =	sshll.u32 s14, $0x4  }
0x14: {  	s28 =	sadd.s32 $0x15C00, s7;
	s0 =	sadd.s32 $0x1FC00, s0;
	p0 =	sgt.u32 s13, $0x3  }
0x15: {  	s7 =	simm.s32 $0x16;
	s13 =	simm.s32 $0x19;
	[dreg:$0xc] =	wrdreg s28  }
0x16: {  	s14 =	sadd.s32 s8, s25;
	s26 =	sadd.s32 s12, s25;
	[dreg:$0xd] =	wrdreg s0  }
0x17: {  	s6 =	sadd.s32 $0x4E0, s25;
	s25 =	simm.s32 $0x80;
	[dreg:$0x8] =	wrdreg s14  }
0x18: {  	[dreg:$0x9] =	wrdreg s26;
	s8 =	sadd.s32 s8, s6;
	s6 =	sadd.s32 s12, s6  }
0x19: {  	s12 =	simm.s32 $0x18;
	s14 =	simm.s32 $0x0;
	[dreg:$0xa] =	wrdreg s8  }
0x1a: {  	[dreg:$0xb] =	wrdreg s6;
	s6 =	simm.s32 $0x15;
	s8 =	simm.s32 $0x17  }
.LBB2_1:
0x1b: {  	s0 =	rddreg [dreg:$0x7]  }
0x1c: {  	[tilespmem:s19], [sflag:$0x1A] =	stream.linear.gather [hbm4b:s0+s5], $0x2800, $0x38;
	[tilespmem:$0x10480] =	vst v63  }
0x1d: {  	_ =	swait.ge [sflag:s20], $0x2800  }
0x1e: {  	[sflag:s20] =	ssyncset.done $0x0  }
0x1f: {  	[sflag:s20] =	ssyncadd.s32 $0xFFFFD800  }
0x20: {  	[spmem:s10] =	stream.linear.scatter [tilespmem:s19], [sflag:$0x1A], $0x2800, $0x38;
	[tilespmem:$0x10480] =	vst v63  }
0x21: {  	_ =	swait.ge [sflag:s20], $0x2800  }
0x22: {  	[sflag:s20] =	ssyncset.done $0x0  }
0x23: {  	s17 =	rddreg [dreg:$0x6];
	[sflag:s20] =	ssyncadd.s32 $0xFFFFD800  }
0x24: {  	[tilespmem:s21], [sflag:$0x1A] =	stream.linear.gather [hbm4b:s17+s5], $0x280, $0x38;
	[tilespmem:$0x10480] =	vst v63  }
0x25: {  	_ =	swait.ge [sflag:s20], $0x280  }
0x26: {  	[sflag:s20] =	ssyncset.done $0x0  }
0x27: {  	[sflag:s20] =	ssyncadd.s32 $0xFFFFFD80  }
0x28: {  	[spmem:s11] =	stream.linear.scatter [tilespmem:s21], [sflag:$0x1A], $0x280, $0x38;
	[tilespmem:$0x10480] =	vst v63  }
0x29: {  	_ =	swait.ge [sflag:s20], $0x280  }
0x2a: {  	[sflag:s20] =	ssyncset.done $0x0  }
0x2b: {  	s3 =	simm.s32 $0xD980;
	s18 =	rddreg [dreg:$0x5];
	[sflag:s20] =	ssyncadd.s32 $0xFFFFFD80  }
0x2c: {  	[tilespmem:s3], [sflag:$0x1A] =	stream.linear.gather [hbm4b:s18+s5], $0x80, $0x38;
	[tilespmem:$0x10480] =	vst v63  }
0x2d: {  	_ =	swait.ge [sflag:s20], $0x80  }
0x2e: {  	[sflag:s20] =	ssyncset.done $0x0  }
0x2f: {  	s17 =	simm.s32 $0x2A80;
	s22 =	rddreg [dreg:$0x8];
	[sflag:s20] =	ssyncadd.s32 $0xFFFFFF80  }
0x30: {  	[tilespmem:s17], [sflag:$0x1A] =	stream.linear.gather [hbm4b:s22+s5], $0x2700, $0x38;
	[tilespmem:$0x10480] =	vst v63  }
0x31: {  	_ =	swait.ge [sflag:s20], $0x2700  }
0x32: {  	[sflag:s20] =	ssyncset.done $0x0  }
0x33: {  	s26 =	simm.s32 $0x5200;
	s23 =	rddreg [dreg:$0x9];
	[sflag:s20] =	ssyncadd.s32 $0xFFFFD900  }
0x34: {  	[tilespmem:s26], [sflag:$0x1A] =	stream.linear.gather [hbm4b:s23+s5], $0x2700, $0x38;
	[tilespmem:$0x10480] =	vst v63  }
0x35: {  	_ =	swait.ge [sflag:s20], $0x2700  }
0x36: {  	s0 =	simm.s32 @!p0 $0x0;
	[sflag:s20] =	ssyncset.done $0x0  }
0x37: {  	s3 =	simm.s32 @!p0 $0x5180;
	s15 =	rddreg [dreg:$0xa];
	[sflag:s20] =	ssyncadd.s32 $0xFFFFD900  }
0x38: {  	[tilespmem:s3], [sflag:$0x1A] =	stream.linear.gather @!p0 [hbm4b:s15+s0], $0x80, $0x38;
	[tilespmem:$0x10480] =	vst v63  }
0x39: {  	s3 =	simm.s32 @!p0 $0x1A  }
0x3a: {  	_ =	swait.ge @!p0 [sflag:s3], $0x80  }
0x3b: {  	[sflag:s3] =	ssyncset.done @!p0 $0x0  }
0x3c: {  	s15 =	simm.s32 @!p0 $0x7900;
	s16 =	rddreg [dreg:$0xb];
	[sflag:s3] =	ssyncadd.s32 @!p0 $0xFFFFFF80  }
0x3d: {  	[tilespmem:s15], [sflag:$0x1A] =	stream.linear.gather @!p0 [hbm4b:s16+s0], $0x80, $0x38;
	[tilespmem:$0x10480] =	vst v63  }
0x3e: {  	_ =	swait.ge @!p0 [sflag:s3], $0x80  }
0x3f: {  	[sflag:s3] =	ssyncset.done @!p0 $0x0  }
0x40: {  	[sflag:s3] =	ssyncadd.s32 @!p0 $0xFFFFFF80  }
0x41: {  	s24 =	simm.s32 $0x7980;
	[bflag:$0x0] =	sbarrier.arrive $0xFFFF  }
0x42: {  	[tilespmem:s24], [sflag:$0x1] =	stream.indirect.gather [hbm4b:s1+s25], $0x10, s17, s25, $0xb8;
	[tilespmem:$0x10480] =	vst v63  }
0x43: {  	s28 =	simm.s32 $0x2B00;
	s29 =	simm.s32 $0x8180;
	p2 =	sle.u32 s9, $0xB  }
0x44: {  	[tilespmem:s29], [sflag:$0x2] =	stream.indirect.gather [hbm4b:s1+s25], $0x10, s28, s25, $0xb8;
	[tilespmem:$0x10480] =	vst v63  }
0x45: {  	p1 =	por @!p2 $0x1, $0x1;
	s15 =	simm.s32 $0x8980;
	s3 =	simm.s32 $0x2B80  }
0x46: {  	[tilespmem:s15], [sflag:$0x3] =	stream.indirect.gather [hbm4b:s1+s25], $0x10, s3, s25, $0xb8;
	[tilespmem:$0x10480] =	vst v63  }
0x47: {  	p3 =	por p1, p2;
	s16 =	simm.s32 $0x2C00;
	s17 =	simm.s32 $0x9180  }
0x48: {  	[tilespmem:s17], [sflag:$0x4] =	stream.indirect.gather [hbm4b:s1+s25], $0x10, s16, s25, $0xb8;
	[tilespmem:$0x10480] =	vst v63  }
0x49: {  	p1 =	sle.u32 s9, $0x0;
	s18 =	simm.s32 $0x2C80;
	s22 =	simm.s32 $0x9980  }
0x4a: {  	[tilespmem:s22], [sflag:$0x5] =	stream.indirect.gather [hbm4b:s1+s25], $0x10, s18, s25, $0xb8;
	[tilespmem:$0x10480] =	vst v63  }
0x4b: {  	s23 =	simm.s32 $0x2D00;
	s24 =	simm.s32 $0xA180;
	s28 =	simm.s32 $0x2D80  }
0x4c: {  	[tilespmem:s24], [sflag:$0x6] =	stream.indirect.gather [hbm4b:s1+s25], $0x10, s23, s25, $0xb8;
	[tilespmem:$0x10480] =	vst v63  }
0x4d: {  	s29 =	simm.s32 $0xA980;
	s3 =	simm.s32 $0x2E00;
	s23 =	smul.u32 $0xAB, s5  }
0x4e: {  	[tilespmem:s29], [sflag:$0x7] =	stream.indirect.gather [hbm4b:s1+s25], $0x10, s28, s25, $0xb8;
	[tilespmem:$0x10480] =	vst v63  }
0x4f: {  	s15 =	simm.s32 $0xB180;
	s29 =	sadd.s32 $0x759, s23;
	s0 =	sshrl.u32 s23, $0xB  }
0x50: {  	[tilespmem:s15], [sflag:$0x8] =	stream.indirect.gather [hbm4b:s1+s25], $0x10, s3, s25, $0xb8;
	[tilespmem:$0x10480] =	vst v63  }
0x51: {  	s16 =	simm.s32 $0x2E80;
	s0 =	sand.u32 $0x1F, s0;
	s3 =	sshrl.u32 s29, $0xB  }
0x52: {  	s17 =	simm.s32 $0xB980;
	s0 =	smul.u32 $0xC, s0;
	s3 =	sand.u32 $0x1F, s3  }
0x53: {  	[tilespmem:s17], [sflag:$0x9] =	stream.indirect.gather [hbm4b:s1+s25], $0x10, s16, s25, $0xb8;
	[tilespmem:$0x10480] =	vst v63  }
0x54: {  	s18 =	simm.s32 $0x2F00;
	s22 =	simm.s32 $0xC180;
	s3 =	smul.u32 $0xC, s3  }
0x55: {  	[tilespmem:s22], [sflag:$0xA] =	stream.indirect.gather [hbm4b:s1+s25], $0x10, s18, s25, $0xb8;
	[tilespmem:$0x10480] =	vst v63  }
0x56: {  	s24 =	simm.s32 $0x2F80;
	s28 =	simm.s32 $0xC980;
	s3 =	ssub.s32 $0xB, s3  }
0x57: {  	s23 =	simm.s32 @!p2 $0x80;
	s0 =	ssub.s32 $0x0, s0;
	s3 =	sand.u32 $0xFF, s3  }
0x58: {  	[tilespmem:s28], [sflag:$0xB] =	stream.indirect.gather [hbm4b:s1+s25], $0x10, s24, s25, $0xb8;
	[tilespmem:$0x10480] =	vst v63  }
0x59: {  	s15 =	simm.s32 $0x3000;
	s0 =	sand.u32 $0xFF, s0;
	s16 =	sadd.s32 @!p3 $0xD, s3  }
0x5a: {  	s17 =	sshll.u32 @!p1 s0, $0xB;
	s22 =	sadd.s32 @!p1 $0x1, s0;
	_ =	swait.ge @!p3 [sflag:s16], $0x800  }
0x5b: {  	s0 =	sadd.s32 @!p1 $0xD, s0;
	s18 =	sshll.u32 @!p2 s3, $0xB;
	[sflag:s16] =	ssyncset.done @!p3 $0x0  }
0x5c: {  	s3 =	sadd.s32 @!p2 $0x1, s3;
	[sflag:s16] =	ssyncadd.s32 @!p3 $0xFFFFF800;
	s16 =	sadd.s32 @!p2 $0x7980, s18  }
0x5d: {  	[tilespmem:s16], [sflag:s3] =	stream.indirect.gather @!p2 [hbm4b:s1+s23], $0x10, s15, s23, $0xb8;
	[tilespmem:$0x10480] =	vst v63  }
0x5e: {  	s24 =	simm.s32 @!p1 $0x80;
	p2 =	por @!p1 $0x1, $0x1;
	_ =	swait.ge @!p1 [sflag:s22], $0x800  }
0x5f: {  	s18 =	simm.s32 $0x2;
	p2 =	por p2, p1;
	[sflag:s22] =	ssyncset.done @!p1 $0x0  }
0x60: {  	s3 =	sadd.s32 @!p1 $0x7980, s17;
	[sflag:s22] =	ssyncadd.s32 @!p1 $0xFFFFF800;
	s22 =	simm.s32 @!p2 $0x19  }
0x61: {  	[spmem:s2] =	stream.indirect.scatter.add.f32 @!p1 [tilespmem:s3], [sflag:s0], $0x10, s26, s24, $0xb8;
	[tilespmem:$0x10480] =	vst v63  }
0x62: {  	s16 =	simm.s32 $0x1;
	s15 =	simm.s32 $0x5280;
	_ =	swait.ge @!p2 [sflag:s22], $0x80  }
0x63: {  	s17 =	simm.s32 $0x3080;
	s23 =	simm.s32 $0x5200;
	[sflag:s22] =	ssyncset.done @!p2 $0x0  }
0x64: {  	s0 =	smul.u32 $0xAB, s16;
	s3 =	simm.s32 @!p1 $0xD980;
	[sflag:s22] =	ssyncadd.s32 @!p2 $0xFFFFFF80  }
.LBB2_2:
0x65: {  	[spmem:s4] =	stream.indirect.scatter.add.f32 @!p1 [tilespmem:s3], [sflag:$0x19], $0x1, s23, s24, $0xb8;
	[tilespmem:$0x10480] =	vst v63  }
0x66: {  	s3 =	smov.u32 s18;
	s23 =	smov.u32 s15  }
0x67: {  	s18 =	sadd.s32 $0x1, s18;
	s22 =	sshrl.u32 s0, $0xB;
	s0 =	sadd.s32 $0x759, s0  }
0x68: {  	p2 =	sne.s32 s18, $0x4F;
	s22 =	sand.u32 $0x1F, s22;
	s0 =	sshrl.u32 s0, $0xB  }
0x69: {  	s22 =	smul.u32 $0xC, s22;
	s0 =	sand.u32 $0x1F, s0  }
0x6a: {  	s24 =	sadd.s32 $0xB, s16;
	s0 =	smul.u32 $0xC, s0  }
0x6b: {  	p1 =	sge.u32 s16, s9;
	p3 =	sge.u32 s24, s9;
	s22 =	ssub.s32 s16, s22  }
0x6c: {  	p4 =	seq.s32 @!p3 s16, $0x0;
	s22 =	sand.u32 $0xFF, s22;
	s0 =	ssub.s32 s24, s0  }
0x6d: {  	p5 =	por p4, p3;
	s0 =	sand.u32 $0xFF, s0;
	s26 =	sshll.u32 @!p1 s22, $0xB  }
0x6e: {  	p4 =	slt.u32 @!p1 s16, $0x4;
	s24 =	sadd.s32 @!p5 $0xD, s0;
	s28 =	sshll.u32 @!p3 s0, $0xB  }
0x6f: {  	s16 =	smov.u32 s3;
	s29 =	sadd.s32 @!p1 $0xD, s22;
	_ =	swait.ge @!p5 [sflag:s24], $0x800  }
0x70: {  	s3 =	simm.s32 @!p3 $0x80;
	s22 =	sadd.s32 @!p1 $0x1, s22;
	[sflag:s24] =	ssyncset.done @!p5 $0x0  }
0x71: {  	s0 =	sadd.s32 @!p3 $0x1, s0;
	[sflag:s24] =	ssyncadd.s32 @!p5 $0xFFFFF800;
	s24 =	sadd.s32 @!p3 $0x7980, s28  }
0x72: {  	[tilespmem:s24], [sflag:s0] =	stream.indirect.gather @!p3 [hbm4b:s1+s3], $0x10, s17, s3, $0xb8;
	[tilespmem:$0x10480] =	vst v63  }
0x73: {  	s24 =	simm.s32 @!p1 $0x80;
	_ =	swait.ge @!p1 [sflag:s22], $0x800  }
0x74: {  	p3 =	por p4, p1;
	s0 =	sadd.s32 @!p1 $0x7980, s26;
	[sflag:s22] =	ssyncset.done @!p1 $0x0  }
.Ltmp0:
0x75: {  	s3 =	simm.s32 @!p3 $0x19;
	[sflag:s22] =	ssyncadd.s32 @!p1 $0xFFFFF800;
	(pc) =	sbr.rel @p2 .LBB2_2-.Ltmp0, $4  }
0x76: {  	[spmem:s2] =	stream.indirect.scatter.add.f32 @!p1 [tilespmem:s0], [sflag:s29], $0x10, s15, s24, $0xb8;
	[tilespmem:$0x10480] =	vst v63  }
0x77: {  	_ =	swait.ge @!p3 [sflag:s3], $0x80  }
0x78: {  	s17 =	sadd.s32 $0x80, s17;
	s15 =	sadd.s32 $0x80, s15;
	[sflag:s3] =	ssyncset.done @!p3 $0x0  }
0x79: {  	s0 =	smul.u32 $0xAB, s16;
	[sflag:s3] =	ssyncadd.s32 @!p3 $0xFFFFFF80;
	s3 =	simm.s32 @!p1 $0xD980  }
0x7a: {  	[spmem:s4] =	stream.indirect.scatter.add.f32 @!p1 [tilespmem:s3], [sflag:$0x19], $0x1, s23, s24, $0xb8;
	[tilespmem:$0x10480] =	vst v63  }
0x7b: {  	s28 =	sadd.s32 $0x759, s0  }
0x7c: {  	s3 =	sshrl.u32 s28, $0xB  }
0x7d: {  	s3 =	sand.u32 $0x1F, s3  }
0x7e: {  	s18 =	sadd.s32 $0xB, s16;
	s3 =	smul.u32 $0xC, s3  }
0x7f: {  	p1 =	sge.u32 s18, s9;
	s29 =	sshrl.u32 s0, $0xB  }
0x80: {  	p2 =	seq.s32 @!p1 s16, $0x0;
	s0 =	sand.u32 $0x1F, s29;
	s3 =	ssub.s32 s18, s3  }
0x81: {  	p2 =	por p2, p1;
	s0 =	smul.u32 $0xC, s0;
	s3 =	sand.u32 $0xFF, s3  }
0x82: {  	s18 =	sadd.s32 @!p2 $0xD, s3  }
0x83: {  	s0 =	ssub.s32 s16, s0;
	_ =	swait.ge @!p2 [sflag:s18], $0x800  }
0x84: {  	s22 =	sshll.u32 @!p1 s3, $0xB;
	s3 =	sadd.s32 @!p1 $0x1, s3;
	[sflag:s18] =	ssyncset.done @!p2 $0x0  }
0x85: {  	s22 =	sadd.s32 @!p1 $0x7980, s22;
	[sflag:s18] =	ssyncadd.s32 @!p2 $0xFFFFF800;
	s18 =	simm.s32 @!p1 $0x80  }
0x86: {  	[tilespmem:s22], [sflag:s3] =	stream.indirect.gather @!p1 [hbm4b:s1+s18], $0x10, s17, s18, $0xb8;
	[tilespmem:$0x10480] =	vst v63  }
0x87: {  	s0 =	sand.u32 $0xFF, s0;
	p1 =	sge.u32 s16, s9  }
0x88: {  	s3 =	sadd.s32 @!p1 $0x1, s0  }
0x89: {  	s17 =	sshll.u32 @!p1 s0, $0xB;
	s0 =	sadd.s32 @!p1 $0xD, s0;
	_ =	swait.ge @!p1 [sflag:s3], $0x800  }
0x8a: {  	p2 =	slt.u32 @!p1 s16, $0x4;
	s17 =	sadd.s32 @!p1 $0x7980, s17;
	[sflag:s3] =	ssyncset.done @!p1 $0x0  }
0x8b: {  	p2 =	por p2, p1;
	[sflag:s3] =	ssyncadd.s32 @!p1 $0xFFFFF800;
	s3 =	simm.s32 @!p1 $0x80  }
0x8c: {  	[spmem:s2] =	stream.indirect.scatter.add.f32 @!p1 [tilespmem:s17], [sflag:s0], $0x10, s15, s3, $0xb8;
	[tilespmem:$0x10480] =	vst v63  }
0x8d: {  	s0 =	simm.s32 @!p2 $0x19  }
0x8e: {  	_ =	swait.ge @!p2 [sflag:s0], $0x80  }
0x8f: {  	[sflag:s0] =	ssyncset.done @!p2 $0x0  }
0x90: {  	s16 =	simm.s32 $0xD;
	[sflag:s0] =	ssyncadd.s32 @!p2 $0xFFFFFF80;
	s0 =	simm.s32 @!p1 $0xD980  }
0x91: {  	[spmem:s4] =	stream.indirect.scatter.add.f32 @!p1 [tilespmem:s0], [sflag:$0x19], $0x1, s15, s3, $0xb8;
	[tilespmem:$0x10480] =	vst v63  }
0x92: {  	_ =	swait.ge [sflag:s16], $0x800  }
0x93: {  	[sflag:s16] =	ssyncset.done $0x0  }
0x94: {  	s17 =	simm.s32 $0xE;
	[sflag:s16] =	ssyncadd.s32 $0xFFFFF800  }
0x95: {  	_ =	swait.ge [sflag:s17], $0x800  }
0x96: {  	[sflag:s17] =	ssyncset.done $0x0  }
0x97: {  	s18 =	simm.s32 $0xF;
	[sflag:s17] =	ssyncadd.s32 $0xFFFFF800  }
0x98: {  	_ =	swait.ge [sflag:s18], $0x800  }
0x99: {  	[sflag:s18] =	ssyncset.done $0x0  }
0x9a: {  	s22 =	simm.s32 $0x10;
	[sflag:s18] =	ssyncadd.s32 $0xFFFFF800  }
0x9b: {  	_ =	swait.ge [sflag:s22], $0x800  }
0x9c: {  	[sflag:s22] =	ssyncset.done $0x0  }
0x9d: {  	s23 =	simm.s32 $0x11;
	[sflag:s22] =	ssyncadd.s32 $0xFFFFF800  }
0x9e: {  	_ =	swait.ge [sflag:s23], $0x800  }
0x9f: {  	[sflag:s23] =	ssyncset.done $0x0  }
0xa0: {  	s24 =	simm.s32 $0x12;
	[sflag:s23] =	ssyncadd.s32 $0xFFFFF800  }
0xa1: {  	_ =	swait.ge [sflag:s24], $0x800  }
0xa2: {  	[sflag:s24] =	ssyncset.done $0x0  }
0xa3: {  	[sflag:s24] =	ssyncadd.s32 $0xFFFFF800  }
0xa4: {  	_ =	swait.ge [sflag:s30], $0x800  }
0xa5: {  	[sflag:s30] =	ssyncset.done $0x0  }
0xa6: {  	[sflag:s30] =	ssyncadd.s32 $0xFFFFF800  }
0xa7: {  	_ =	swait.ge [sflag:s31], $0x800  }
0xa8: {  	[sflag:s31] =	ssyncset.done $0x0  }
0xa9: {  	[sflag:s31] =	ssyncadd.s32 $0xFFFFF800  }
0xaa: {  	_ =	swait.ge [sflag:s6], $0x800  }
0xab: {  	[sflag:s6] =	ssyncset.done $0x0  }
0xac: {  	[sflag:s6] =	ssyncadd.s32 $0xFFFFF800  }
0xad: {  	_ =	swait.ge [sflag:s7], $0x800  }
0xae: {  	[sflag:s7] =	ssyncset.done $0x0  }
0xaf: {  	[sflag:s7] =	ssyncadd.s32 $0xFFFFF800  }
0xb0: {  	_ =	swait.ge [sflag:s8], $0x800  }
0xb1: {  	[sflag:s8] =	ssyncset.done $0x0  }
0xb2: {  	[sflag:s8] =	ssyncadd.s32 $0xFFFFF800  }
0xb3: {  	_ =	swait.ge [sflag:s12], $0x800  }
0xb4: {  	[sflag:s12] =	ssyncset.done $0x0  }
0xb5: {  	[sflag:s12] =	ssyncadd.s32 $0xFFFFF800  }
0xb6: {  	_ =	swait.ge [sflag:s13], $0x80  }
0xb7: {  	[sflag:s13] =	ssyncset.done $0x0  }
0xb8: {  	[sflag:s13] =	ssyncadd.s32 $0xFFFFFF80  }
0xb9: {  	_ =	swait.ge [sflag:s13], $0x80  }
0xba: {  	[sflag:s13] =	ssyncset.done $0x0  }
0xbb: {  	[sflag:s13] =	ssyncadd.s32 $0xFFFFFF80  }
0xbc: {  	_ =	swait.ge [sflag:s13], $0x80  }
0xbd: {  	[sflag:s13] =	ssyncset.done $0x0  }
0xbe: {  	[sflag:s13] =	ssyncadd.s32 $0xFFFFFF80  }
0xbf: {  	_ =	swait.ge [sflag:s13], $0x80  }
0xc0: {  	[sflag:s13] =	ssyncset.done $0x0  }
0xc1: {  	[sflag:s13] =	ssyncadd.s32 $0xFFFFFF80  }
0xc2: {  	[bflag:$0x0] =	sbarrier.arrive $0xFFFF  }
0xc3: {  	[tilespmem:s19], [sflag:$0x1A] =	stream.linear.gather [spmem:s10], $0x2800, $0x38;
	[tilespmem:$0x10480] =	vst v63  }
0xc4: {  	_ =	swait.ge [sflag:s20], $0x2800  }
0xc5: {  	[sflag:s20] =	ssyncset.done $0x0  }
0xc6: {  	s26 =	rddreg [dreg:$0xc];
	[sflag:s20] =	ssyncadd.s32 $0xFFFFD800  }
0xc7: {  	[hbm4b:s26+s5] =	stream.linear.scatter [tilespmem:s19], [sflag:$0x1A], $0x2800, $0x38;
	[tilespmem:$0x10480] =	vst v63  }
0xc8: {  	_ =	swait.ge [sflag:s20], $0x2800  }
0xc9: {  	[sflag:s20] =	ssyncset.done $0x0  }
0xca: {  	[sflag:s20] =	ssyncadd.s32 $0xFFFFD800  }
0xcb: {  	[tilespmem:s21], [sflag:$0x1A] =	stream.linear.gather [spmem:s11], $0x280, $0x38;
	[tilespmem:$0x10480] =	vst v63  }
0xcc: {  	_ =	swait.ge [sflag:s20], $0x280  }
0xcd: {  	[sflag:s20] =	ssyncset.done $0x0  }
0xce: {  	s28 =	rddreg [dreg:$0xd];
	[sflag:s20] =	ssyncadd.s32 $0xFFFFFD80  }
0xcf: {  	[hbm4b:s28+s5] =	stream.linear.scatter [tilespmem:s21], [sflag:$0x1A], $0x280, $0x38;
	[tilespmem:$0x10480] =	vst v63  }
0xd0: {  	_ =	swait.ge [sflag:s20], $0x280  }
0xd1: {  	s14 =	sadd.s32 $0x1, s14;
	s29 =	rddreg [dreg:$0xe]  }
0xd2: {  	p1 =	sne.s32 s14, s29  }
.Ltmp1:
0xd3: {  	_ = 	snop;
	(pc) =	sbr.rel @p1 .LBB2_1-.Ltmp1, $3  }
0xd4: {  	_ =	sdelay $0x1  }
0xd5: {  	[sflag:s20] =	ssyncset.done $0x0  }
0xd6: {  	[sflag:s20] =	ssyncadd.s32 $0xFFFFFD80  }
0xd7: {  	_ =	sfence.sel $0x180000  }
0xd8: {  	[bflag:$0x0] =	sbarrier.arrive $0xFFFF  }
0xd9: {  	_ =	strace $0x90000047  }
0xda: {  	s0 =	stileid.u32;
	[bflag:$0x2] =	sbarrier.arrive $0xFFFF  }
0xdb: {  	p0 =	sne.s32 s0, $0x0;
	s0 =	rddreg [dreg:$0x4]  }
0xdc: {  	s0 =	sadd.s32 @!p0 $0x100000, s0  }
0xdd: {  	[sflag:s0] =	ssyncadd.tile.s32 @!p0 $0x1;
	_ =	shalt  }
.Lfunc_end2:
_tile_overlayer_lowered:
.L_overlay_start_2:
0xde: {  	(tag) =	ssettag $0x2  }
0xdf: {  	s0 =	rddreg [dreg:$0x0];
	s2 =	stileid.u32  }
0xe0: {  	s1 =	rddreg [dreg:$0x1];
	p0 =	sne.s32 s2, $0x0  }
0xe1: {  	s3 =	rddreg [dreg:$0x2];
	[bflag:$0x3] =	sbarrier.arrive $0xFFFF;
	s2 =	simm.s32 @!p0 $0x1C1A  }
0xe2: {  	[timem:s3], [sflag:s2] =	dma.local @!p0 [hbm:s0], s1  }
0xe3: {  	s0 =	simm.s32 @!p0 $0x1A  }
0xe4: {  	_ =	swait.ge @!p0 [sflag:s0], s1  }
0xe5: {  	s1 =	ssub.s32 @!p0 $0x0, s1;
	[sflag:s0] =	ssyncset.done @!p0 $0x0  }
0xe6: {  	[sflag:s0] =	ssyncadd.s32 @!p0 s1  }
0xe7: {  	[bflag:$0x3] =	sbarrier.arrive $0xFFFF  }
0xe8: {  	_ =	shalt  }

</sc_bundles>
